<compile_context>
chip_gen: v7x
topology: tpu7x:2x2x1
jax: 0.10.2.dev20260603
libtpu: 0.0.44.dev20260713+nightly
codegen_flags: <defaults>
</compile_context>

<pallas_src>
import functools

import jax
import jax.numpy as jnp
from jax import lax
from jax.experimental import pallas as pl
from jax.experimental.pallas import tpu as pltpu
from jax.experimental.pallas import tpu_sc as plsc

N = 10000
E = 320000
NC = 2
NS = 16
NW = NC * NS
C = 80
EPW = E // NW
NCHUNK = EPW // C
NPAD = 10240

_mesh = plsc.VectorSubcoreMesh(core_axis_name="c", subcore_axis_name="s")
_sc_params = pltpu.CompilerParams(use_tc_tiling_on_sc=False)


@functools.partial(
    pl.kernel,
    out_type=jax.ShapeDtypeStruct((NC, 2, 1, NPAD), jnp.float32),
    mesh=_mesh,
    compiler_params=_sc_params,
    scratch_types=[
        pltpu.VMEM((NCHUNK, C), jnp.int32),
        pltpu.VMEM((NCHUNK, C), jnp.int32),
        pltpu.VMEM((C,), jnp.float32),
        pltpu.VMEM((NPAD // NS,), jnp.float32),
        pltpu.VMEM_SHARED((NPAD,), jnp.float32),
        pltpu.VMEM_SHARED((NPAD,), jnp.float32),
        pltpu.SemaphoreType.DMA,
    ],
)
def _deg_kernel(src_hbm, dst_hbm, out_hbm, sidx, didx, ones_v, zer_v,
                acc_out, acc_in, sem):
    cid = lax.axis_index("c")
    sid = lax.axis_index("s")
    wid = sid * NC + cid
    zslab = NPAD // NS

    for t in range(C // 16):
        ones_v[pl.ds(t * 16, 16)] = jnp.ones((16,), jnp.float32)
    for t in range(zslab // 16):
        zer_v[pl.ds(t * 16, 16)] = jnp.zeros((16,), jnp.float32)

    pltpu.sync_copy(src_hbm.at[wid], sidx)
    pltpu.sync_copy(dst_hbm.at[wid], didx)
    pltpu.sync_copy(zer_v, acc_out.at[pl.ds(sid * zslab, zslab)])
    pltpu.sync_copy(zer_v, acc_in.at[pl.ds(sid * zslab, zslab)])
    plsc.subcore_barrier()

    lag = 8

    def body(j, carry):
        pltpu.async_copy(ones_v, acc_out.at[sidx.at[j]], sem, add=True)
        pltpu.async_copy(ones_v, acc_in.at[didx.at[j]], sem, add=True)

        @pl.when(j >= lag)
        def _():
            pltpu.make_async_copy(ones_v, acc_out.at[sidx.at[0]], sem).wait()
            pltpu.make_async_copy(ones_v, acc_out.at[sidx.at[0]], sem).wait()

        return carry

    lax.fori_loop(0, NCHUNK, body, 0)
    for _ in range(2 * lag):
        pltpu.make_async_copy(ones_v, acc_out.at[sidx.at[0]], sem).wait()
    plsc.subcore_barrier()
    pltpu.sync_copy(acc_out.at[pl.ds(sid * zslab, zslab)],
                    out_hbm.at[cid, 0, 0, pl.ds(sid * zslab, zslab)])
    pltpu.sync_copy(acc_in.at[pl.ds(sid * zslab, zslab)],
                    out_hbm.at[cid, 1, 0, pl.ds(sid * zslab, zslab)])


def _make_agg(D, nbuf, dtype=jnp.float32):
    rpw = NPAD // NS

    @functools.partial(
        pl.kernel,
        out_type=jax.ShapeDtypeStruct((NC, NPAD, D), dtype),
        mesh=_mesh,
        compiler_params=_sc_params,
        scratch_types=[
            pltpu.VMEM((NCHUNK, C), jnp.int32),
            pltpu.VMEM((NCHUNK, C), jnp.int32),
            pltpu.VMEM((nbuf, C, D), dtype),
            pltpu.VMEM_SHARED((NPAD, D), dtype),
            pltpu.SemaphoreType.DMA((nbuf,)),
            pltpu.SemaphoreType.DMA((nbuf,)),
        ],
    )
    def agg(h_hbm, src_hbm, dst_hbm, out_hbm, sidx, didx, buf, acc,
            semg, sems):
        cid = lax.axis_index("c")
        sid = lax.axis_index("s")
        wid = sid * NC + cid

        pltpu.sync_copy(src_hbm.at[wid], sidx)
        pltpu.sync_copy(dst_hbm.at[wid], didx)

        lanes = 32 if dtype == jnp.bfloat16 else 16

        def zb(i, carry):
            for jj in range(D // lanes):
                buf[0, i, pl.ds(jj * lanes, lanes)] = jnp.zeros((lanes,), dtype)
            return carry

        lax.fori_loop(0, C, zb, 0)
        for t in range(rpw // C):
            pltpu.sync_copy(buf.at[0], acc.at[pl.ds(sid * rpw + t * C, C)])
        plsc.subcore_barrier()

        pltpu.async_copy(h_hbm.at[sidx.at[0]], buf.at[0], semg.at[0])
        pltpu.async_copy(h_hbm.at[sidx.at[1]], buf.at[1], semg.at[1])

        def body(j, carry):
            p = lax.rem(j, nbuf)
            pltpu.make_async_copy(h_hbm.at[sidx.at[j]], buf.at[p],
                                  semg.at[p]).wait()
            pltpu.async_copy(buf.at[p], acc.at[didx.at[j]], sems.at[p],
                             add=True)

            @pl.when(j + 2 < NCHUNK)
            def _():
                q = lax.rem(j + 2, nbuf)

                @pl.when(j >= nbuf - 2)
                def _():
                    pltpu.make_async_copy(
                        buf.at[q], acc.at[didx.at[0]], sems.at[q]).wait()

                pltpu.async_copy(h_hbm.at[sidx.at[j + 2]], buf.at[q],
                                 semg.at[q])

            return carry

        lax.fori_loop(0, NCHUNK, body, 0)
        for k in range(NCHUNK - nbuf, NCHUNK):
            pltpu.make_async_copy(buf.at[k % nbuf], acc.at[didx.at[0]],
                                  sems.at[k % nbuf]).wait()
        plsc.subcore_barrier()
        pltpu.sync_copy(acc.at[pl.ds(sid * rpw, rpw)],
                        out_hbm.at[cid, pl.ds(sid * rpw, rpw)])

    return agg


_agg128 = _make_agg(128, 4, jnp.bfloat16)
_agg64 = _make_agg(64, 4)


RB = 1000


def _norms(dp_ref):
    deg_out = dp_ref[0, 0] + dp_ref[1, 0]
    deg_in = dp_ref[0, 1] + dp_ref[1, 1]

    def norm(d):
        return jnp.where(d > 0, lax.rsqrt(jnp.maximum(d, 1.0)), 0.0)

    return norm(deg_out), norm(deg_in)


def _tc1_body(x_ref, w_ref, dp_ref, o_ref):
    norm_out, _ = _norms(dp_ref)
    h = jnp.dot(x_ref[...], w_ref[...], preferred_element_type=jnp.float32)
    o_ref[...] = (h * norm_out).astype(jnp.bfloat16)


def _tc2_body(aggp_ref, dp_ref, b1_ref, w2_ref, o_ref):
    norm_out, norm_in = _norms(dp_ref)
    agg = (aggp_ref[0].astype(jnp.float32) +
           aggp_ref[1].astype(jnp.float32))
    x2 = jnp.maximum(agg * norm_in + b1_ref[...], 0.0)
    h2 = jnp.dot(x2, w2_ref[...], preferred_element_type=jnp.float32)
    o_ref[...] = h2 * norm_out


def _tc3_body(aggp_ref, dp_ref, b2_ref, o_ref):
    _, norm_in = _norms(dp_ref)
    agg = aggp_ref[0] + aggp_ref[1]
    y = jnp.maximum(agg * norm_in + b2_ref[...], 0.0)
    m = jnp.max(y, axis=1, keepdims=True)
    s = jnp.sum(jnp.exp(y - m), axis=1, keepdims=True)
    o_ref[...] = y - m - jnp.log(s)


_dp_spec = pl.BlockSpec((NC, 2, RB, 1), lambda i: (0, 0, i, 0))

_tc1 = pl.pallas_call(
    _tc1_body,
    grid=(N // RB,),
    in_specs=[pl.BlockSpec((RB, 128), lambda i: (i, 0)),
              pl.BlockSpec((128, 128), lambda i: (0, 0)),
              _dp_spec],
    out_specs=pl.BlockSpec((RB, 128), lambda i: (i, 0)),
    out_shape=jax.ShapeDtypeStruct((N, 128), jnp.bfloat16))
_tc2 = pl.pallas_call(
    _tc2_body,
    grid=(N // RB,),
    in_specs=[pl.BlockSpec((NC, RB, 128), lambda i: (0, i, 0)),
              _dp_spec,
              pl.BlockSpec((1, 128), lambda i: (0, 0)),
              pl.BlockSpec((128, 64), lambda i: (0, 0))],
    out_specs=pl.BlockSpec((RB, 64), lambda i: (i, 0)),
    out_shape=jax.ShapeDtypeStruct((N, 64), jnp.float32))
_tc3 = pl.pallas_call(
    _tc3_body,
    grid=(N // RB,),
    in_specs=[pl.BlockSpec((NC, RB, 64), lambda i: (0, i, 0)),
              _dp_spec,
              pl.BlockSpec((1, 64), lambda i: (0, 0))],
    out_specs=pl.BlockSpec((RB, 64), lambda i: (i, 0)),
    out_shape=jax.ShapeDtypeStruct((N, 64), jnp.float32))


def kernel(features, edge_index, W1, b1, W2, b2):
    src = edge_index[0].astype(jnp.int32).reshape(NW, NCHUNK, C)
    dst = edge_index[1].astype(jnp.int32).reshape(NW, NCHUNK, C)
    degp = _deg_kernel(src, dst).reshape(NC, 2, NPAD, 1)
    h1 = _tc1(features, W1, degp)
    agg1 = _agg128(h1, src, dst)
    h2 = _tc2(agg1, degp, b1.reshape(1, 128), W2)
    agg2 = _agg64(h2, src, dst)
    return _tc3(agg2, degp, b2.reshape(1, 64))

# --- scband reference (transcript-rebuilt; emitter-appended) ---
"""Pipeline reference for scband-net-28484223107413 (READ-ONLY COPY).

The authoritative reference and input builder live on the scoring server;
editing this copy changes nothing except your own understanding.
"""

import jax, jax.numpy as jnp
import numpy as np

N_NODES = 10000
N_EDGES = 320000
D_IN = 128
D_HID = 128
D_OUT = 64


def setup_inputs(seed: int = 0) -> dict:
    key = jax.random.key(seed)
    k1, k2, k3, k4 = jax.random.split(key, 4)
    features = jax.random.normal(k1, (N_NODES, D_IN), dtype=jnp.float32)
    edge_index = jax.random.randint(k2, (2, N_EDGES), 0, N_NODES)
    W1 = jax.random.normal(k3, (D_IN, D_HID), dtype=jnp.float32) * 0.05
    b1 = jnp.zeros((D_HID,), dtype=jnp.float32)
    W2 = jax.random.normal(k4, (D_HID, D_OUT), dtype=jnp.float32) * 0.05
    b2 = jnp.zeros((D_OUT,), dtype=jnp.float32)
    return {"features": features, "edge_index": edge_index, "W1": W1, "b1": b1, "W2": W2, "b2": b2}


def _gcn_layer(x, src, dst, W, b, n_nodes):
    # DGL GraphConv with norm='both': D_dst^{-1/2} * A * D_src^{-1/2} * X * W + b
    ones = jnp.ones((src.shape[0],), dtype=x.dtype)
    deg_out = jnp.zeros((n_nodes,), dtype=x.dtype).at[src].add(ones)
    deg_in = jnp.zeros((n_nodes,), dtype=x.dtype).at[dst].add(ones)
    norm_out = jnp.where(deg_out > 0, jax.lax.rsqrt(jnp.maximum(deg_out, 1.0)), 0.0)
    norm_in = jnp.where(deg_in > 0, jax.lax.rsqrt(jnp.maximum(deg_in, 1.0)), 0.0)
    h = x * norm_out[:, None]
    h = h @ W
    msgs = jnp.take(h, src, axis=0)
    agg = jnp.zeros((n_nodes, h.shape[1]), dtype=h.dtype).at[dst].add(msgs)
    return agg * norm_in[:, None] + b


def reference(features, edge_index, W1, b1, W2, b2):
    src = edge_index[0]
    dst = edge_index[1]
    n = features.shape[0]
    h = jax.nn.relu(_gcn_layer(features, src, dst, W1, b1, n))
    h = jax.nn.relu(_gcn_layer(h, src, dst, W2, b2, n))
    return jax.nn.log_softmax(h, axis=1)

if __name__ == "__main__":
    import jax
    _d = setup_inputs()
    print(jax.jit(kernel)(*tuple(_d.values())))

</pallas_src>

<mosaic_0001>
#map = affine_map<(d0, d1) -> (0, 0, 0)>
#map1 = affine_map<(d0, d1) -> (0, 0, 0, 0)>
module attributes {stable_mosaic.version = 14 : i64} {
  func.func @_deg_kernel(%arg0: i32, %arg1: i32, %arg2: memref<32x125x80xi32, #tpu.memory_space<hbm>>, %arg3: memref<32x125x80xi32, #tpu.memory_space<hbm>>, %arg4: memref<2x2x1x10240xf32, #tpu.memory_space<hbm>>, %arg5: memref<125x80xi32, #tpu.memory_space<vmem>>, %arg6: memref<125x80xi32, #tpu.memory_space<vmem>>, %arg7: memref<80xf32, #tpu.memory_space<vmem>>, %arg8: memref<640xf32, #tpu.memory_space<vmem>>, %arg9: memref<10240xf32, #tpu.memory_space<vmem_shared>>, %arg10: memref<10240xf32, #tpu.memory_space<vmem_shared>>, %arg11: memref<!tpu.dma_semaphore, #tpu.memory_space<semaphore_mem>>) attributes {dimension_semantics = [#tpu.dimension_semantics<core_parallel>, #tpu.dimension_semantics<subcore_parallel>], iteration_bounds = array<i64: 2, 16>, scalar_prefetch = 0 : i64, scratch_operands = 7 : i64, tpu.core_type = #tpu.core_type<sc_vector_subcore>, window_params = [{transform_indices = #map}, {transform_indices = #map}, {transform_indices = #map1}]} {
    %mul3A = arith.constant 2 : i32
    %mul3A_0 = arith.muli %arg1, %mul3A : i32
    %add3A = arith.addi %mul3A_0, %arg0 : i32
    %broadcast_in_dim3A = arith.constant 1.000000e+00 : f32
    %broadcast_in_dim3A_1 = vector.broadcast %broadcast_in_dim3A : f32 to vector<16xf32>
    %swap3A = arith.constant 0 : index
    %swap3A_2 = tpu.vector_load %arg7[%swap3A] {strides = array<i32>} : memref<80xf32, #tpu.memory_space<vmem>>, vector<16xf32>,
    %swap3A_3 = vector.shape_cast %swap3A_2 : vector<16xf32> to vector<16xf32>
    %swap3A_4 = vector.shape_cast %broadcast_in_dim3A_1 : vector<16xf32> to vector<16xf32>
    tpu.vector_store %arg7[%swap3A], %swap3A_4 {strides = array<i32>} : memref<80xf32, #tpu.memory_space<vmem>>, vector<16xf32>,
    %broadcast_in_dim3A_5 = arith.constant 1.000000e+00 : f32
    %broadcast_in_dim3A_6 = vector.broadcast %broadcast_in_dim3A_5 : f32 to vector<16xf32>
    %swap3A_7 = arith.constant 16 : index
    %swap3A_8 = tpu.vector_load %arg7[%swap3A_7] {strides = array<i32>} : memref<80xf32, #tpu.memory_space<vmem>>, vector<16xf32>,
    %swap3A_9 = vector.shape_cast %swap3A_8 : vector<16xf32> to vector<16xf32>
    %swap3A_10 = vector.shape_cast %broadcast_in_dim3A_6 : vector<16xf32> to vector<16xf32>
    tpu.vector_store %arg7[%swap3A_7], %swap3A_10 {strides = array<i32>} : memref<80xf32, #tpu.memory_space<vmem>>, vector<16xf32>,
    %broadcast_in_dim3A_11 = arith.constant 1.000000e+00 : f32
    %broadcast_in_dim3A_12 = vector.broadcast %broadcast_in_dim3A_11 : f32 to vector<16xf32>
    %swap3A_13 = arith.constant 32 : index
    %swap3A_14 = tpu.vector_load %arg7[%swap3A_13] {strides = array<i32>} : memref<80xf32, #tpu.memory_space<vmem>>, vector<16xf32>,
    %swap3A_15 = vector.shape_cast %swap3A_14 : vector<16xf32> to vector<16xf32>
    %swap3A_16 = vector.shape_cast %broadcast_in_dim3A_12 : vector<16xf32> to vector<16xf32>
    tpu.vector_store %arg7[%swap3A_13], %swap3A_16 {strides = array<i32>} : memref<80xf32, #tpu.memory_space<vmem>>, vector<16xf32>,
    %broadcast_in_dim3A_17 = arith.constant 1.000000e+00 : f32
    %broadcast_in_dim3A_18 = vector.broadcast %broadcast_in_dim3A_17 : f32 to vector<16xf32>
    %swap3A_19 = arith.constant 48 : index
    %swap3A_20 = tpu.vector_load %arg7[%swap3A_19] {strides = array<i32>} : memref<80xf32, #tpu.memory_space<vmem>>, vector<16xf32>,
    %swap3A_21 = vector.shape_cast %swap3A_20 : vector<16xf32> to vector<16xf32>
    %swap3A_22 = vector.shape_cast %broadcast_in_dim3A_18 : vector<16xf32> to vector<16xf32>
    tpu.vector_store %arg7[%swap3A_19], %swap3A_22 {strides = array<i32>} : memref<80xf32, #tpu.memory_space<vmem>>, vector<16xf32>,
    %broadcast_in_dim3A_23 = arith.constant 1.000000e+00 : f32
    %broadcast_in_dim3A_24 = vector.broadcast %broadcast_in_dim3A_23 : f32 to vector<16xf32>
    %swap3A_25 = arith.constant 64 : index
    %swap3A_26 = tpu.vector_load %arg7[%swap3A_25] {strides = array<i32>} : memref<80xf32, #tpu.memory_space<vmem>>, vector<16xf32>,
    %swap3A_27 = vector.shape_cast %swap3A_26 : vector<16xf32> to vector<16xf32>
    %swap3A_28 = vector.shape_cast %broadcast_in_dim3A_24 : vector<16xf32> to vector<16xf32>
    tpu.vector_store %arg7[%swap3A_25], %swap3A_28 {strides = array<i32>} : memref<80xf32, #tpu.memory_space<vmem>>, vector<16xf32>,
    %broadcast_in_dim3A_29 = arith.constant 0.000000e+00 : f32
    %broadcast_in_dim3A_30 = vector.broadcast %broadcast_in_dim3A_29 : f32 to vector<16xf32>
    %swap3A_31 = arith.constant 0 : index
    %swap3A_32 = tpu.vector_load %arg8[%swap3A_31] {strides = array<i32>} : memref<640xf32, #tpu.memory_space<vmem>>, vector<16xf32>,
    %swap3A_33 = vector.shape_cast %swap3A_32 : vector<16xf32> to vector<16xf32>
    %swap3A_34 = vector.shape_cast %broadcast_in_dim3A_30 : vector<16xf32> to vector<16xf32>
    tpu.vector_store %arg8[%swap3A_31], %swap3A_34 {strides = array<i32>} : memref<640xf32, #tpu.memory_space<vmem>>, vector<16xf32>,
    %broadcast_in_dim3A_35 = arith.constant 0.000000e+00 : f32
    %broadcast_in_dim3A_36 = vector.broadcast %broadcast_in_dim3A_35 : f32 to vector<16xf32>
    %swap3A_37 = arith.constant 16 : index
    %swap3A_38 = tpu.vector_load %arg8[%swap3A_37] {strides = array<i32>} : memref<640xf32, #tpu.memory_space<vmem>>, vector<16xf32>,
    %swap3A_39 = vector.shape_cast %swap3A_38 : vector<16xf32> to vector<16xf32>
    %swap3A_40 = vector.shape_cast %broadcast_in_dim3A_36 : vector<16xf32> to vector<16xf32>
    tpu.vector_store %arg8[%swap3A_37], %swap3A_40 {strides = array<i32>} : memref<640xf32, #tpu.memory_space<vmem>>, vector<16xf32>,
    %broadcast_in_dim3A_41 = arith.constant 0.000000e+00 : f32
    %broadcast_in_dim3A_42 = vector.broadcast %broadcast_in_dim3A_41 : f32 to vector<16xf32>
    %swap3A_43 = arith.constant 32 : index
    %swap3A_44 = tpu.vector_load %arg8[%swap3A_43] {strides = array<i32>} : memref<640xf32, #tpu.memory_space<vmem>>, vector<16xf32>,
    %swap3A_45 = vector.shape_cast %swap3A_44 : vector<16xf32> to vector<16xf32>
    %swap3A_46 = vector.shape_cast %broadcast_in_dim3A_42 : vector<16xf32> to vector<16xf32>
    tpu.vector_store %arg8[%swap3A_43], %swap3A_46 {strides = array<i32>} : memref<640xf32, #tpu.memory_space<vmem>>, vector<16xf32>,
    %broadcast_in_dim3A_47 = arith.constant 0.000000e+00 : f32
    %broadcast_in_dim3A_48 = vector.broadcast %broadcast_in_dim3A_47 : f32 to vector<16xf32>
    %swap3A_49 = arith.constant 48 : index
    %swap3A_50 = tpu.vector_load %arg8[%swap3A_49] {strides = array<i32>} : memref<640xf32, #tpu.memory_space<vmem>>, vector<16xf32>,
    %swap3A_51 = vector.shape_cast %swap3A_50 : vector<16xf32> to vector<16xf32>
    %swap3A_52 = vector.shape_cast %broadcast_in_dim3A_48 : vector<16xf32> to vector<16xf32>
    tpu.vector_store %arg8[%swap3A_49], %swap3A_52 {strides = array<i32>} : memref<640xf32, #tpu.memory_space<vmem>>, vector<16xf32>,
    %broadcast_in_dim3A_53 = arith.constant 0.000000e+00 : f32
    %broadcast_in_dim3A_54 = vector.broadcast %broadcast_in_dim3A_53 : f32 to vector<16xf32>
    %swap3A_55 = arith.constant 64 : index
    %swap3A_56 = tpu.vector_load %arg8[%swap3A_55] {strides = array<i32>} : memref<640xf32, #tpu.memory_space<vmem>>, vector<16xf32>,
    %swap3A_57 = vector.shape_cast %swap3A_56 : vector<16xf32> to vector<16xf32>
    %swap3A_58 = vector.shape_cast %broadcast_in_dim3A_54 : vector<16xf32> to vector<16xf32>
    tpu.vector_store %arg8[%swap3A_55], %swap3A_58 {strides = array<i32>} : memref<640xf32, #tpu.memory_space<vmem>>, vector<16xf32>,
    %broadcast_in_dim3A_59 = arith.constant 0.000000e+00 : f32
    %broadcast_in_dim3A_60 = vector.broadcast %broadcast_in_dim3A_59 : f32 to vector<16xf32>
    %swap3A_61 = arith.constant 80 : index
    %swap3A_62 = tpu.vector_load %arg8[%swap3A_61] {strides = array<i32>} : memref<640xf32, #tpu.memory_space<vmem>>, vector<16xf32>,
    %swap3A_63 = vector.shape_cast %swap3A_62 : vector<16xf32> to vector<16xf32>
    %swap3A_64 = vector.shape_cast %broadcast_in_dim3A_60 : vector<16xf32> to vector<16xf32>
    tpu.vector_store %arg8[%swap3A_61], %swap3A_64 {strides = array<i32>} : memref<640xf32, #tpu.memory_space<vmem>>, vector<16xf32>,
    %broadcast_in_dim3A_65 = arith.constant 0.000000e+00 : f32
    %broadcast_in_dim3A_66 = vector.broadcast %broadcast_in_dim3A_65 : f32 to vector<16xf32>
    %swap3A_67 = arith.constant 96 : index
    %swap3A_68 = tpu.vector_load %arg8[%swap3A_67] {strides = array<i32>} : memref<640xf32, #tpu.memory_space<vmem>>, vector<16xf32>,
    %swap3A_69 = vector.shape_cast %swap3A_68 : vector<16xf32> to vector<16xf32>
    %swap3A_70 = vector.shape_cast %broadcast_in_dim3A_66 : vector<16xf32> to vector<16xf32>
    tpu.vector_store %arg8[%swap3A_67], %swap3A_70 {strides = array<i32>} : memref<640xf32, #tpu.memory_space<vmem>>, vector<16xf32>,
    %broadcast_in_dim3A_71 = arith.constant 0.000000e+00 : f32
    %broadcast_in_dim3A_72 = vector.broadcast %broadcast_in_dim3A_71 : f32 to vector<16xf32>
    %swap3A_73 = arith.constant 112 : index
    %swap3A_74 = tpu.vector_load %arg8[%swap3A_73] {strides = array<i32>} : memref<640xf32, #tpu.memory_space<vmem>>, vector<16xf32>,
    %swap3A_75 = vector.shape_cast %swap3A_74 : vector<16xf32> to vector<16xf32>
    %swap3A_76 = vector.shape_cast %broadcast_in_dim3A_72 : vector<16xf32> to vector<16xf32>
    tpu.vector_store %arg8[%swap3A_73], %swap3A_76 {strides = array<i32>} : memref<640xf32, #tpu.memory_space<vmem>>, vector<16xf32>,
    %broadcast_in_dim3A_77 = arith.constant 0.000000e+00 : f32
    %broadcast_in_dim3A_78 = vector.broadcast %broadcast_in_dim3A_77 : f32 to vector<16xf32>
    %swap3A_79 = arith.constant 128 : index
    %swap3A_80 = tpu.vector_load %arg8[%swap3A_79] {strides = array<i32>} : memref<640xf32, #tpu.memory_space<vmem>>, vector<16xf32>,
    %swap3A_81 = vector.shape_cast %swap3A_80 : vector<16xf32> to vector<16xf32>
    %swap3A_82 = vector.shape_cast %broadcast_in_dim3A_78 : vector<16xf32> to vector<16xf32>
    tpu.vector_store %arg8[%swap3A_79], %swap3A_82 {strides = array<i32>} : memref<640xf32, #tpu.memory_space<vmem>>, vector<16xf32>,
    %broadcast_in_dim3A_83 = arith.constant 0.000000e+00 : f32
    %broadcast_in_dim3A_84 = vector.broadcast %broadcast_in_dim3A_83 : f32 to vector<16xf32>
    %swap3A_85 = arith.constant 144 : index
    %swap3A_86 = tpu.vector_load %arg8[%swap3A_85] {strides = array<i32>} : memref<640xf32, #tpu.memory_space<vmem>>, vector<16xf32>,
    %swap3A_87 = vector.shape_cast %swap3A_86 : vector<16xf32> to vector<16xf32>
    %swap3A_88 = vector.shape_cast %broadcast_in_dim3A_84 : vector<16xf32> to vector<16xf32>
    tpu.vector_store %arg8[%swap3A_85], %swap3A_88 {strides = array<i32>} : memref<640xf32, #tpu.memory_space<vmem>>, vector<16xf32>,
    %broadcast_in_dim3A_89 = arith.constant 0.000000e+00 : f32
    %broadcast_in_dim3A_90 = vector.broadcast %broadcast_in_dim3A_89 : f32 to vector<16xf32>
    %swap3A_91 = arith.constant 160 : index
    %swap3A_92 = tpu.vector_load %arg8[%swap3A_91] {strides = array<i32>} : memref<640xf32, #tpu.memory_space<vmem>>, vector<16xf32>,
    %swap3A_93 = vector.shape_cast %swap3A_92 : vector<16xf32> to vector<16xf32>
    %swap3A_94 = vector.shape_cast %broadcast_in_dim3A_90 : vector<16xf32> to vector<16xf32>
    tpu.vector_store %arg8[%swap3A_91], %swap3A_94 {strides = array<i32>} : memref<640xf32, #tpu.memory_space<vmem>>, vector<16xf32>,
    %broadcast_in_dim3A_95 = arith.constant 0.000000e+00 : f32
    %broadcast_in_dim3A_96 = vector.broadcast %broadcast_in_dim3A_95 : f32 to vector<16xf32>
    %swap3A_97 = arith.constant 176 : index
    %swap3A_98 = tpu.vector_load %arg8[%swap3A_97] {strides = array<i32>} : memref<640xf32, #tpu.memory_space<vmem>>, vector<16xf32>,
    %swap3A_99 = vector.shape_cast %swap3A_98 : vector<16xf32> to vector<16xf32>
    %swap3A_100 = vector.shape_cast %broadcast_in_dim3A_96 : vector<16xf32> to vector<16xf32>
    tpu.vector_store %arg8[%swap3A_97], %swap3A_100 {strides = array<i32>} : memref<640xf32, #tpu.memory_space<vmem>>, vector<16xf32>,
    %broadcast_in_dim3A_101 = arith.constant 0.000000e+00 : f32
    %broadcast_in_dim3A_102 = vector.broadcast %broadcast_in_dim3A_101 : f32 to vector<16xf32>
    %swap3A_103 = arith.constant 192 : index
    %swap3A_104 = tpu.vector_load %arg8[%swap3A_103] {strides = array<i32>} : memref<640xf32, #tpu.memory_space<vmem>>, vector<16xf32>,
    %swap3A_105 = vector.shape_cast %swap3A_104 : vector<16xf32> to vector<16xf32>
    %swap3A_106 = vector.shape_cast %broadcast_in_dim3A_102 : vector<16xf32> to vector<16xf32>
    tpu.vector_store %arg8[%swap3A_103], %swap3A_106 {strides = array<i32>} : memref<640xf32, #tpu.memory_space<vmem>>, vector<16xf32>,
    %broadcast_in_dim3A_107 = arith.constant 0.000000e+00 : f32
    %broadcast_in_dim3A_108 = vector.broadcast %broadcast_in_dim3A_107 : f32 to vector<16xf32>
    %swap3A_109 = arith.constant 208 : index
    %swap3A_110 = tpu.vector_load %arg8[%swap3A_109] {strides = array<i32>} : memref<640xf32, #tpu.memory_space<vmem>>, vector<16xf32>,
    %swap3A_111 = vector.shape_cast %swap3A_110 : vector<16xf32> to vector<16xf32>
    %swap3A_112 = vector.shape_cast %broadcast_in_dim3A_108 : vector<16xf32> to vector<16xf32>
    tpu.vector_store %arg8[%swap3A_109], %swap3A_112 {strides = array<i32>} : memref<640xf32, #tpu.memory_space<vmem>>, vector<16xf32>,
    %broadcast_in_dim3A_113 = arith.constant 0.000000e+00 : f32
    %broadcast_in_dim3A_114 = vector.broadcast %broadcast_in_dim3A_113 : f32 to vector<16xf32>
    %swap3A_115 = arith.constant 224 : index
    %swap3A_116 = tpu.vector_load %arg8[%swap3A_115] {strides = array<i32>} : memref<640xf32, #tpu.memory_space<vmem>>, vector<16xf32>,
    %swap3A_117 = vector.shape_cast %swap3A_116 : vector<16xf32> to vector<16xf32>
    %swap3A_118 = vector.shape_cast %broadcast_in_dim3A_114 : vector<16xf32> to vector<16xf32>
    tpu.vector_store %arg8[%swap3A_115], %swap3A_118 {strides = array<i32>} : memref<640xf32, #tpu.memory_space<vmem>>, vector<16xf32>,
    %broadcast_in_dim3A_119 = arith.constant 0.000000e+00 : f32
    %broadcast_in_dim3A_120 = vector.broadcast %broadcast_in_dim3A_119 : f32 to vector<16xf32>
    %swap3A_121 = arith.constant 240 : index
    %swap3A_122 = tpu.vector_load %arg8[%swap3A_121] {strides = array<i32>} : memref<640xf32, #tpu.memory_space<vmem>>, vector<16xf32>,
    %swap3A_123 = vector.shape_cast %swap3A_122 : vector<16xf32> to vector<16xf32>
    %swap3A_124 = vector.shape_cast %broadcast_in_dim3A_120 : vector<16xf32> to vector<16xf32>
    tpu.vector_store %arg8[%swap3A_121], %swap3A_124 {strides = array<i32>} : memref<640xf32, #tpu.memory_space<vmem>>, vector<16xf32>,
    %broadcast_in_dim3A_125 = arith.constant 0.000000e+00 : f32
    %broadcast_in_dim3A_126 = vector.broadcast %broadcast_in_dim3A_125 : f32 to vector<16xf32>
    %swap3A_127 = arith.constant 256 : index
    %swap3A_128 = tpu.vector_load %arg8[%swap3A_127] {strides = array<i32>} : memref<640xf32, #tpu.memory_space<vmem>>, vector<16xf32>,
    %swap3A_129 = vector.shape_cast %swap3A_128 : vector<16xf32> to vector<16xf32>
    %swap3A_130 = vector.shape_cast %broadcast_in_dim3A_126 : vector<16xf32> to vector<16xf32>
    tpu.vector_store %arg8[%swap3A_127], %swap3A_130 {strides = array<i32>} : memref<640xf32, #tpu.memory_space<vmem>>, vector<16xf32>,
    %broadcast_in_dim3A_131 = arith.constant 0.000000e+00 : f32
    %broadcast_in_dim3A_132 = vector.broadcast %broadcast_in_dim3A_131 : f32 to vector<16xf32>
    %swap3A_133 = arith.constant 272 : index
    %swap3A_134 = tpu.vector_load %arg8[%swap3A_133] {strides = array<i32>} : memref<640xf32, #tpu.memory_space<vmem>>, vector<16xf32>,
    %swap3A_135 = vector.shape_cast %swap3A_134 : vector<16xf32> to vector<16xf32>
    %swap3A_136 = vector.shape_cast %broadcast_in_dim3A_132 : vector<16xf32> to vector<16xf32>
    tpu.vector_store %arg8[%swap3A_133], %swap3A_136 {strides = array<i32>} : memref<640xf32, #tpu.memory_space<vmem>>, vector<16xf32>,
    %broadcast_in_dim3A_137 = arith.constant 0.000000e+00 : f32
    %broadcast_in_dim3A_138 = vector.broadcast %broadcast_in_dim3A_137 : f32 to vector<16xf32>
    %swap3A_139 = arith.constant 288 : index
    %swap3A_140 = tpu.vector_load %arg8[%swap3A_139] {strides = array<i32>} : memref<640xf32, #tpu.memory_space<vmem>>, vector<16xf32>,
    %swap3A_141 = vector.shape_cast %swap3A_140 : vector<16xf32> to vector<16xf32>
    %swap3A_142 = vector.shape_cast %broadcast_in_dim3A_138 : vector<16xf32> to vector<16xf32>
    tpu.vector_store %arg8[%swap3A_139], %swap3A_142 {strides = array<i32>} : memref<640xf32, #tpu.memory_space<vmem>>, vector<16xf32>,
    %broadcast_in_dim3A_143 = arith.constant 0.000000e+00 : f32
    %broadcast_in_dim3A_144 = vector.broadcast %broadcast_in_dim3A_143 : f32 to vector<16xf32>
    %swap3A_145 = arith.constant 304 : index
    %swap3A_146 = tpu.vector_load %arg8[%swap3A_145] {strides = array<i32>} : memref<640xf32, #tpu.memory_space<vmem>>, vector<16xf32>,
    %swap3A_147 = vector.shape_cast %swap3A_146 : vector<16xf32> to vector<16xf32>
    %swap3A_148 = vector.shape_cast %broadcast_in_dim3A_144 : vector<16xf32> to vector<16xf32>
    tpu.vector_store %arg8[%swap3A_145], %swap3A_148 {strides = array<i32>} : memref<640xf32, #tpu.memory_space<vmem>>, vector<16xf32>,
    %broadcast_in_dim3A_149 = arith.constant 0.000000e+00 : f32
    %broadcast_in_dim3A_150 = vector.broadcast %broadcast_in_dim3A_149 : f32 to vector<16xf32>
    %swap3A_151 = arith.constant 320 : index
    %swap3A_152 = tpu.vector_load %arg8[%swap3A_151] {strides = array<i32>} : memref<640xf32, #tpu.memory_space<vmem>>, vector<16xf32>,
    %swap3A_153 = vector.shape_cast %swap3A_152 : vector<16xf32> to vector<16xf32>
    %swap3A_154 = vector.shape_cast %broadcast_in_dim3A_150 : vector<16xf32> to vector<16xf32>
    tpu.vector_store %arg8[%swap3A_151], %swap3A_154 {strides = array<i32>} : memref<640xf32, #tpu.memory_space<vmem>>, vector<16xf32>,
    %broadcast_in_dim3A_155 = arith.constant 0.000000e+00 : f32
    %broadcast_in_dim3A_156 = vector.broadcast %broadcast_in_dim3A_155 : f32 to vector<16xf32>
    %swap3A_157 = arith.constant 336 : index
    %swap3A_158 = tpu.vector_load %arg8[%swap3A_157] {strides = array<i32>} : memref<640xf32, #tpu.memory_space<vmem>>, vector<16xf32>,
    %swap3A_159 = vector.shape_cast %swap3A_158 : vector<16xf32> to vector<16xf32>
    %swap3A_160 = vector.shape_cast %broadcast_in_dim3A_156 : vector<16xf32> to vector<16xf32>
    tpu.vector_store %arg8[%swap3A_157], %swap3A_160 {strides = array<i32>} : memref<640xf32, #tpu.memory_space<vmem>>, vector<16xf32>,
    %broadcast_in_dim3A_161 = arith.constant 0.000000e+00 : f32
    %broadcast_in_dim3A_162 = vector.broadcast %broadcast_in_dim3A_161 : f32 to vector<16xf32>
    %swap3A_163 = arith.constant 352 : index
    %swap3A_164 = tpu.vector_load %arg8[%swap3A_163] {strides = array<i32>} : memref<640xf32, #tpu.memory_space<vmem>>, vector<16xf32>,
    %swap3A_165 = vector.shape_cast %swap3A_164 : vector<16xf32> to vector<16xf32>
    %swap3A_166 = vector.shape_cast %broadcast_in_dim3A_162 : vector<16xf32> to vector<16xf32>
    tpu.vector_store %arg8[%swap3A_163], %swap3A_166 {strides = array<i32>} : memref<640xf32, #tpu.memory_space<vmem>>, vector<16xf32>,
    %broadcast_in_dim3A_167 = arith.constant 0.000000e+00 : f32
    %broadcast_in_dim3A_168 = vector.broadcast %broadcast_in_dim3A_167 : f32 to vector<16xf32>
    %swap3A_169 = arith.constant 368 : index
    %swap3A_170 = tpu.vector_load %arg8[%swap3A_169] {strides = array<i32>} : memref<640xf32, #tpu.memory_space<vmem>>, vector<16xf32>,
    %swap3A_171 = vector.shape_cast %swap3A_170 : vector<16xf32> to vector<16xf32>
    %swap3A_172 = vector.shape_cast %broadcast_in_dim3A_168 : vector<16xf32> to vector<16xf32>
    tpu.vector_store %arg8[%swap3A_169], %swap3A_172 {strides = array<i32>} : memref<640xf32, #tpu.memory_space<vmem>>, vector<16xf32>,
    %broadcast_in_dim3A_173 = arith.constant 0.000000e+00 : f32
    %broadcast_in_dim3A_174 = vector.broadcast %broadcast_in_dim3A_173 : f32 to vector<16xf32>
    %swap3A_175 = arith.constant 384 : index
    %swap3A_176 = tpu.vector_load %arg8[%swap3A_175] {strides = array<i32>} : memref<640xf32, #tpu.memory_space<vmem>>, vector<16xf32>,
    %swap3A_177 = vector.shape_cast %swap3A_176 : vector<16xf32> to vector<16xf32>
    %swap3A_178 = vector.shape_cast %broadcast_in_dim3A_174 : vector<16xf32> to vector<16xf32>
    tpu.vector_store %arg8[%swap3A_175], %swap3A_178 {strides = array<i32>} : memref<640xf32, #tpu.memory_space<vmem>>, vector<16xf32>,
    %broadcast_in_dim3A_179 = arith.constant 0.000000e+00 : f32
    %broadcast_in_dim3A_180 = vector.broadcast %broadcast_in_dim3A_179 : f32 to vector<16xf32>
    %swap3A_181 = arith.constant 400 : index
    %swap3A_182 = tpu.vector_load %arg8[%swap3A_181] {strides = array<i32>} : memref<640xf32, #tpu.memory_space<vmem>>, vector<16xf32>,
    %swap3A_183 = vector.shape_cast %swap3A_182 : vector<16xf32> to vector<16xf32>
    %swap3A_184 = vector.shape_cast %broadcast_in_dim3A_180 : vector<16xf32> to vector<16xf32>
    tpu.vector_store %arg8[%swap3A_181], %swap3A_184 {strides = array<i32>} : memref<640xf32, #tpu.memory_space<vmem>>, vector<16xf32>,
    %broadcast_in_dim3A_185 = arith.constant 0.000000e+00 : f32
    %broadcast_in_dim3A_186 = vector.broadcast %broadcast_in_dim3A_185 : f32 to vector<16xf32>
    %swap3A_187 = arith.constant 416 : index
    %swap3A_188 = tpu.vector_load %arg8[%swap3A_187] {strides = array<i32>} : memref<640xf32, #tpu.memory_space<vmem>>, vector<16xf32>,
    %swap3A_189 = vector.shape_cast %swap3A_188 : vector<16xf32> to vector<16xf32>
    %swap3A_190 = vector.shape_cast %broadcast_in_dim3A_186 : vector<16xf32> to vector<16xf32>
    tpu.vector_store %arg8[%swap3A_187], %swap3A_190 {strides = array<i32>} : memref<640xf32, #tpu.memory_space<vmem>>, vector<16xf32>,
    %broadcast_in_dim3A_191 = arith.constant 0.000000e+00 : f32
    %broadcast_in_dim3A_192 = vector.broadcast %broadcast_in_dim3A_191 : f32 to vector<16xf32>
    %swap3A_193 = arith.constant 432 : index
    %swap3A_194 = tpu.vector_load %arg8[%swap3A_193] {strides = array<i32>} : memref<640xf32, #tpu.memory_space<vmem>>, vector<16xf32>,
    %swap3A_195 = vector.shape_cast %swap3A_194 : vector<16xf32> to vector<16xf32>
    %swap3A_196 = vector.shape_cast %broadcast_in_dim3A_192 : vector<16xf32> to vector<16xf32>
    tpu.vector_store %arg8[%swap3A_193], %swap3A_196 {strides = array<i32>} : memref<640xf32, #tpu.memory_space<vmem>>, vector<16xf32>,
    %broadcast_in_dim3A_197 = arith.constant 0.000000e+00 : f32
    %broadcast_in_dim3A_198 = vector.broadcast %broadcast_in_dim3A_197 : f32 to vector<16xf32>
    %swap3A_199 = arith.constant 448 : index
    %swap3A_200 = tpu.vector_load %arg8[%swap3A_199] {strides = array<i32>} : memref<640xf32, #tpu.memory_space<vmem>>, vector<16xf32>,
    %swap3A_201 = vector.shape_cast %swap3A_200 : vector<16xf32> to vector<16xf32>
    %swap3A_202 = vector.shape_cast %broadcast_in_dim3A_198 : vector<16xf32> to vector<16xf32>
    tpu.vector_store %arg8[%swap3A_199], %swap3A_202 {strides = array<i32>} : memref<640xf32, #tpu.memory_space<vmem>>, vector<16xf32>,
    %broadcast_in_dim3A_203 = arith.constant 0.000000e+00 : f32
    %broadcast_in_dim3A_204 = vector.broadcast %broadcast_in_dim3A_203 : f32 to vector<16xf32>
    %swap3A_205 = arith.constant 464 : index
    %swap3A_206 = tpu.vector_load %arg8[%swap3A_205] {strides = array<i32>} : memref<640xf32, #tpu.memory_space<vmem>>, vector<16xf32>,
    %swap3A_207 = vector.shape_cast %swap3A_206 : vector<16xf32> to vector<16xf32>
    %swap3A_208 = vector.shape_cast %broadcast_in_dim3A_204 : vector<16xf32> to vector<16xf32>
    tpu.vector_store %arg8[%swap3A_205], %swap3A_208 {strides = array<i32>} : memref<640xf32, #tpu.memory_space<vmem>>, vector<16xf32>,
    %broadcast_in_dim3A_209 = arith.constant 0.000000e+00 : f32
    %broadcast_in_dim3A_210 = vector.broadcast %broadcast_in_dim3A_209 : f32 to vector<16xf32>
    %swap3A_211 = arith.constant 480 : index
    %swap3A_212 = tpu.vector_load %arg8[%swap3A_211] {strides = array<i32>} : memref<640xf32, #tpu.memory_space<vmem>>, vector<16xf32>,
    %swap3A_213 = vector.shape_cast %swap3A_212 : vector<16xf32> to vector<16xf32>
    %swap3A_214 = vector.shape_cast %broadcast_in_dim3A_210 : vector<16xf32> to vector<16xf32>
    tpu.vector_store %arg8[%swap3A_211], %swap3A_214 {strides = array<i32>} : memref<640xf32, #tpu.memory_space<vmem>>, vector<16xf32>,
    %broadcast_in_dim3A_215 = arith.constant 0.000000e+00 : f32
    %broadcast_in_dim3A_216 = vector.broadcast %broadcast_in_dim3A_215 : f32 to vector<16xf32>
    %swap3A_217 = arith.constant 496 : index
    %swap3A_218 = tpu.vector_load %arg8[%swap3A_217] {strides = array<i32>} : memref<640xf32, #tpu.memory_space<vmem>>, vector<16xf32>,
    %swap3A_219 = vector.shape_cast %swap3A_218 : vector<16xf32> to vector<16xf32>
    %swap3A_220 = vector.shape_cast %broadcast_in_dim3A_216 : vector<16xf32> to vector<16xf32>
    tpu.vector_store %arg8[%swap3A_217], %swap3A_220 {strides = array<i32>} : memref<640xf32, #tpu.memory_space<vmem>>, vector<16xf32>,
    %broadcast_in_dim3A_221 = arith.constant 0.000000e+00 : f32
    %broadcast_in_dim3A_222 = vector.broadcast %broadcast_in_dim3A_221 : f32 to vector<16xf32>
    %swap3A_223 = arith.constant 512 : index
    %swap3A_224 = tpu.vector_load %arg8[%swap3A_223] {strides = array<i32>} : memref<640xf32, #tpu.memory_space<vmem>>, vector<16xf32>,
    %swap3A_225 = vector.shape_cast %swap3A_224 : vector<16xf32> to vector<16xf32>
    %swap3A_226 = vector.shape_cast %broadcast_in_dim3A_222 : vector<16xf32> to vector<16xf32>
    tpu.vector_store %arg8[%swap3A_223], %swap3A_226 {strides = array<i32>} : memref<640xf32, #tpu.memory_space<vmem>>, vector<16xf32>,
    %broadcast_in_dim3A_227 = arith.constant 0.000000e+00 : f32
    %broadcast_in_dim3A_228 = vector.broadcast %broadcast_in_dim3A_227 : f32 to vector<16xf32>
    %swap3A_229 = arith.constant 528 : index
    %swap3A_230 = tpu.vector_load %arg8[%swap3A_229] {strides = array<i32>} : memref<640xf32, #tpu.memory_space<vmem>>, vector<16xf32>,
    %swap3A_231 = vector.shape_cast %swap3A_230 : vector<16xf32> to vector<16xf32>
    %swap3A_232 = vector.shape_cast %broadcast_in_dim3A_228 : vector<16xf32> to vector<16xf32>
    tpu.vector_store %arg8[%swap3A_229], %swap3A_232 {strides = array<i32>} : memref<640xf32, #tpu.memory_space<vmem>>, vector<16xf32>,
    %broadcast_in_dim3A_233 = arith.constant 0.000000e+00 : f32
    %broadcast_in_dim3A_234 = vector.broadcast %broadcast_in_dim3A_233 : f32 to vector<16xf32>
    %swap3A_235 = arith.constant 544 : index
    %swap3A_236 = tpu.vector_load %arg8[%swap3A_235] {strides = array<i32>} : memref<640xf32, #tpu.memory_space<vmem>>, vector<16xf32>,
    %swap3A_237 = vector.shape_cast %swap3A_236 : vector<16xf32> to vector<16xf32>
    %swap3A_238 = vector.shape_cast %broadcast_in_dim3A_234 : vector<16xf32> to vector<16xf32>
    tpu.vector_store %arg8[%swap3A_235], %swap3A_238 {strides = array<i32>} : memref<640xf32, #tpu.memory_space<vmem>>, vector<16xf32>,
    %broadcast_in_dim3A_239 = arith.constant 0.000000e+00 : f32
    %broadcast_in_dim3A_240 = vector.broadcast %broadcast_in_dim3A_239 : f32 to vector<16xf32>
    %swap3A_241 = arith.constant 560 : index
    %swap3A_242 = tpu.vector_load %arg8[%swap3A_241] {strides = array<i32>} : memref<640xf32, #tpu.memory_space<vmem>>, vector<16xf32>,
    %swap3A_243 = vector.shape_cast %swap3A_242 : vector<16xf32> to vector<16xf32>
    %swap3A_244 = vector.shape_cast %broadcast_in_dim3A_240 : vector<16xf32> to vector<16xf32>
    tpu.vector_store %arg8[%swap3A_241], %swap3A_244 {strides = array<i32>} : memref<640xf32, #tpu.memory_space<vmem>>, vector<16xf32>,
    %broadcast_in_dim3A_245 = arith.constant 0.000000e+00 : f32
    %broadcast_in_dim3A_246 = vector.broadcast %broadcast_in_dim3A_245 : f32 to vector<16xf32>
    %swap3A_247 = arith.constant 576 : index
    %swap3A_248 = tpu.vector_load %arg8[%swap3A_247] {strides = array<i32>} : memref<640xf32, #tpu.memory_space<vmem>>, vector<16xf32>,
    %swap3A_249 = vector.shape_cast %swap3A_248 : vector<16xf32> to vector<16xf32>
    %swap3A_250 = vector.shape_cast %broadcast_in_dim3A_246 : vector<16xf32> to vector<16xf32>
    tpu.vector_store %arg8[%swap3A_247], %swap3A_250 {strides = array<i32>} : memref<640xf32, #tpu.memory_space<vmem>>, vector<16xf32>,
    %broadcast_in_dim3A_251 = arith.constant 0.000000e+00 : f32
    %broadcast_in_dim3A_252 = vector.broadcast %broadcast_in_dim3A_251 : f32 to vector<16xf32>
    %swap3A_253 = arith.constant 592 : index
    %swap3A_254 = tpu.vector_load %arg8[%swap3A_253] {strides = array<i32>} : memref<640xf32, #tpu.memory_space<vmem>>, vector<16xf32>,
    %swap3A_255 = vector.shape_cast %swap3A_254 : vector<16xf32> to vector<16xf32>
    %swap3A_256 = vector.shape_cast %broadcast_in_dim3A_252 : vector<16xf32> to vector<16xf32>
    tpu.vector_store %arg8[%swap3A_253], %swap3A_256 {strides = array<i32>} : memref<640xf32, #tpu.memory_space<vmem>>, vector<16xf32>,
    %broadcast_in_dim3A_257 = arith.constant 0.000000e+00 : f32
    %broadcast_in_dim3A_258 = vector.broadcast %broadcast_in_dim3A_257 : f32 to vector<16xf32>
    %swap3A_259 = arith.constant 608 : index
    %swap3A_260 = tpu.vector_load %arg8[%swap3A_259] {strides = array<i32>} : memref<640xf32, #tpu.memory_space<vmem>>, vector<16xf32>,
    %swap3A_261 = vector.shape_cast %swap3A_260 : vector<16xf32> to vector<16xf32>
    %swap3A_262 = vector.shape_cast %broadcast_in_dim3A_258 : vector<16xf32> to vector<16xf32>
    tpu.vector_store %arg8[%swap3A_259], %swap3A_262 {strides = array<i32>} : memref<640xf32, #tpu.memory_space<vmem>>, vector<16xf32>,
    %broadcast_in_dim3A_263 = arith.constant 0.000000e+00 : f32
    %broadcast_in_dim3A_264 = vector.broadcast %broadcast_in_dim3A_263 : f32 to vector<16xf32>
    %swap3A_265 = arith.constant 624 : index
    %swap3A_266 = tpu.vector_load %arg8[%swap3A_265] {strides = array<i32>} : memref<640xf32, #tpu.memory_space<vmem>>, vector<16xf32>,
    %swap3A_267 = vector.shape_cast %swap3A_266 : vector<16xf32> to vector<16xf32>
    %swap3A_268 = vector.shape_cast %broadcast_in_dim3A_264 : vector<16xf32> to vector<16xf32>
    tpu.vector_store %arg8[%swap3A_265], %swap3A_268 {strides = array<i32>} : memref<640xf32, #tpu.memory_space<vmem>>, vector<16xf32>,
    "tpu.region"() ({
      %run_scoped3A_385 = tpu.sem_alloc : memref<!tpu.dma_semaphore, #tpu.memory_space<semaphore_mem>>
      %dma_start3A = arith.constant 0 : i32
      %dma_start3A_386 = arith.constant 0 : i32
      %dma_start3A_387 = tpu.memref_slice %arg2[%add3A, %dma_start3A, %dma_start3A_386] : memref<32x125x80xi32, #tpu.memory_space<hbm>> -> memref<1x125x80xi32, #tpu.memory_space<hbm>>
      %dma_start3A_388 = tpu.memref_squeeze %dma_start3A_387 : memref<1x125x80xi32, #tpu.memory_space<hbm>> -> memref<125x80xi32, #tpu.memory_space<hbm>>
      %dma_start3A_389 = arith.constant 0 : i32
      %dma_start3A_390 = arith.constant 0 : i32
      %dma_start3A_391 = tpu.memref_slice %arg2[%add3A, %dma_start3A_389, %dma_start3A_390] : memref<32x125x80xi32, #tpu.memory_space<hbm>> -> memref<1x125x80xi32, #tpu.memory_space<hbm>>
      %dma_start3A_392 = tpu.memref_squeeze %dma_start3A_391 : memref<1x125x80xi32, #tpu.memory_space<hbm>> -> memref<125x80xi32, #tpu.memory_space<hbm>>
      tpu.enqueue_dma source(%dma_start3A_392 : memref<125x80xi32, #tpu.memory_space<hbm>>) target(%arg5 : memref<125x80xi32, #tpu.memory_space<vmem>>) target_semaphore(%run_scoped3A_385 : memref<!tpu.dma_semaphore, #tpu.memory_space<semaphore_mem>>)
      %dma_wait3A_393 = arith.constant 0 : i32
      %dma_wait3A_394 = arith.constant 0 : i32
      %dma_wait3A_395 = tpu.memref_slice %arg2[%add3A, %dma_wait3A_393, %dma_wait3A_394] : memref<32x125x80xi32, #tpu.memory_space<hbm>> -> memref<1x125x80xi32, #tpu.memory_space<hbm>>
      %dma_wait3A_396 = tpu.memref_squeeze %dma_wait3A_395 : memref<1x125x80xi32, #tpu.memory_space<hbm>> -> memref<125x80xi32, #tpu.memory_space<hbm>>
      %dma_wait3A_397 = arith.constant 0 : i32
      %dma_wait3A_398 = arith.constant 0 : i32
      %dma_wait3A_399 = tpu.memref_slice %arg2[%add3A, %dma_wait3A_397, %dma_wait3A_398] : memref<32x125x80xi32, #tpu.memory_space<hbm>> -> memref<1x125x80xi32, #tpu.memory_space<hbm>>
      %dma_wait3A_400 = tpu.memref_squeeze %dma_wait3A_399 : memref<1x125x80xi32, #tpu.memory_space<hbm>> -> memref<125x80xi32, #tpu.memory_space<hbm>>
      tpu.wait_dma2 semaphore(%run_scoped3A_385 : memref<!tpu.dma_semaphore, #tpu.memory_space<semaphore_mem>>) src(%dma_wait3A_400 : memref<125x80xi32, #tpu.memory_space<hbm>>) dst(%arg5 : memref<125x80xi32, #tpu.memory_space<vmem>>)
      tpu.yield
    }) : () -> ()
    "tpu.region"() ({
      %run_scoped3A_385 = tpu.sem_alloc : memref<!tpu.dma_semaphore, #tpu.memory_space<semaphore_mem>>
      %dma_start3A = arith.constant 0 : i32
      %dma_start3A_386 = arith.constant 0 : i32
      %dma_start3A_387 = tpu.memref_slice %arg3[%add3A, %dma_start3A, %dma_start3A_386] : memref<32x125x80xi32, #tpu.memory_space<hbm>> -> memref<1x125x80xi32, #tpu.memory_space<hbm>>
      %dma_start3A_388 = tpu.memref_squeeze %dma_start3A_387 : memref<1x125x80xi32, #tpu.memory_space<hbm>> -> memref<125x80xi32, #tpu.memory_space<hbm>>
      %dma_start3A_389 = arith.constant 0 : i32
      %dma_start3A_390 = arith.constant 0 : i32
      %dma_start3A_391 = tpu.memref_slice %arg3[%add3A, %dma_start3A_389, %dma_start3A_390] : memref<32x125x80xi32, #tpu.memory_space<hbm>> -> memref<1x125x80xi32, #tpu.memory_space<hbm>>
      %dma_start3A_392 = tpu.memref_squeeze %dma_start3A_391 : memref<1x125x80xi32, #tpu.memory_space<hbm>> -> memref<125x80xi32, #tpu.memory_space<hbm>>
      tpu.enqueue_dma source(%dma_start3A_392 : memref<125x80xi32, #tpu.memory_space<hbm>>) target(%arg6 : memref<125x80xi32, #tpu.memory_space<vmem>>) target_semaphore(%run_scoped3A_385 : memref<!tpu.dma_semaphore, #tpu.memory_space<semaphore_mem>>)
      %dma_wait3A_393 = arith.constant 0 : i32
      %dma_wait3A_394 = arith.constant 0 : i32
      %dma_wait3A_395 = tpu.memref_slice %arg3[%add3A, %dma_wait3A_393, %dma_wait3A_394] : memref<32x125x80xi32, #tpu.memory_space<hbm>> -> memref<1x125x80xi32, #tpu.memory_space<hbm>>
      %dma_wait3A_396 = tpu.memref_squeeze %dma_wait3A_395 : memref<1x125x80xi32, #tpu.memory_space<hbm>> -> memref<125x80xi32, #tpu.memory_space<hbm>>
      %dma_wait3A_397 = arith.constant 0 : i32
      %dma_wait3A_398 = arith.constant 0 : i32
      %dma_wait3A_399 = tpu.memref_slice %arg3[%add3A, %dma_wait3A_397, %dma_wait3A_398] : memref<32x125x80xi32, #tpu.memory_space<hbm>> -> memref<1x125x80xi32, #tpu.memory_space<hbm>>
      %dma_wait3A_400 = tpu.memref_squeeze %dma_wait3A_399 : memref<1x125x80xi32, #tpu.memory_space<hbm>> -> memref<125x80xi32, #tpu.memory_space<hbm>>
      tpu.wait_dma2 semaphore(%run_scoped3A_385 : memref<!tpu.dma_semaphore, #tpu.memory_space<semaphore_mem>>) src(%dma_wait3A_400 : memref<125x80xi32, #tpu.memory_space<hbm>>) dst(%arg6 : memref<125x80xi32, #tpu.memory_space<vmem>>)
      tpu.yield
    }) : () -> ()
    %mul3A_269 = arith.constant 640 : i32
    %mul3A_270 = arith.muli %arg1, %mul3A_269 : i32
    "tpu.region"() ({
      %run_scoped3A_385 = tpu.sem_alloc : memref<!tpu.dma_semaphore, #tpu.memory_space<semaphore_mem>>
      %dma_start3A = tpu.memref_slice %arg9[%mul3A_270] : memref<10240xf32, #tpu.memory_space<vmem_shared>> -> memref<640xf32, #tpu.memory_space<vmem_shared>>
      %dma_start3A_386 = tpu.memref_slice %arg9[%mul3A_270] : memref<10240xf32, #tpu.memory_space<vmem_shared>> -> memref<640xf32, #tpu.memory_space<vmem_shared>>
      tpu.enqueue_dma source(%arg8 : memref<640xf32, #tpu.memory_space<vmem>>) target(%dma_start3A_386 : memref<640xf32, #tpu.memory_space<vmem_shared>>) target_semaphore(%run_scoped3A_385 : memref<!tpu.dma_semaphore, #tpu.memory_space<semaphore_mem>>)
      %dma_wait3A_387 = tpu.memref_slice %arg9[%mul3A_270] : memref<10240xf32, #tpu.memory_space<vmem_shared>> -> memref<640xf32, #tpu.memory_space<vmem_shared>>
      %dma_wait3A_388 = tpu.memref_slice %arg9[%mul3A_270] : memref<10240xf32, #tpu.memory_space<vmem_shared>> -> memref<640xf32, #tpu.memory_space<vmem_shared>>
      tpu.wait_dma2 semaphore(%run_scoped3A_385 : memref<!tpu.dma_semaphore, #tpu.memory_space<semaphore_mem>>) src(%arg8 : memref<640xf32, #tpu.memory_space<vmem>>) dst(%dma_wait3A_388 : memref<640xf32, #tpu.memory_space<vmem_shared>>)
      tpu.yield
    }) : () -> ()
    %mul3A_271 = arith.constant 640 : i32
    %mul3A_272 = arith.muli %arg1, %mul3A_271 : i32
    "tpu.region"() ({
      %run_scoped3A_385 = tpu.sem_alloc : memref<!tpu.dma_semaphore, #tpu.memory_space<semaphore_mem>>
      %dma_start3A = tpu.memref_slice %arg10[%mul3A_272] : memref<10240xf32, #tpu.memory_space<vmem_shared>> -> memref<640xf32, #tpu.memory_space<vmem_shared>>
      %dma_start3A_386 = tpu.memref_slice %arg10[%mul3A_272] : memref<10240xf32, #tpu.memory_space<vmem_shared>> -> memref<640xf32, #tpu.memory_space<vmem_shared>>
      tpu.enqueue_dma source(%arg8 : memref<640xf32, #tpu.memory_space<vmem>>) target(%dma_start3A_386 : memref<640xf32, #tpu.memory_space<vmem_shared>>) target_semaphore(%run_scoped3A_385 : memref<!tpu.dma_semaphore, #tpu.memory_space<semaphore_mem>>)
      %dma_wait3A_387 = tpu.memref_slice %arg10[%mul3A_272] : memref<10240xf32, #tpu.memory_space<vmem_shared>> -> memref<640xf32, #tpu.memory_space<vmem_shared>>
      %dma_wait3A_388 = tpu.memref_slice %arg10[%mul3A_272] : memref<10240xf32, #tpu.memory_space<vmem_shared>> -> memref<640xf32, #tpu.memory_space<vmem_shared>>
      tpu.wait_dma2 semaphore(%run_scoped3A_385 : memref<!tpu.dma_semaphore, #tpu.memory_space<semaphore_mem>>) src(%arg8 : memref<640xf32, #tpu.memory_space<vmem>>) dst(%dma_wait3A_388 : memref<640xf32, #tpu.memory_space<vmem_shared>>)
      tpu.yield
    }) : () -> ()
    %barrier3A = arith.constant 0 : index
    tpu.barrier barrier_id(%barrier3A)
    %scan3A = arith.constant 0 : i32
    %scan3A_273 = arith.constant 0 : i32
    %scan3A_274 = arith.constant 125 : i32
    %scan3A_275 = arith.addi %scan3A_273, %scan3A_274 : i32
    %scan3A_276 = arith.constant 1 : i32
    scf.for %scan3A_385 = %scan3A_273 to %scan3A_275 step %scan3A_276  : i32 {
      %dma_start3A = arith.constant 0 : i32
      %dma_start3A_386 = tpu.memref_slice %arg5[%scan3A_385, %dma_start3A] : memref<125x80xi32, #tpu.memory_space<vmem>> -> memref<1x80xi32, #tpu.memory_space<vmem>>
      %dma_start3A_387 = tpu.memref_squeeze %dma_start3A_386 : memref<1x80xi32, #tpu.memory_space<vmem>> -> memref<80xi32, #tpu.memory_space<vmem>>
      %dma_start3A_388 = arith.constant 0 : i32
      %dma_start3A_389 = tpu.memref_slice %arg9[%dma_start3A_388] : memref<10240xf32, #tpu.memory_space<vmem_shared>> -> memref<10240xf32, #tpu.memory_space<vmem_shared>>
      tpu.enqueue_indirect_dma source(%arg7 : memref<80xf32, #tpu.memory_space<vmem>>) target(%dma_start3A_389 : memref<10240xf32, #tpu.memory_space<vmem_shared>>) offsets(%dma_start3A_387 : memref<80xi32, #tpu.memory_space<vmem>>) semaphore(%arg11 : memref<!tpu.dma_semaphore, #tpu.memory_space<semaphore_mem>>) {add = true}
      %dma_start3A_390 = arith.constant 0 : i32
      %dma_start3A_391 = tpu.memref_slice %arg6[%scan3A_385, %dma_start3A_390] : memref<125x80xi32, #tpu.memory_space<vmem>> -> memref<1x80xi32, #tpu.memory_space<vmem>>
      %dma_start3A_392 = tpu.memref_squeeze %dma_start3A_391 : memref<1x80xi32, #tpu.memory_space<vmem>> -> memref<80xi32, #tpu.memory_space<vmem>>
      %dma_start3A_393 = arith.constant 0 : i32
      %dma_start3A_394 = tpu.memref_slice %arg10[%dma_start3A_393] : memref<10240xf32, #tpu.memory_space<vmem_shared>> -> memref<10240xf32, #tpu.memory_space<vmem_shared>>
      tpu.enqueue_indirect_dma source(%arg7 : memref<80xf32, #tpu.memory_space<vmem>>) target(%dma_start3A_394 : memref<10240xf32, #tpu.memory_space<vmem_shared>>) offsets(%dma_start3A_392 : memref<80xi32, #tpu.memory_space<vmem>>) semaphore(%arg11 : memref<!tpu.dma_semaphore, #tpu.memory_space<semaphore_mem>>) {add = true}
      %ge3A = arith.constant 8 : i32
      %ge3A_395 = arith.cmpi sge, %scan3A_385, %ge3A : i32
      %convert_element_type3A = arith.extui %ge3A_395 : i1 to i32
      %cond3A = arith.constant 0 : i32
      %cond3A_396 = arith.cmpi ne, %convert_element_type3A, %cond3A : i32
      scf.if %cond3A_396 {
        %dma_wait3A_397 = arith.constant 0 : i32
        %dma_wait3A_398 = arith.constant 0 : i32
        %dma_wait3A_399 = tpu.memref_slice %arg5[%dma_wait3A_397, %dma_wait3A_398] : memref<125x80xi32, #tpu.memory_space<vmem>> -> memref<1x80xi32, #tpu.memory_space<vmem>>
        %dma_wait3A_400 = tpu.memref_squeeze %dma_wait3A_399 : memref<1x80xi32, #tpu.memory_space<vmem>> -> memref<80xi32, #tpu.memory_space<vmem>>
        %dma_wait3A_401 = arith.constant 0 : i32
        %dma_wait3A_402 = tpu.memref_slice %arg9[%dma_wait3A_401] : memref<10240xf32, #tpu.memory_space<vmem_shared>> -> memref<10240xf32, #tpu.memory_space<vmem_shared>>
        tpu.wait_indirect_dma semaphore(%arg11 : memref<!tpu.dma_semaphore, #tpu.memory_space<semaphore_mem>>) src(%arg7 : memref<80xf32, #tpu.memory_space<vmem>>) dst(%dma_wait3A_402 : memref<10240xf32, #tpu.memory_space<vmem_shared>>)
        %dma_wait3A_403 = arith.constant 0 : i32
        %dma_wait3A_404 = arith.constant 0 : i32
        %dma_wait3A_405 = tpu.memref_slice %arg5[%dma_wait3A_403, %dma_wait3A_404] : memref<125x80xi32, #tpu.memory_space<vmem>> -> memref<1x80xi32, #tpu.memory_space<vmem>>
        %dma_wait3A_406 = tpu.memref_squeeze %dma_wait3A_405 : memref<1x80xi32, #tpu.memory_space<vmem>> -> memref<80xi32, #tpu.memory_space<vmem>>
        %dma_wait3A_407 = arith.constant 0 : i32
        %dma_wait3A_408 = tpu.memref_slice %arg9[%dma_wait3A_407] : memref<10240xf32, #tpu.memory_space<vmem_shared>> -> memref<10240xf32, #tpu.memory_space<vmem_shared>>
        tpu.wait_indirect_dma semaphore(%arg11 : memref<!tpu.dma_semaphore, #tpu.memory_space<semaphore_mem>>) src(%arg7 : memref<80xf32, #tpu.memory_space<vmem>>) dst(%dma_wait3A_408 : memref<10240xf32, #tpu.memory_space<vmem_shared>>)
      } else {
      }
    }
    %scan3A_277 = arith.constant 125 : i32
    %dma_wait3A = arith.constant 0 : i32
    %dma_wait3A_278 = arith.constant 0 : i32
    %dma_wait3A_279 = tpu.memref_slice %arg5[%dma_wait3A, %dma_wait3A_278] : memref<125x80xi32, #tpu.memory_space<vmem>> -> memref<1x80xi32, #tpu.memory_space<vmem>>
    %dma_wait3A_280 = tpu.memref_squeeze %dma_wait3A_279 : memref<1x80xi32, #tpu.memory_space<vmem>> -> memref<80xi32, #tpu.memory_space<vmem>>
    %dma_wait3A_281 = arith.constant 0 : i32
    %dma_wait3A_282 = tpu.memref_slice %arg9[%dma_wait3A_281] : memref<10240xf32, #tpu.memory_space<vmem_shared>> -> memref<10240xf32, #tpu.memory_space<vmem_shared>>
    tpu.wait_indirect_dma semaphore(%arg11 : memref<!tpu.dma_semaphore, #tpu.memory_space<semaphore_mem>>) src(%arg7 : memref<80xf32, #tpu.memory_space<vmem>>) dst(%dma_wait3A_282 : memref<10240xf32, #tpu.memory_space<vmem_shared>>)
    %dma_wait3A_283 = arith.constant 0 : i32
    %dma_wait3A_284 = arith.constant 0 : i32
    %dma_wait3A_285 = tpu.memref_slice %arg5[%dma_wait3A_283, %dma_wait3A_284] : memref<125x80xi32, #tpu.memory_space<vmem>> -> memref<1x80xi32, #tpu.memory_space<vmem>>
    %dma_wait3A_286 = tpu.memref_squeeze %dma_wait3A_285 : memref<1x80xi32, #tpu.memory_space<vmem>> -> memref<80xi32, #tpu.memory_space<vmem>>
    %dma_wait3A_287 = arith.constant 0 : i32
    %dma_wait3A_288 = tpu.memref_slice %arg9[%dma_wait3A_287] : memref<10240xf32, #tpu.memory_space<vmem_shared>> -> memref<10240xf32, #tpu.memory_space<vmem_shared>>
    tpu.wait_indirect_dma semaphore(%arg11 : memref<!tpu.dma_semaphore, #tpu.memory_space<semaphore_mem>>) src(%arg7 : memref<80xf32, #tpu.memory_space<vmem>>) dst(%dma_wait3A_288 : memref<10240xf32, #tpu.memory_space<vmem_shared>>)
    %dma_wait3A_289 = arith.constant 0 : i32
    %dma_wait3A_290 = arith.constant 0 : i32
    %dma_wait3A_291 = tpu.memref_slice %arg5[%dma_wait3A_289, %dma_wait3A_290] : memref<125x80xi32, #tpu.memory_space<vmem>> -> memref<1x80xi32, #tpu.memory_space<vmem>>
    %dma_wait3A_292 = tpu.memref_squeeze %dma_wait3A_291 : memref<1x80xi32, #tpu.memory_space<vmem>> -> memref<80xi32, #tpu.memory_space<vmem>>
    %dma_wait3A_293 = arith.constant 0 : i32
    %dma_wait3A_294 = tpu.memref_slice %arg9[%dma_wait3A_293] : memref<10240xf32, #tpu.memory_space<vmem_shared>> -> memref<10240xf32, #tpu.memory_space<vmem_shared>>
    tpu.wait_indirect_dma semaphore(%arg11 : memref<!tpu.dma_semaphore, #tpu.memory_space<semaphore_mem>>) src(%arg7 : memref<80xf32, #tpu.memory_space<vmem>>) dst(%dma_wait3A_294 : memref<10240xf32, #tpu.memory_space<vmem_shared>>)
    %dma_wait3A_295 = arith.constant 0 : i32
    %dma_wait3A_296 = arith.constant 0 : i32
    %dma_wait3A_297 = tpu.memref_slice %arg5[%dma_wait3A_295, %dma_wait3A_296] : memref<125x80xi32, #tpu.memory_space<vmem>> -> memref<1x80xi32, #tpu.memory_space<vmem>>
    %dma_wait3A_298 = tpu.memref_squeeze %dma_wait3A_297 : memref<1x80xi32, #tpu.memory_space<vmem>> -> memref<80xi32, #tpu.memory_space<vmem>>
    %dma_wait3A_299 = arith.constant 0 : i32
    %dma_wait3A_300 = tpu.memref_slice %arg9[%dma_wait3A_299] : memref<10240xf32, #tpu.memory_space<vmem_shared>> -> memref<10240xf32, #tpu.memory_space<vmem_shared>>
    tpu.wait_indirect_dma semaphore(%arg11 : memref<!tpu.dma_semaphore, #tpu.memory_space<semaphore_mem>>) src(%arg7 : memref<80xf32, #tpu.memory_space<vmem>>) dst(%dma_wait3A_300 : memref<10240xf32, #tpu.memory_space<vmem_shared>>)
    %dma_wait3A_301 = arith.constant 0 : i32
    %dma_wait3A_302 = arith.constant 0 : i32
    %dma_wait3A_303 = tpu.memref_slice %arg5[%dma_wait3A_301, %dma_wait3A_302] : memref<125x80xi32, #tpu.memory_space<vmem>> -> memref<1x80xi32, #tpu.memory_space<vmem>>
    %dma_wait3A_304 = tpu.memref_squeeze %dma_wait3A_303 : memref<1x80xi32, #tpu.memory_space<vmem>> -> memref<80xi32, #tpu.memory_space<vmem>>
    %dma_wait3A_305 = arith.constant 0 : i32
    %dma_wait3A_306 = tpu.memref_slice %arg9[%dma_wait3A_305] : memref<10240xf32, #tpu.memory_space<vmem_shared>> -> memref<10240xf32, #tpu.memory_space<vmem_shared>>
    tpu.wait_indirect_dma semaphore(%arg11 : memref<!tpu.dma_semaphore, #tpu.memory_space<semaphore_mem>>) src(%arg7 : memref<80xf32, #tpu.memory_space<vmem>>) dst(%dma_wait3A_306 : memref<10240xf32, #tpu.memory_space<vmem_shared>>)
    %dma_wait3A_307 = arith.constant 0 : i32
    %dma_wait3A_308 = arith.constant 0 : i32
    %dma_wait3A_309 = tpu.memref_slice %arg5[%dma_wait3A_307, %dma_wait3A_308] : memref<125x80xi32, #tpu.memory_space<vmem>> -> memref<1x80xi32, #tpu.memory_space<vmem>>
    %dma_wait3A_310 = tpu.memref_squeeze %dma_wait3A_309 : memref<1x80xi32, #tpu.memory_space<vmem>> -> memref<80xi32, #tpu.memory_space<vmem>>
    %dma_wait3A_311 = arith.constant 0 : i32
    %dma_wait3A_312 = tpu.memref_slice %arg9[%dma_wait3A_311] : memref<10240xf32, #tpu.memory_space<vmem_shared>> -> memref<10240xf32, #tpu.memory_space<vmem_shared>>
    tpu.wait_indirect_dma semaphore(%arg11 : memref<!tpu.dma_semaphore, #tpu.memory_space<semaphore_mem>>) src(%arg7 : memref<80xf32, #tpu.memory_space<vmem>>) dst(%dma_wait3A_312 : memref<10240xf32, #tpu.memory_space<vmem_shared>>)
    %dma_wait3A_313 = arith.constant 0 : i32
    %dma_wait3A_314 = arith.constant 0 : i32
    %dma_wait3A_315 = tpu.memref_slice %arg5[%dma_wait3A_313, %dma_wait3A_314] : memref<125x80xi32, #tpu.memory_space<vmem>> -> memref<1x80xi32, #tpu.memory_space<vmem>>
    %dma_wait3A_316 = tpu.memref_squeeze %dma_wait3A_315 : memref<1x80xi32, #tpu.memory_space<vmem>> -> memref<80xi32, #tpu.memory_space<vmem>>
    %dma_wait3A_317 = arith.constant 0 : i32
    %dma_wait3A_318 = tpu.memref_slice %arg9[%dma_wait3A_317] : memref<10240xf32, #tpu.memory_space<vmem_shared>> -> memref<10240xf32, #tpu.memory_space<vmem_shared>>
    tpu.wait_indirect_dma semaphore(%arg11 : memref<!tpu.dma_semaphore, #tpu.memory_space<semaphore_mem>>) src(%arg7 : memref<80xf32, #tpu.memory_space<vmem>>) dst(%dma_wait3A_318 : memref<10240xf32, #tpu.memory_space<vmem_shared>>)
    %dma_wait3A_319 = arith.constant 0 : i32
    %dma_wait3A_320 = arith.constant 0 : i32
    %dma_wait3A_321 = tpu.memref_slice %arg5[%dma_wait3A_319, %dma_wait3A_320] : memref<125x80xi32, #tpu.memory_space<vmem>> -> memref<1x80xi32, #tpu.memory_space<vmem>>
    %dma_wait3A_322 = tpu.memref_squeeze %dma_wait3A_321 : memref<1x80xi32, #tpu.memory_space<vmem>> -> memref<80xi32, #tpu.memory_space<vmem>>
    %dma_wait3A_323 = arith.constant 0 : i32
    %dma_wait3A_324 = tpu.memref_slice %arg9[%dma_wait3A_323] : memref<10240xf32, #tpu.memory_space<vmem_shared>> -> memref<10240xf32, #tpu.memory_space<vmem_shared>>
    tpu.wait_indirect_dma semaphore(%arg11 : memref<!tpu.dma_semaphore, #tpu.memory_space<semaphore_mem>>) src(%arg7 : memref<80xf32, #tpu.memory_space<vmem>>) dst(%dma_wait3A_324 : memref<10240xf32, #tpu.memory_space<vmem_shared>>)
    %dma_wait3A_325 = arith.constant 0 : i32
    %dma_wait3A_326 = arith.constant 0 : i32
    %dma_wait3A_327 = tpu.memref_slice %arg5[%dma_wait3A_325, %dma_wait3A_326] : memref<125x80xi32, #tpu.memory_space<vmem>> -> memref<1x80xi32, #tpu.memory_space<vmem>>
    %dma_wait3A_328 = tpu.memref_squeeze %dma_wait3A_327 : memref<1x80xi32, #tpu.memory_space<vmem>> -> memref<80xi32, #tpu.memory_space<vmem>>
    %dma_wait3A_329 = arith.constant 0 : i32
    %dma_wait3A_330 = tpu.memref_slice %arg9[%dma_wait3A_329] : memref<10240xf32, #tpu.memory_space<vmem_shared>> -> memref<10240xf32, #tpu.memory_space<vmem_shared>>
    tpu.wait_indirect_dma semaphore(%arg11 : memref<!tpu.dma_semaphore, #tpu.memory_space<semaphore_mem>>) src(%arg7 : memref<80xf32, #tpu.memory_space<vmem>>) dst(%dma_wait3A_330 : memref<10240xf32, #tpu.memory_space<vmem_shared>>)
    %dma_wait3A_331 = arith.constant 0 : i32
    %dma_wait3A_332 = arith.constant 0 : i32
    %dma_wait3A_333 = tpu.memref_slice %arg5[%dma_wait3A_331, %dma_wait3A_332] : memref<125x80xi32, #tpu.memory_space<vmem>> -> memref<1x80xi32, #tpu.memory_space<vmem>>
    %dma_wait3A_334 = tpu.memref_squeeze %dma_wait3A_333 : memref<1x80xi32, #tpu.memory_space<vmem>> -> memref<80xi32, #tpu.memory_space<vmem>>
    %dma_wait3A_335 = arith.constant 0 : i32
    %dma_wait3A_336 = tpu.memref_slice %arg9[%dma_wait3A_335] : memref<10240xf32, #tpu.memory_space<vmem_shared>> -> memref<10240xf32, #tpu.memory_space<vmem_shared>>
    tpu.wait_indirect_dma semaphore(%arg11 : memref<!tpu.dma_semaphore, #tpu.memory_space<semaphore_mem>>) src(%arg7 : memref<80xf32, #tpu.memory_space<vmem>>) dst(%dma_wait3A_336 : memref<10240xf32, #tpu.memory_space<vmem_shared>>)
    %dma_wait3A_337 = arith.constant 0 : i32
    %dma_wait3A_338 = arith.constant 0 : i32
    %dma_wait3A_339 = tpu.memref_slice %arg5[%dma_wait3A_337, %dma_wait3A_338] : memref<125x80xi32, #tpu.memory_space<vmem>> -> memref<1x80xi32, #tpu.memory_space<vmem>>
    %dma_wait3A_340 = tpu.memref_squeeze %dma_wait3A_339 : memref<1x80xi32, #tpu.memory_space<vmem>> -> memref<80xi32, #tpu.memory_space<vmem>>
    %dma_wait3A_341 = arith.constant 0 : i32
    %dma_wait3A_342 = tpu.memref_slice %arg9[%dma_wait3A_341] : memref<10240xf32, #tpu.memory_space<vmem_shared>> -> memref<10240xf32, #tpu.memory_space<vmem_shared>>
    tpu.wait_indirect_dma semaphore(%arg11 : memref<!tpu.dma_semaphore, #tpu.memory_space<semaphore_mem>>) src(%arg7 : memref<80xf32, #tpu.memory_space<vmem>>) dst(%dma_wait3A_342 : memref<10240xf32, #tpu.memory_space<vmem_shared>>)
    %dma_wait3A_343 = arith.constant 0 : i32
    %dma_wait3A_344 = arith.constant 0 : i32
    %dma_wait3A_345 = tpu.memref_slice %arg5[%dma_wait3A_343, %dma_wait3A_344] : memref<125x80xi32, #tpu.memory_space<vmem>> -> memref<1x80xi32, #tpu.memory_space<vmem>>
    %dma_wait3A_346 = tpu.memref_squeeze %dma_wait3A_345 : memref<1x80xi32, #tpu.memory_space<vmem>> -> memref<80xi32, #tpu.memory_space<vmem>>
    %dma_wait3A_347 = arith.constant 0 : i32
    %dma_wait3A_348 = tpu.memref_slice %arg9[%dma_wait3A_347] : memref<10240xf32, #tpu.memory_space<vmem_shared>> -> memref<10240xf32, #tpu.memory_space<vmem_shared>>
    tpu.wait_indirect_dma semaphore(%arg11 : memref<!tpu.dma_semaphore, #tpu.memory_space<semaphore_mem>>) src(%arg7 : memref<80xf32, #tpu.memory_space<vmem>>) dst(%dma_wait3A_348 : memref<10240xf32, #tpu.memory_space<vmem_shared>>)
    %dma_wait3A_349 = arith.constant 0 : i32
    %dma_wait3A_350 = arith.constant 0 : i32
    %dma_wait3A_351 = tpu.memref_slice %arg5[%dma_wait3A_349, %dma_wait3A_350] : memref<125x80xi32, #tpu.memory_space<vmem>> -> memref<1x80xi32, #tpu.memory_space<vmem>>
    %dma_wait3A_352 = tpu.memref_squeeze %dma_wait3A_351 : memref<1x80xi32, #tpu.memory_space<vmem>> -> memref<80xi32, #tpu.memory_space<vmem>>
    %dma_wait3A_353 = arith.constant 0 : i32
    %dma_wait3A_354 = tpu.memref_slice %arg9[%dma_wait3A_353] : memref<10240xf32, #tpu.memory_space<vmem_shared>> -> memref<10240xf32, #tpu.memory_space<vmem_shared>>
    tpu.wait_indirect_dma semaphore(%arg11 : memref<!tpu.dma_semaphore, #tpu.memory_space<semaphore_mem>>) src(%arg7 : memref<80xf32, #tpu.memory_space<vmem>>) dst(%dma_wait3A_354 : memref<10240xf32, #tpu.memory_space<vmem_shared>>)
    %dma_wait3A_355 = arith.constant 0 : i32
    %dma_wait3A_356 = arith.constant 0 : i32
    %dma_wait3A_357 = tpu.memref_slice %arg5[%dma_wait3A_355, %dma_wait3A_356] : memref<125x80xi32, #tpu.memory_space<vmem>> -> memref<1x80xi32, #tpu.memory_space<vmem>>
    %dma_wait3A_358 = tpu.memref_squeeze %dma_wait3A_357 : memref<1x80xi32, #tpu.memory_space<vmem>> -> memref<80xi32, #tpu.memory_space<vmem>>
    %dma_wait3A_359 = arith.constant 0 : i32
    %dma_wait3A_360 = tpu.memref_slice %arg9[%dma_wait3A_359] : memref<10240xf32, #tpu.memory_space<vmem_shared>> -> memref<10240xf32, #tpu.memory_space<vmem_shared>>
    tpu.wait_indirect_dma semaphore(%arg11 : memref<!tpu.dma_semaphore, #tpu.memory_space<semaphore_mem>>) src(%arg7 : memref<80xf32, #tpu.memory_space<vmem>>) dst(%dma_wait3A_360 : memref<10240xf32, #tpu.memory_space<vmem_shared>>)
    %dma_wait3A_361 = arith.constant 0 : i32
    %dma_wait3A_362 = arith.constant 0 : i32
    %dma_wait3A_363 = tpu.memref_slice %arg5[%dma_wait3A_361, %dma_wait3A_362] : memref<125x80xi32, #tpu.memory_space<vmem>> -> memref<1x80xi32, #tpu.memory_space<vmem>>
    %dma_wait3A_364 = tpu.memref_squeeze %dma_wait3A_363 : memref<1x80xi32, #tpu.memory_space<vmem>> -> memref<80xi32, #tpu.memory_space<vmem>>
    %dma_wait3A_365 = arith.constant 0 : i32
    %dma_wait3A_366 = tpu.memref_slice %arg9[%dma_wait3A_365] : memref<10240xf32, #tpu.memory_space<vmem_shared>> -> memref<10240xf32, #tpu.memory_space<vmem_shared>>
    tpu.wait_indirect_dma semaphore(%arg11 : memref<!tpu.dma_semaphore, #tpu.memory_space<semaphore_mem>>) src(%arg7 : memref<80xf32, #tpu.memory_space<vmem>>) dst(%dma_wait3A_366 : memref<10240xf32, #tpu.memory_space<vmem_shared>>)
    %dma_wait3A_367 = arith.constant 0 : i32
    %dma_wait3A_368 = arith.constant 0 : i32
    %dma_wait3A_369 = tpu.memref_slice %arg5[%dma_wait3A_367, %dma_wait3A_368] : memref<125x80xi32, #tpu.memory_space<vmem>> -> memref<1x80xi32, #tpu.memory_space<vmem>>
    %dma_wait3A_370 = tpu.memref_squeeze %dma_wait3A_369 : memref<1x80xi32, #tpu.memory_space<vmem>> -> memref<80xi32, #tpu.memory_space<vmem>>
    %dma_wait3A_371 = arith.constant 0 : i32
    %dma_wait3A_372 = tpu.memref_slice %arg9[%dma_wait3A_371] : memref<10240xf32, #tpu.memory_space<vmem_shared>> -> memref<10240xf32, #tpu.memory_space<vmem_shared>>
    tpu.wait_indirect_dma semaphore(%arg11 : memref<!tpu.dma_semaphore, #tpu.memory_space<semaphore_mem>>) src(%arg7 : memref<80xf32, #tpu.memory_space<vmem>>) dst(%dma_wait3A_372 : memref<10240xf32, #tpu.memory_space<vmem_shared>>)
    %barrier3A_373 = arith.constant 0 : index
    tpu.barrier barrier_id(%barrier3A_373)
    %mul3A_374 = arith.constant 640 : i32
    %mul3A_375 = arith.muli %arg1, %mul3A_374 : i32
    %mul3A_376 = arith.constant 640 : i32
    %mul3A_377 = arith.muli %arg1, %mul3A_376 : i32
    %run_scoped3A = arith.constant 0 : i32
    %run_scoped3A_378 = arith.constant 0 : i32
    "tpu.region"() ({
      %run_scoped3A_385 = tpu.sem_alloc : memref<!tpu.dma_semaphore, #tpu.memory_space<semaphore_mem>>
      %dma_start3A = tpu.memref_slice %arg4[%arg0, %run_scoped3A, %run_scoped3A_378, %mul3A_377] : memref<2x2x1x10240xf32, #tpu.memory_space<hbm>> -> memref<1x1x1x640xf32, #tpu.memory_space<hbm>>
      %dma_start3A_386 = tpu.memref_squeeze %dma_start3A : memref<1x1x1x640xf32, #tpu.memory_space<hbm>> -> memref<640xf32, #tpu.memory_space<hbm>>
      %dma_start3A_387 = tpu.memref_slice %arg9[%mul3A_375] : memref<10240xf32, #tpu.memory_space<vmem_shared>> -> memref<640xf32, #tpu.memory_space<vmem_shared>>
      tpu.enqueue_dma source(%dma_start3A_387 : memref<640xf32, #tpu.memory_space<vmem_shared>>) target(%dma_start3A_386 : memref<640xf32, #tpu.memory_space<hbm>>) target_semaphore(%run_scoped3A_385 : memref<!tpu.dma_semaphore, #tpu.memory_space<semaphore_mem>>)
      %dma_wait3A_388 = tpu.memref_slice %arg4[%arg0, %run_scoped3A, %run_scoped3A_378, %mul3A_377] : memref<2x2x1x10240xf32, #tpu.memory_space<hbm>> -> memref<1x1x1x640xf32, #tpu.memory_space<hbm>>
      %dma_wait3A_389 = tpu.memref_squeeze %dma_wait3A_388 : memref<1x1x1x640xf32, #tpu.memory_space<hbm>> -> memref<640xf32, #tpu.memory_space<hbm>>
      %dma_wait3A_390 = tpu.memref_slice %arg9[%mul3A_375] : memref<10240xf32, #tpu.memory_space<vmem_shared>> -> memref<640xf32, #tpu.memory_space<vmem_shared>>
      tpu.wait_dma2 semaphore(%run_scoped3A_385 : memref<!tpu.dma_semaphore, #tpu.memory_space<semaphore_mem>>) src(%dma_wait3A_390 : memref<640xf32, #tpu.memory_space<vmem_shared>>) dst(%dma_wait3A_389 : memref<640xf32, #tpu.memory_space<hbm>>)
      tpu.yield
    }) : () -> ()
    %mul3A_379 = arith.constant 640 : i32
    %mul3A_380 = arith.muli %arg1, %mul3A_379 : i32
    %mul3A_381 = arith.constant 640 : i32
    %mul3A_382 = arith.muli %arg1, %mul3A_381 : i32
    %run_scoped3A_383 = arith.constant 1 : i32
    %run_scoped3A_384 = arith.constant 0 : i32
    "tpu.region"() ({
      %run_scoped3A_385 = tpu.sem_alloc : memref<!tpu.dma_semaphore, #tpu.memory_space<semaphore_mem>>
      %dma_start3A = tpu.memref_slice %arg4[%arg0, %run_scoped3A_383, %run_scoped3A_384, %mul3A_382] : memref<2x2x1x10240xf32, #tpu.memory_space<hbm>> -> memref<1x1x1x640xf32, #tpu.memory_space<hbm>>
      %dma_start3A_386 = tpu.memref_squeeze %dma_start3A : memref<1x1x1x640xf32, #tpu.memory_space<hbm>> -> memref<640xf32, #tpu.memory_space<hbm>>
      %dma_start3A_387 = tpu.memref_slice %arg10[%mul3A_380] : memref<10240xf32, #tpu.memory_space<vmem_shared>> -> memref<640xf32, #tpu.memory_space<vmem_shared>>
      tpu.enqueue_dma source(%dma_start3A_387 : memref<640xf32, #tpu.memory_space<vmem_shared>>) target(%dma_start3A_386 : memref<640xf32, #tpu.memory_space<hbm>>) target_semaphore(%run_scoped3A_385 : memref<!tpu.dma_semaphore, #tpu.memory_space<semaphore_mem>>)
      %dma_wait3A_388 = tpu.memref_slice %arg4[%arg0, %run_scoped3A_383, %run_scoped3A_384, %mul3A_382] : memref<2x2x1x10240xf32, #tpu.memory_space<hbm>> -> memref<1x1x1x640xf32, #tpu.memory_space<hbm>>
      %dma_wait3A_389 = tpu.memref_squeeze %dma_wait3A_388 : memref<1x1x1x640xf32, #tpu.memory_space<hbm>> -> memref<640xf32, #tpu.memory_space<hbm>>
      %dma_wait3A_390 = tpu.memref_slice %arg10[%mul3A_380] : memref<10240xf32, #tpu.memory_space<vmem_shared>> -> memref<640xf32, #tpu.memory_space<vmem_shared>>
      tpu.wait_dma2 semaphore(%run_scoped3A_385 : memref<!tpu.dma_semaphore, #tpu.memory_space<semaphore_mem>>) src(%dma_wait3A_390 : memref<640xf32, #tpu.memory_space<vmem_shared>>) dst(%dma_wait3A_389 : memref<640xf32, #tpu.memory_space<hbm>>)
      tpu.yield
    }) : () -> ()
    return
  }
}

#map = affine_map<(d0, d1) -> (0, 0)>
#map1 = affine_map<(d0, d1) -> (0, 0, 0)>
module attributes {stable_mosaic.version = 14 : i64} {
  func.func @agg(%arg0: i32, %arg1: i32, %arg2: memref<10000x128xbf16, #tpu.memory_space<hbm>>, %arg3: memref<32x125x80xi32, #tpu.memory_space<hbm>>, %arg4: memref<32x125x80xi32, #tpu.memory_space<hbm>>, %arg5: memref<2x10240x128xbf16, #tpu.memory_space<hbm>>, %arg6: memref<125x80xi32, #tpu.memory_space<vmem>>, %arg7: memref<125x80xi32, #tpu.memory_space<vmem>>, %arg8: memref<4x80x128xbf16, #tpu.memory_space<vmem>>, %arg9: memref<10240x128xbf16, #tpu.memory_space<vmem_shared>>, %arg10: memref<4x!tpu.dma_semaphore, #tpu.memory_space<semaphore_mem>>, %arg11: memref<4x!tpu.dma_semaphore, #tpu.memory_space<semaphore_mem>>) attributes {dimension_semantics = [#tpu.dimension_semantics<core_parallel>, #tpu.dimension_semantics<subcore_parallel>], iteration_bounds = array<i64: 2, 16>, scalar_prefetch = 0 : i64, scratch_operands = 6 : i64, tpu.core_type = #tpu.core_type<sc_vector_subcore>, window_params = [{transform_indices = #map}, {transform_indices = #map1}, {transform_indices = #map1}, {transform_indices = #map1}]} {
    %mul3A = arith.constant 2 : i32
    %mul3A_0 = arith.muli %arg1, %mul3A : i32
    %add3A = arith.addi %mul3A_0, %arg0 : i32
    "tpu.region"() ({
      %run_scoped3A_144 = tpu.sem_alloc : memref<!tpu.dma_semaphore, #tpu.memory_space<semaphore_mem>>
      %dma_start3A_145 = arith.constant 0 : i32
      %dma_start3A_146 = arith.constant 0 : i32
      %dma_start3A_147 = tpu.memref_slice %arg3[%add3A, %dma_start3A_145, %dma_start3A_146] : memref<32x125x80xi32, #tpu.memory_space<hbm>> -> memref<1x125x80xi32, #tpu.memory_space<hbm>>
      %dma_start3A_148 = tpu.memref_squeeze %dma_start3A_147 : memref<1x125x80xi32, #tpu.memory_space<hbm>> -> memref<125x80xi32, #tpu.memory_space<hbm>>
      %dma_start3A_149 = arith.constant 0 : i32
      %dma_start3A_150 = arith.constant 0 : i32
      %dma_start3A_151 = tpu.memref_slice %arg3[%add3A, %dma_start3A_149, %dma_start3A_150] : memref<32x125x80xi32, #tpu.memory_space<hbm>> -> memref<1x125x80xi32, #tpu.memory_space<hbm>>
      %dma_start3A_152 = tpu.memref_squeeze %dma_start3A_151 : memref<1x125x80xi32, #tpu.memory_space<hbm>> -> memref<125x80xi32, #tpu.memory_space<hbm>>
      tpu.enqueue_dma source(%dma_start3A_152 : memref<125x80xi32, #tpu.memory_space<hbm>>) target(%arg6 : memref<125x80xi32, #tpu.memory_space<vmem>>) target_semaphore(%run_scoped3A_144 : memref<!tpu.dma_semaphore, #tpu.memory_space<semaphore_mem>>)
      %dma_wait3A_153 = arith.constant 0 : i32
      %dma_wait3A_154 = arith.constant 0 : i32
      %dma_wait3A_155 = tpu.memref_slice %arg3[%add3A, %dma_wait3A_153, %dma_wait3A_154] : memref<32x125x80xi32, #tpu.memory_space<hbm>> -> memref<1x125x80xi32, #tpu.memory_space<hbm>>
      %dma_wait3A_156 = tpu.memref_squeeze %dma_wait3A_155 : memref<1x125x80xi32, #tpu.memory_space<hbm>> -> memref<125x80xi32, #tpu.memory_space<hbm>>
      %dma_wait3A_157 = arith.constant 0 : i32
      %dma_wait3A_158 = arith.constant 0 : i32
      %dma_wait3A_159 = tpu.memref_slice %arg3[%add3A, %dma_wait3A_157, %dma_wait3A_158] : memref<32x125x80xi32, #tpu.memory_space<hbm>> -> memref<1x125x80xi32, #tpu.memory_space<hbm>>
      %dma_wait3A_160 = tpu.memref_squeeze %dma_wait3A_159 : memref<1x125x80xi32, #tpu.memory_space<hbm>> -> memref<125x80xi32, #tpu.memory_space<hbm>>
      tpu.wait_dma2 semaphore(%run_scoped3A_144 : memref<!tpu.dma_semaphore, #tpu.memory_space<semaphore_mem>>) src(%dma_wait3A_160 : memref<125x80xi32, #tpu.memory_space<hbm>>) dst(%arg6 : memref<125x80xi32, #tpu.memory_space<vmem>>)
      tpu.yield
    }) : () -> ()
    "tpu.region"() ({
      %run_scoped3A_144 = tpu.sem_alloc : memref<!tpu.dma_semaphore, #tpu.memory_space<semaphore_mem>>
      %dma_start3A_145 = arith.constant 0 : i32
      %dma_start3A_146 = arith.constant 0 : i32
      %dma_start3A_147 = tpu.memref_slice %arg4[%add3A, %dma_start3A_145, %dma_start3A_146] : memref<32x125x80xi32, #tpu.memory_space<hbm>> -> memref<1x125x80xi32, #tpu.memory_space<hbm>>
      %dma_start3A_148 = tpu.memref_squeeze %dma_start3A_147 : memref<1x125x80xi32, #tpu.memory_space<hbm>> -> memref<125x80xi32, #tpu.memory_space<hbm>>
      %dma_start3A_149 = arith.constant 0 : i32
      %dma_start3A_150 = arith.constant 0 : i32
      %dma_start3A_151 = tpu.memref_slice %arg4[%add3A, %dma_start3A_149, %dma_start3A_150] : memref<32x125x80xi32, #tpu.memory_space<hbm>> -> memref<1x125x80xi32, #tpu.memory_space<hbm>>
      %dma_start3A_152 = tpu.memref_squeeze %dma_start3A_151 : memref<1x125x80xi32, #tpu.memory_space<hbm>> -> memref<125x80xi32, #tpu.memory_space<hbm>>
      tpu.enqueue_dma source(%dma_start3A_152 : memref<125x80xi32, #tpu.memory_space<hbm>>) target(%arg7 : memref<125x80xi32, #tpu.memory_space<vmem>>) target_semaphore(%run_scoped3A_144 : memref<!tpu.dma_semaphore, #tpu.memory_space<semaphore_mem>>)
      %dma_wait3A_153 = arith.constant 0 : i32
      %dma_wait3A_154 = arith.constant 0 : i32
      %dma_wait3A_155 = tpu.memref_slice %arg4[%add3A, %dma_wait3A_153, %dma_wait3A_154] : memref<32x125x80xi32, #tpu.memory_space<hbm>> -> memref<1x125x80xi32, #tpu.memory_space<hbm>>
      %dma_wait3A_156 = tpu.memref_squeeze %dma_wait3A_155 : memref<1x125x80xi32, #tpu.memory_space<hbm>> -> memref<125x80xi32, #tpu.memory_space<hbm>>
      %dma_wait3A_157 = arith.constant 0 : i32
      %dma_wait3A_158 = arith.constant 0 : i32
      %dma_wait3A_159 = tpu.memref_slice %arg4[%add3A, %dma_wait3A_157, %dma_wait3A_158] : memref<32x125x80xi32, #tpu.memory_space<hbm>> -> memref<1x125x80xi32, #tpu.memory_space<hbm>>
      %dma_wait3A_160 = tpu.memref_squeeze %dma_wait3A_159 : memref<1x125x80xi32, #tpu.memory_space<hbm>> -> memref<125x80xi32, #tpu.memory_space<hbm>>
      tpu.wait_dma2 semaphore(%run_scoped3A_144 : memref<!tpu.dma_semaphore, #tpu.memory_space<semaphore_mem>>) src(%dma_wait3A_160 : memref<125x80xi32, #tpu.memory_space<hbm>>) dst(%arg7 : memref<125x80xi32, #tpu.memory_space<vmem>>)
      tpu.yield
    }) : () -> ()
    %scan3A = arith.constant 0 : i32
    %scan3A_1 = arith.constant 0 : i32
    %scan3A_2 = arith.constant 80 : i32
    %scan3A_3 = arith.addi %scan3A_1, %scan3A_2 : i32
    %scan3A_4 = arith.constant 1 : i32
    scf.for %scan3A_144 = %scan3A_1 to %scan3A_3 step %scan3A_4  : i32 {
      %broadcast_in_dim3A = arith.constant 0.000000e+00 : bf16
      %broadcast_in_dim3A_145 = vector.broadcast %broadcast_in_dim3A : bf16 to vector<32xbf16>
      %swap3A = arith.constant 0 : i32
      %swap3A_146 = arith.index_cast %swap3A : i32 to index
      %swap3A_147 = arith.index_cast %scan3A_144 : i32 to index
      %swap3A_148 = arith.constant 0 : index
      %swap3A_149 = tpu.vector_load %arg8[%swap3A_146, %swap3A_147, %swap3A_148] {strides = array<i32>} : memref<4x80x128xbf16, #tpu.memory_space<vmem>>, vector<1x1x32xbf16>,
      %swap3A_150 = vector.shape_cast %swap3A_149 : vector<1x1x32xbf16> to vector<32xbf16>
      %swap3A_151 = vector.shape_cast %broadcast_in_dim3A_145 : vector<32xbf16> to vector<1x1x32xbf16>
      tpu.vector_store %arg8[%swap3A_146, %swap3A_147, %swap3A_148], %swap3A_151 {strides = array<i32>} : memref<4x80x128xbf16, #tpu.memory_space<vmem>>, vector<1x1x32xbf16>,
      %broadcast_in_dim3A_152 = arith.constant 0.000000e+00 : bf16
      %broadcast_in_dim3A_153 = vector.broadcast %broadcast_in_dim3A_152 : bf16 to vector<32xbf16>
      %swap3A_154 = arith.constant 0 : i32
      %swap3A_155 = arith.index_cast %swap3A_154 : i32 to index
      %swap3A_156 = arith.index_cast %scan3A_144 : i32 to index
      %swap3A_157 = arith.constant 32 : index
      %swap3A_158 = tpu.vector_load %arg8[%swap3A_155, %swap3A_156, %swap3A_157] {strides = array<i32>} : memref<4x80x128xbf16, #tpu.memory_space<vmem>>, vector<1x1x32xbf16>,
      %swap3A_159 = vector.shape_cast %swap3A_158 : vector<1x1x32xbf16> to vector<32xbf16>
      %swap3A_160 = vector.shape_cast %broadcast_in_dim3A_153 : vector<32xbf16> to vector<1x1x32xbf16>
      tpu.vector_store %arg8[%swap3A_155, %swap3A_156, %swap3A_157], %swap3A_160 {strides = array<i32>} : memref<4x80x128xbf16, #tpu.memory_space<vmem>>, vector<1x1x32xbf16>,
      %broadcast_in_dim3A_161 = arith.constant 0.000000e+00 : bf16
      %broadcast_in_dim3A_162 = vector.broadcast %broadcast_in_dim3A_161 : bf16 to vector<32xbf16>
      %swap3A_163 = arith.constant 0 : i32
      %swap3A_164 = arith.index_cast %swap3A_163 : i32 to index
      %swap3A_165 = arith.index_cast %scan3A_144 : i32 to index
      %swap3A_166 = arith.constant 64 : index
      %swap3A_167 = tpu.vector_load %arg8[%swap3A_164, %swap3A_165, %swap3A_166] {strides = array<i32>} : memref<4x80x128xbf16, #tpu.memory_space<vmem>>, vector<1x1x32xbf16>,
      %swap3A_168 = vector.shape_cast %swap3A_167 : vector<1x1x32xbf16> to vector<32xbf16>
      %swap3A_169 = vector.shape_cast %broadcast_in_dim3A_162 : vector<32xbf16> to vector<1x1x32xbf16>
      tpu.vector_store %arg8[%swap3A_164, %swap3A_165, %swap3A_166], %swap3A_169 {strides = array<i32>} : memref<4x80x128xbf16, #tpu.memory_space<vmem>>, vector<1x1x32xbf16>,
      %broadcast_in_dim3A_170 = arith.constant 0.000000e+00 : bf16
      %broadcast_in_dim3A_171 = vector.broadcast %broadcast_in_dim3A_170 : bf16 to vector<32xbf16>
      %swap3A_172 = arith.constant 0 : i32
      %swap3A_173 = arith.index_cast %swap3A_172 : i32 to index
      %swap3A_174 = arith.index_cast %scan3A_144 : i32 to index
      %swap3A_175 = arith.constant 96 : index
      %swap3A_176 = tpu.vector_load %arg8[%swap3A_173, %swap3A_174, %swap3A_175] {strides = array<i32>} : memref<4x80x128xbf16, #tpu.memory_space<vmem>>, vector<1x1x32xbf16>,
      %swap3A_177 = vector.shape_cast %swap3A_176 : vector<1x1x32xbf16> to vector<32xbf16>
      %swap3A_178 = vector.shape_cast %broadcast_in_dim3A_171 : vector<32xbf16> to vector<1x1x32xbf16>
      tpu.vector_store %arg8[%swap3A_173, %swap3A_174, %swap3A_175], %swap3A_178 {strides = array<i32>} : memref<4x80x128xbf16, #tpu.memory_space<vmem>>, vector<1x1x32xbf16>,
    }
    %scan3A_5 = arith.constant 80 : i32
    %mul3A_6 = arith.constant 640 : i32
    %mul3A_7 = arith.muli %arg1, %mul3A_6 : i32
    %add3A_8 = arith.constant 0 : i32
    %add3A_9 = arith.addi %mul3A_7, %add3A_8 : i32
    %run_scoped3A = arith.constant 0 : i32
    "tpu.region"() ({
      %run_scoped3A_144 = tpu.sem_alloc : memref<!tpu.dma_semaphore, #tpu.memory_space<semaphore_mem>>
      %dma_start3A_145 = arith.constant 0 : i32
      %dma_start3A_146 = arith.constant 0 : i32
      %dma_start3A_147 = tpu.memref_slice %arg8[%run_scoped3A, %dma_start3A_145, %dma_start3A_146] : memref<4x80x128xbf16, #tpu.memory_space<vmem>> -> memref<1x80x128xbf16, #tpu.memory_space<vmem>>
      %dma_start3A_148 = tpu.memref_squeeze %dma_start3A_147 : memref<1x80x128xbf16, #tpu.memory_space<vmem>> -> memref<80x128xbf16, #tpu.memory_space<vmem>>
      %dma_start3A_149 = arith.constant 0 : i32
      %dma_start3A_150 = tpu.memref_slice %arg9[%add3A_9, %dma_start3A_149] : memref<10240x128xbf16, #tpu.memory_space<vmem_shared>> -> memref<80x128xbf16, #tpu.memory_space<vmem_shared>>
      %dma_start3A_151 = arith.constant 0 : i32
      %dma_start3A_152 = tpu.memref_slice %arg9[%add3A_9, %dma_start3A_151] : memref<10240x128xbf16, #tpu.memory_space<vmem_shared>> -> memref<80x128xbf16, #tpu.memory_space<vmem_shared>>
      %dma_start3A_153 = arith.constant 0 : i32
      %dma_start3A_154 = arith.constant 0 : i32
      %dma_start3A_155 = tpu.memref_slice %arg8[%run_scoped3A, %dma_start3A_153, %dma_start3A_154] : memref<4x80x128xbf16, #tpu.memory_space<vmem>> -> memref<1x80x128xbf16, #tpu.memory_space<vmem>>
      %dma_start3A_156 = tpu.memref_squeeze %dma_start3A_155 : memref<1x80x128xbf16, #tpu.memory_space<vmem>> -> memref<80x128xbf16, #tpu.memory_space<vmem>>
      tpu.enqueue_dma source(%dma_start3A_156 : memref<80x128xbf16, #tpu.memory_space<vmem>>) target(%dma_start3A_152 : memref<80x128xbf16, #tpu.memory_space<vmem_shared>>) target_semaphore(%run_scoped3A_144 : memref<!tpu.dma_semaphore, #tpu.memory_space<semaphore_mem>>)
      %dma_wait3A_157 = arith.constant 0 : i32
      %dma_wait3A_158 = arith.constant 0 : i32
      %dma_wait3A_159 = tpu.memref_slice %arg8[%run_scoped3A, %dma_wait3A_157, %dma_wait3A_158] : memref<4x80x128xbf16, #tpu.memory_space<vmem>> -> memref<1x80x128xbf16, #tpu.memory_space<vmem>>
      %dma_wait3A_160 = tpu.memref_squeeze %dma_wait3A_159 : memref<1x80x128xbf16, #tpu.memory_space<vmem>> -> memref<80x128xbf16, #tpu.memory_space<vmem>>
      %dma_wait3A_161 = arith.constant 0 : i32
      %dma_wait3A_162 = tpu.memref_slice %arg9[%add3A_9, %dma_wait3A_161] : memref<10240x128xbf16, #tpu.memory_space<vmem_shared>> -> memref<80x128xbf16, #tpu.memory_space<vmem_shared>>
      %dma_wait3A_163 = arith.constant 0 : i32
      %dma_wait3A_164 = tpu.memref_slice %arg9[%add3A_9, %dma_wait3A_163] : memref<10240x128xbf16, #tpu.memory_space<vmem_shared>> -> memref<80x128xbf16, #tpu.memory_space<vmem_shared>>
      %dma_wait3A_165 = arith.constant 0 : i32
      %dma_wait3A_166 = arith.constant 0 : i32
      %dma_wait3A_167 = tpu.memref_slice %arg8[%run_scoped3A, %dma_wait3A_165, %dma_wait3A_166] : memref<4x80x128xbf16, #tpu.memory_space<vmem>> -> memref<1x80x128xbf16, #tpu.memory_space<vmem>>
      %dma_wait3A_168 = tpu.memref_squeeze %dma_wait3A_167 : memref<1x80x128xbf16, #tpu.memory_space<vmem>> -> memref<80x128xbf16, #tpu.memory_space<vmem>>
      tpu.wait_dma2 semaphore(%run_scoped3A_144 : memref<!tpu.dma_semaphore, #tpu.memory_space<semaphore_mem>>) src(%dma_wait3A_168 : memref<80x128xbf16, #tpu.memory_space<vmem>>) dst(%dma_wait3A_164 : memref<80x128xbf16, #tpu.memory_space<vmem_shared>>)
      tpu.yield
    }) : () -> ()
    %mul3A_10 = arith.constant 640 : i32
    %mul3A_11 = arith.muli %arg1, %mul3A_10 : i32
    %add3A_12 = arith.constant 80 : i32
    %add3A_13 = arith.addi %mul3A_11, %add3A_12 : i32
    %run_scoped3A_14 = arith.constant 0 : i32
    "tpu.region"() ({
      %run_scoped3A_144 = tpu.sem_alloc : memref<!tpu.dma_semaphore, #tpu.memory_space<semaphore_mem>>
      %dma_start3A_145 = arith.constant 0 : i32
      %dma_start3A_146 = arith.constant 0 : i32
      %dma_start3A_147 = tpu.memref_slice %arg8[%run_scoped3A_14, %dma_start3A_145, %dma_start3A_146] : memref<4x80x128xbf16, #tpu.memory_space<vmem>> -> memref<1x80x128xbf16, #tpu.memory_space<vmem>>
      %dma_start3A_148 = tpu.memref_squeeze %dma_start3A_147 : memref<1x80x128xbf16, #tpu.memory_space<vmem>> -> memref<80x128xbf16, #tpu.memory_space<vmem>>
      %dma_start3A_149 = arith.constant 0 : i32
      %dma_start3A_150 = tpu.memref_slice %arg9[%add3A_13, %dma_start3A_149] : memref<10240x128xbf16, #tpu.memory_space<vmem_shared>> -> memref<80x128xbf16, #tpu.memory_space<vmem_shared>>
      %dma_start3A_151 = arith.constant 0 : i32
      %dma_start3A_152 = tpu.memref_slice %arg9[%add3A_13, %dma_start3A_151] : memref<10240x128xbf16, #tpu.memory_space<vmem_shared>> -> memref<80x128xbf16, #tpu.memory_space<vmem_shared>>
      %dma_start3A_153 = arith.constant 0 : i32
      %dma_start3A_154 = arith.constant 0 : i32
      %dma_start3A_155 = tpu.memref_slice %arg8[%run_scoped3A_14, %dma_start3A_153, %dma_start3A_154] : memref<4x80x128xbf16, #tpu.memory_space<vmem>> -> memref<1x80x128xbf16, #tpu.memory_space<vmem>>
      %dma_start3A_156 = tpu.memref_squeeze %dma_start3A_155 : memref<1x80x128xbf16, #tpu.memory_space<vmem>> -> memref<80x128xbf16, #tpu.memory_space<vmem>>
      tpu.enqueue_dma source(%dma_start3A_156 : memref<80x128xbf16, #tpu.memory_space<vmem>>) target(%dma_start3A_152 : memref<80x128xbf16, #tpu.memory_space<vmem_shared>>) target_semaphore(%run_scoped3A_144 : memref<!tpu.dma_semaphore, #tpu.memory_space<semaphore_mem>>)
      %dma_wait3A_157 = arith.constant 0 : i32
      %dma_wait3A_158 = arith.constant 0 : i32
      %dma_wait3A_159 = tpu.memref_slice %arg8[%run_scoped3A_14, %dma_wait3A_157, %dma_wait3A_158] : memref<4x80x128xbf16, #tpu.memory_space<vmem>> -> memref<1x80x128xbf16, #tpu.memory_space<vmem>>
      %dma_wait3A_160 = tpu.memref_squeeze %dma_wait3A_159 : memref<1x80x128xbf16, #tpu.memory_space<vmem>> -> memref<80x128xbf16, #tpu.memory_space<vmem>>
      %dma_wait3A_161 = arith.constant 0 : i32
      %dma_wait3A_162 = tpu.memref_slice %arg9[%add3A_13, %dma_wait3A_161] : memref<10240x128xbf16, #tpu.memory_space<vmem_shared>> -> memref<80x128xbf16, #tpu.memory_space<vmem_shared>>
      %dma_wait3A_163 = arith.constant 0 : i32
      %dma_wait3A_164 = tpu.memref_slice %arg9[%add3A_13, %dma_wait3A_163] : memref<10240x128xbf16, #tpu.memory_space<vmem_shared>> -> memref<80x128xbf16, #tpu.memory_space<vmem_shared>>
      %dma_wait3A_165 = arith.constant 0 : i32
      %dma_wait3A_166 = arith.constant 0 : i32
      %dma_wait3A_167 = tpu.memref_slice %arg8[%run_scoped3A_14, %dma_wait3A_165, %dma_wait3A_166] : memref<4x80x128xbf16, #tpu.memory_space<vmem>> -> memref<1x80x128xbf16, #tpu.memory_space<vmem>>
      %dma_wait3A_168 = tpu.memref_squeeze %dma_wait3A_167 : memref<1x80x128xbf16, #tpu.memory_space<vmem>> -> memref<80x128xbf16, #tpu.memory_space<vmem>>
      tpu.wait_dma2 semaphore(%run_scoped3A_144 : memref<!tpu.dma_semaphore, #tpu.memory_space<semaphore_mem>>) src(%dma_wait3A_168 : memref<80x128xbf16, #tpu.memory_space<vmem>>) dst(%dma_wait3A_164 : memref<80x128xbf16, #tpu.memory_space<vmem_shared>>)
      tpu.yield
    }) : () -> ()
    %mul3A_15 = arith.constant 640 : i32
    %mul3A_16 = arith.muli %arg1, %mul3A_15 : i32
    %add3A_17 = arith.constant 160 : i32
    %add3A_18 = arith.addi %mul3A_16, %add3A_17 : i32
    %run_scoped3A_19 = arith.constant 0 : i32
    "tpu.region"() ({
      %run_scoped3A_144 = tpu.sem_alloc : memref<!tpu.dma_semaphore, #tpu.memory_space<semaphore_mem>>
      %dma_start3A_145 = arith.constant 0 : i32
      %dma_start3A_146 = arith.constant 0 : i32
      %dma_start3A_147 = tpu.memref_slice %arg8[%run_scoped3A_19, %dma_start3A_145, %dma_start3A_146] : memref<4x80x128xbf16, #tpu.memory_space<vmem>> -> memref<1x80x128xbf16, #tpu.memory_space<vmem>>
      %dma_start3A_148 = tpu.memref_squeeze %dma_start3A_147 : memref<1x80x128xbf16, #tpu.memory_space<vmem>> -> memref<80x128xbf16, #tpu.memory_space<vmem>>
      %dma_start3A_149 = arith.constant 0 : i32
      %dma_start3A_150 = tpu.memref_slice %arg9[%add3A_18, %dma_start3A_149] : memref<10240x128xbf16, #tpu.memory_space<vmem_shared>> -> memref<80x128xbf16, #tpu.memory_space<vmem_shared>>
      %dma_start3A_151 = arith.constant 0 : i32
      %dma_start3A_152 = tpu.memref_slice %arg9[%add3A_18, %dma_start3A_151] : memref<10240x128xbf16, #tpu.memory_space<vmem_shared>> -> memref<80x128xbf16, #tpu.memory_space<vmem_shared>>
      %dma_start3A_153 = arith.constant 0 : i32
      %dma_start3A_154 = arith.constant 0 : i32
      %dma_start3A_155 = tpu.memref_slice %arg8[%run_scoped3A_19, %dma_start3A_153, %dma_start3A_154] : memref<4x80x128xbf16, #tpu.memory_space<vmem>> -> memref<1x80x128xbf16, #tpu.memory_space<vmem>>
      %dma_start3A_156 = tpu.memref_squeeze %dma_start3A_155 : memref<1x80x128xbf16, #tpu.memory_space<vmem>> -> memref<80x128xbf16, #tpu.memory_space<vmem>>
      tpu.enqueue_dma source(%dma_start3A_156 : memref<80x128xbf16, #tpu.memory_space<vmem>>) target(%dma_start3A_152 : memref<80x128xbf16, #tpu.memory_space<vmem_shared>>) target_semaphore(%run_scoped3A_144 : memref<!tpu.dma_semaphore, #tpu.memory_space<semaphore_mem>>)
      %dma_wait3A_157 = arith.constant 0 : i32
      %dma_wait3A_158 = arith.constant 0 : i32
      %dma_wait3A_159 = tpu.memref_slice %arg8[%run_scoped3A_19, %dma_wait3A_157, %dma_wait3A_158] : memref<4x80x128xbf16, #tpu.memory_space<vmem>> -> memref<1x80x128xbf16, #tpu.memory_space<vmem>>
      %dma_wait3A_160 = tpu.memref_squeeze %dma_wait3A_159 : memref<1x80x128xbf16, #tpu.memory_space<vmem>> -> memref<80x128xbf16, #tpu.memory_space<vmem>>
      %dma_wait3A_161 = arith.constant 0 : i32
      %dma_wait3A_162 = tpu.memref_slice %arg9[%add3A_18, %dma_wait3A_161] : memref<10240x128xbf16, #tpu.memory_space<vmem_shared>> -> memref<80x128xbf16, #tpu.memory_space<vmem_shared>>
      %dma_wait3A_163 = arith.constant 0 : i32
      %dma_wait3A_164 = tpu.memref_slice %arg9[%add3A_18, %dma_wait3A_163] : memref<10240x128xbf16, #tpu.memory_space<vmem_shared>> -> memref<80x128xbf16, #tpu.memory_space<vmem_shared>>
      %dma_wait3A_165 = arith.constant 0 : i32
      %dma_wait3A_166 = arith.constant 0 : i32
      %dma_wait3A_167 = tpu.memref_slice %arg8[%run_scoped3A_19, %dma_wait3A_165, %dma_wait3A_166] : memref<4x80x128xbf16, #tpu.memory_space<vmem>> -> memref<1x80x128xbf16, #tpu.memory_space<vmem>>
      %dma_wait3A_168 = tpu.memref_squeeze %dma_wait3A_167 : memref<1x80x128xbf16, #tpu.memory_space<vmem>> -> memref<80x128xbf16, #tpu.memory_space<vmem>>
      tpu.wait_dma2 semaphore(%run_scoped3A_144 : memref<!tpu.dma_semaphore, #tpu.memory_space<semaphore_mem>>) src(%dma_wait3A_168 : memref<80x128xbf16, #tpu.memory_space<vmem>>) dst(%dma_wait3A_164 : memref<80x128xbf16, #tpu.memory_space<vmem_shared>>)
      tpu.yield
    }) : () -> ()
    %mul3A_20 = arith.constant 640 : i32
    %mul3A_21 = arith.muli %arg1, %mul3A_20 : i32
    %add3A_22 = arith.constant 240 : i32
    %add3A_23 = arith.addi %mul3A_21, %add3A_22 : i32
    %run_scoped3A_24 = arith.constant 0 : i32
    "tpu.region"() ({
      %run_scoped3A_144 = tpu.sem_alloc : memref<!tpu.dma_semaphore, #tpu.memory_space<semaphore_mem>>
      %dma_start3A_145 = arith.constant 0 : i32
      %dma_start3A_146 = arith.constant 0 : i32
      %dma_start3A_147 = tpu.memref_slice %arg8[%run_scoped3A_24, %dma_start3A_145, %dma_start3A_146] : memref<4x80x128xbf16, #tpu.memory_space<vmem>> -> memref<1x80x128xbf16, #tpu.memory_space<vmem>>
      %dma_start3A_148 = tpu.memref_squeeze %dma_start3A_147 : memref<1x80x128xbf16, #tpu.memory_space<vmem>> -> memref<80x128xbf16, #tpu.memory_space<vmem>>
      %dma_start3A_149 = arith.constant 0 : i32
      %dma_start3A_150 = tpu.memref_slice %arg9[%add3A_23, %dma_start3A_149] : memref<10240x128xbf16, #tpu.memory_space<vmem_shared>> -> memref<80x128xbf16, #tpu.memory_space<vmem_shared>>
      %dma_start3A_151 = arith.constant 0 : i32
      %dma_start3A_152 = tpu.memref_slice %arg9[%add3A_23, %dma_start3A_151] : memref<10240x128xbf16, #tpu.memory_space<vmem_shared>> -> memref<80x128xbf16, #tpu.memory_space<vmem_shared>>
      %dma_start3A_153 = arith.constant 0 : i32
      %dma_start3A_154 = arith.constant 0 : i32
      %dma_start3A_155 = tpu.memref_slice %arg8[%run_scoped3A_24, %dma_start3A_153, %dma_start3A_154] : memref<4x80x128xbf16, #tpu.memory_space<vmem>> -> memref<1x80x128xbf16, #tpu.memory_space<vmem>>
      %dma_start3A_156 = tpu.memref_squeeze %dma_start3A_155 : memref<1x80x128xbf16, #tpu.memory_space<vmem>> -> memref<80x128xbf16, #tpu.memory_space<vmem>>
      tpu.enqueue_dma source(%dma_start3A_156 : memref<80x128xbf16, #tpu.memory_space<vmem>>) target(%dma_start3A_152 : memref<80x128xbf16, #tpu.memory_space<vmem_shared>>) target_semaphore(%run_scoped3A_144 : memref<!tpu.dma_semaphore, #tpu.memory_space<semaphore_mem>>)
      %dma_wait3A_157 = arith.constant 0 : i32
      %dma_wait3A_158 = arith.constant 0 : i32
      %dma_wait3A_159 = tpu.memref_slice %arg8[%run_scoped3A_24, %dma_wait3A_157, %dma_wait3A_158] : memref<4x80x128xbf16, #tpu.memory_space<vmem>> -> memref<1x80x128xbf16, #tpu.memory_space<vmem>>
      %dma_wait3A_160 = tpu.memref_squeeze %dma_wait3A_159 : memref<1x80x128xbf16, #tpu.memory_space<vmem>> -> memref<80x128xbf16, #tpu.memory_space<vmem>>
      %dma_wait3A_161 = arith.constant 0 : i32
      %dma_wait3A_162 = tpu.memref_slice %arg9[%add3A_23, %dma_wait3A_161] : memref<10240x128xbf16, #tpu.memory_space<vmem_shared>> -> memref<80x128xbf16, #tpu.memory_space<vmem_shared>>
      %dma_wait3A_163 = arith.constant 0 : i32
      %dma_wait3A_164 = tpu.memref_slice %arg9[%add3A_23, %dma_wait3A_163] : memref<10240x128xbf16, #tpu.memory_space<vmem_shared>> -> memref<80x128xbf16, #tpu.memory_space<vmem_shared>>
      %dma_wait3A_165 = arith.constant 0 : i32
      %dma_wait3A_166 = arith.constant 0 : i32
      %dma_wait3A_167 = tpu.memref_slice %arg8[%run_scoped3A_24, %dma_wait3A_165, %dma_wait3A_166] : memref<4x80x128xbf16, #tpu.memory_space<vmem>> -> memref<1x80x128xbf16, #tpu.memory_space<vmem>>
      %dma_wait3A_168 = tpu.memref_squeeze %dma_wait3A_167 : memref<1x80x128xbf16, #tpu.memory_space<vmem>> -> memref<80x128xbf16, #tpu.memory_space<vmem>>
      tpu.wait_dma2 semaphore(%run_scoped3A_144 : memref<!tpu.dma_semaphore, #tpu.memory_space<semaphore_mem>>) src(%dma_wait3A_168 : memref<80x128xbf16, #tpu.memory_space<vmem>>) dst(%dma_wait3A_164 : memref<80x128xbf16, #tpu.memory_space<vmem_shared>>)
      tpu.yield
    }) : () -> ()
    %mul3A_25 = arith.constant 640 : i32
    %mul3A_26 = arith.muli %arg1, %mul3A_25 : i32
    %add3A_27 = arith.constant 320 : i32
    %add3A_28 = arith.addi %mul3A_26, %add3A_27 : i32
    %run_scoped3A_29 = arith.constant 0 : i32
    "tpu.region"() ({
      %run_scoped3A_144 = tpu.sem_alloc : memref<!tpu.dma_semaphore, #tpu.memory_space<semaphore_mem>>
      %dma_start3A_145 = arith.constant 0 : i32
      %dma_start3A_146 = arith.constant 0 : i32
      %dma_start3A_147 = tpu.memref_slice %arg8[%run_scoped3A_29, %dma_start3A_145, %dma_start3A_146] : memref<4x80x128xbf16, #tpu.memory_space<vmem>> -> memref<1x80x128xbf16, #tpu.memory_space<vmem>>
      %dma_start3A_148 = tpu.memref_squeeze %dma_start3A_147 : memref<1x80x128xbf16, #tpu.memory_space<vmem>> -> memref<80x128xbf16, #tpu.memory_space<vmem>>
      %dma_start3A_149 = arith.constant 0 : i32
      %dma_start3A_150 = tpu.memref_slice %arg9[%add3A_28, %dma_start3A_149] : memref<10240x128xbf16, #tpu.memory_space<vmem_shared>> -> memref<80x128xbf16, #tpu.memory_space<vmem_shared>>
      %dma_start3A_151 = arith.constant 0 : i32
      %dma_start3A_152 = tpu.memref_slice %arg9[%add3A_28, %dma_start3A_151] : memref<10240x128xbf16, #tpu.memory_space<vmem_shared>> -> memref<80x128xbf16, #tpu.memory_space<vmem_shared>>
      %dma_start3A_153 = arith.constant 0 : i32
      %dma_start3A_154 = arith.constant 0 : i32
      %dma_start3A_155 = tpu.memref_slice %arg8[%run_scoped3A_29, %dma_start3A_153, %dma_start3A_154] : memref<4x80x128xbf16, #tpu.memory_space<vmem>> -> memref<1x80x128xbf16, #tpu.memory_space<vmem>>
      %dma_start3A_156 = tpu.memref_squeeze %dma_start3A_155 : memref<1x80x128xbf16, #tpu.memory_space<vmem>> -> memref<80x128xbf16, #tpu.memory_space<vmem>>
      tpu.enqueue_dma source(%dma_start3A_156 : memref<80x128xbf16, #tpu.memory_space<vmem>>) target(%dma_start3A_152 : memref<80x128xbf16, #tpu.memory_space<vmem_shared>>) target_semaphore(%run_scoped3A_144 : memref<!tpu.dma_semaphore, #tpu.memory_space<semaphore_mem>>)
      %dma_wait3A_157 = arith.constant 0 : i32
      %dma_wait3A_158 = arith.constant 0 : i32
      %dma_wait3A_159 = tpu.memref_slice %arg8[%run_scoped3A_29, %dma_wait3A_157, %dma_wait3A_158] : memref<4x80x128xbf16, #tpu.memory_space<vmem>> -> memref<1x80x128xbf16, #tpu.memory_space<vmem>>
      %dma_wait3A_160 = tpu.memref_squeeze %dma_wait3A_159 : memref<1x80x128xbf16, #tpu.memory_space<vmem>> -> memref<80x128xbf16, #tpu.memory_space<vmem>>
      %dma_wait3A_161 = arith.constant 0 : i32
      %dma_wait3A_162 = tpu.memref_slice %arg9[%add3A_28, %dma_wait3A_161] : memref<10240x128xbf16, #tpu.memory_space<vmem_shared>> -> memref<80x128xbf16, #tpu.memory_space<vmem_shared>>
      %dma_wait3A_163 = arith.constant 0 : i32
      %dma_wait3A_164 = tpu.memref_slice %arg9[%add3A_28, %dma_wait3A_163] : memref<10240x128xbf16, #tpu.memory_space<vmem_shared>> -> memref<80x128xbf16, #tpu.memory_space<vmem_shared>>
      %dma_wait3A_165 = arith.constant 0 : i32
      %dma_wait3A_166 = arith.constant 0 : i32
      %dma_wait3A_167 = tpu.memref_slice %arg8[%run_scoped3A_29, %dma_wait3A_165, %dma_wait3A_166] : memref<4x80x128xbf16, #tpu.memory_space<vmem>> -> memref<1x80x128xbf16, #tpu.memory_space<vmem>>
      %dma_wait3A_168 = tpu.memref_squeeze %dma_wait3A_167 : memref<1x80x128xbf16, #tpu.memory_space<vmem>> -> memref<80x128xbf16, #tpu.memory_space<vmem>>
      tpu.wait_dma2 semaphore(%run_scoped3A_144 : memref<!tpu.dma_semaphore, #tpu.memory_space<semaphore_mem>>) src(%dma_wait3A_168 : memref<80x128xbf16, #tpu.memory_space<vmem>>) dst(%dma_wait3A_164 : memref<80x128xbf16, #tpu.memory_space<vmem_shared>>)
      tpu.yield
    }) : () -> ()
    %mul3A_30 = arith.constant 640 : i32
    %mul3A_31 = arith.muli %arg1, %mul3A_30 : i32
    %add3A_32 = arith.constant 400 : i32
    %add3A_33 = arith.addi %mul3A_31, %add3A_32 : i32
    %run_scoped3A_34 = arith.constant 0 : i32
    "tpu.region"() ({
      %run_scoped3A_144 = tpu.sem_alloc : memref<!tpu.dma_semaphore, #tpu.memory_space<semaphore_mem>>
      %dma_start3A_145 = arith.constant 0 : i32
      %dma_start3A_146 = arith.constant 0 : i32
      %dma_start3A_147 = tpu.memref_slice %arg8[%run_scoped3A_34, %dma_start3A_145, %dma_start3A_146] : memref<4x80x128xbf16, #tpu.memory_space<vmem>> -> memref<1x80x128xbf16, #tpu.memory_space<vmem>>
      %dma_start3A_148 = tpu.memref_squeeze %dma_start3A_147 : memref<1x80x128xbf16, #tpu.memory_space<vmem>> -> memref<80x128xbf16, #tpu.memory_space<vmem>>
      %dma_start3A_149 = arith.constant 0 : i32
      %dma_start3A_150 = tpu.memref_slice %arg9[%add3A_33, %dma_start3A_149] : memref<10240x128xbf16, #tpu.memory_space<vmem_shared>> -> memref<80x128xbf16, #tpu.memory_space<vmem_shared>>
      %dma_start3A_151 = arith.constant 0 : i32
      %dma_start3A_152 = tpu.memref_slice %arg9[%add3A_33, %dma_start3A_151] : memref<10240x128xbf16, #tpu.memory_space<vmem_shared>> -> memref<80x128xbf16, #tpu.memory_space<vmem_shared>>
      %dma_start3A_153 = arith.constant 0 : i32
      %dma_start3A_154 = arith.constant 0 : i32
      %dma_start3A_155 = tpu.memref_slice %arg8[%run_scoped3A_34, %dma_start3A_153, %dma_start3A_154] : memref<4x80x128xbf16, #tpu.memory_space<vmem>> -> memref<1x80x128xbf16, #tpu.memory_space<vmem>>
      %dma_start3A_156 = tpu.memref_squeeze %dma_start3A_155 : memref<1x80x128xbf16, #tpu.memory_space<vmem>> -> memref<80x128xbf16, #tpu.memory_space<vmem>>
      tpu.enqueue_dma source(%dma_start3A_156 : memref<80x128xbf16, #tpu.memory_space<vmem>>) target(%dma_start3A_152 : memref<80x128xbf16, #tpu.memory_space<vmem_shared>>) target_semaphore(%run_scoped3A_144 : memref<!tpu.dma_semaphore, #tpu.memory_space<semaphore_mem>>)
      %dma_wait3A_157 = arith.constant 0 : i32
      %dma_wait3A_158 = arith.constant 0 : i32
      %dma_wait3A_159 = tpu.memref_slice %arg8[%run_scoped3A_34, %dma_wait3A_157, %dma_wait3A_158] : memref<4x80x128xbf16, #tpu.memory_space<vmem>> -> memref<1x80x128xbf16, #tpu.memory_space<vmem>>
      %dma_wait3A_160 = tpu.memref_squeeze %dma_wait3A_159 : memref<1x80x128xbf16, #tpu.memory_space<vmem>> -> memref<80x128xbf16, #tpu.memory_space<vmem>>
      %dma_wait3A_161 = arith.constant 0 : i32
      %dma_wait3A_162 = tpu.memref_slice %arg9[%add3A_33, %dma_wait3A_161] : memref<10240x128xbf16, #tpu.memory_space<vmem_shared>> -> memref<80x128xbf16, #tpu.memory_space<vmem_shared>>
      %dma_wait3A_163 = arith.constant 0 : i32
      %dma_wait3A_164 = tpu.memref_slice %arg9[%add3A_33, %dma_wait3A_163] : memref<10240x128xbf16, #tpu.memory_space<vmem_shared>> -> memref<80x128xbf16, #tpu.memory_space<vmem_shared>>
      %dma_wait3A_165 = arith.constant 0 : i32
      %dma_wait3A_166 = arith.constant 0 : i32
      %dma_wait3A_167 = tpu.memref_slice %arg8[%run_scoped3A_34, %dma_wait3A_165, %dma_wait3A_166] : memref<4x80x128xbf16, #tpu.memory_space<vmem>> -> memref<1x80x128xbf16, #tpu.memory_space<vmem>>
      %dma_wait3A_168 = tpu.memref_squeeze %dma_wait3A_167 : memref<1x80x128xbf16, #tpu.memory_space<vmem>> -> memref<80x128xbf16, #tpu.memory_space<vmem>>
      tpu.wait_dma2 semaphore(%run_scoped3A_144 : memref<!tpu.dma_semaphore, #tpu.memory_space<semaphore_mem>>) src(%dma_wait3A_168 : memref<80x128xbf16, #tpu.memory_space<vmem>>) dst(%dma_wait3A_164 : memref<80x128xbf16, #tpu.memory_space<vmem_shared>>)
      tpu.yield
    }) : () -> ()
    %mul3A_35 = arith.constant 640 : i32
    %mul3A_36 = arith.muli %arg1, %mul3A_35 : i32
    %add3A_37 = arith.constant 480 : i32
    %add3A_38 = arith.addi %mul3A_36, %add3A_37 : i32
    %run_scoped3A_39 = arith.constant 0 : i32
    "tpu.region"() ({
      %run_scoped3A_144 = tpu.sem_alloc : memref<!tpu.dma_semaphore, #tpu.memory_space<semaphore_mem>>
      %dma_start3A_145 = arith.constant 0 : i32
      %dma_start3A_146 = arith.constant 0 : i32
      %dma_start3A_147 = tpu.memref_slice %arg8[%run_scoped3A_39, %dma_start3A_145, %dma_start3A_146] : memref<4x80x128xbf16, #tpu.memory_space<vmem>> -> memref<1x80x128xbf16, #tpu.memory_space<vmem>>
      %dma_start3A_148 = tpu.memref_squeeze %dma_start3A_147 : memref<1x80x128xbf16, #tpu.memory_space<vmem>> -> memref<80x128xbf16, #tpu.memory_space<vmem>>
      %dma_start3A_149 = arith.constant 0 : i32
      %dma_start3A_150 = tpu.memref_slice %arg9[%add3A_38, %dma_start3A_149] : memref<10240x128xbf16, #tpu.memory_space<vmem_shared>> -> memref<80x128xbf16, #tpu.memory_space<vmem_shared>>
      %dma_start3A_151 = arith.constant 0 : i32
      %dma_start3A_152 = tpu.memref_slice %arg9[%add3A_38, %dma_start3A_151] : memref<10240x128xbf16, #tpu.memory_space<vmem_shared>> -> memref<80x128xbf16, #tpu.memory_space<vmem_shared>>
      %dma_start3A_153 = arith.constant 0 : i32
      %dma_start3A_154 = arith.constant 0 : i32
      %dma_start3A_155 = tpu.memref_slice %arg8[%run_scoped3A_39, %dma_start3A_153, %dma_start3A_154] : memref<4x80x128xbf16, #tpu.memory_space<vmem>> -> memref<1x80x128xbf16, #tpu.memory_space<vmem>>
      %dma_start3A_156 = tpu.memref_squeeze %dma_start3A_155 : memref<1x80x128xbf16, #tpu.memory_space<vmem>> -> memref<80x128xbf16, #tpu.memory_space<vmem>>
      tpu.enqueue_dma source(%dma_start3A_156 : memref<80x128xbf16, #tpu.memory_space<vmem>>) target(%dma_start3A_152 : memref<80x128xbf16, #tpu.memory_space<vmem_shared>>) target_semaphore(%run_scoped3A_144 : memref<!tpu.dma_semaphore, #tpu.memory_space<semaphore_mem>>)
      %dma_wait3A_157 = arith.constant 0 : i32
      %dma_wait3A_158 = arith.constant 0 : i32
      %dma_wait3A_159 = tpu.memref_slice %arg8[%run_scoped3A_39, %dma_wait3A_157, %dma_wait3A_158] : memref<4x80x128xbf16, #tpu.memory_space<vmem>> -> memref<1x80x128xbf16, #tpu.memory_space<vmem>>
      %dma_wait3A_160 = tpu.memref_squeeze %dma_wait3A_159 : memref<1x80x128xbf16, #tpu.memory_space<vmem>> -> memref<80x128xbf16, #tpu.memory_space<vmem>>
      %dma_wait3A_161 = arith.constant 0 : i32
      %dma_wait3A_162 = tpu.memref_slice %arg9[%add3A_38, %dma_wait3A_161] : memref<10240x128xbf16, #tpu.memory_space<vmem_shared>> -> memref<80x128xbf16, #tpu.memory_space<vmem_shared>>
      %dma_wait3A_163 = arith.constant 0 : i32
      %dma_wait3A_164 = tpu.memref_slice %arg9[%add3A_38, %dma_wait3A_163] : memref<10240x128xbf16, #tpu.memory_space<vmem_shared>> -> memref<80x128xbf16, #tpu.memory_space<vmem_shared>>
      %dma_wait3A_165 = arith.constant 0 : i32
      %dma_wait3A_166 = arith.constant 0 : i32
      %dma_wait3A_167 = tpu.memref_slice %arg8[%run_scoped3A_39, %dma_wait3A_165, %dma_wait3A_166] : memref<4x80x128xbf16, #tpu.memory_space<vmem>> -> memref<1x80x128xbf16, #tpu.memory_space<vmem>>
      %dma_wait3A_168 = tpu.memref_squeeze %dma_wait3A_167 : memref<1x80x128xbf16, #tpu.memory_space<vmem>> -> memref<80x128xbf16, #tpu.memory_space<vmem>>
      tpu.wait_dma2 semaphore(%run_scoped3A_144 : memref<!tpu.dma_semaphore, #tpu.memory_space<semaphore_mem>>) src(%dma_wait3A_168 : memref<80x128xbf16, #tpu.memory_space<vmem>>) dst(%dma_wait3A_164 : memref<80x128xbf16, #tpu.memory_space<vmem_shared>>)
      tpu.yield
    }) : () -> ()
    %mul3A_40 = arith.constant 640 : i32
    %mul3A_41 = arith.muli %arg1, %mul3A_40 : i32
    %add3A_42 = arith.constant 560 : i32
    %add3A_43 = arith.addi %mul3A_41, %add3A_42 : i32
    %run_scoped3A_44 = arith.constant 0 : i32
    "tpu.region"() ({
      %run_scoped3A_144 = tpu.sem_alloc : memref<!tpu.dma_semaphore, #tpu.memory_space<semaphore_mem>>
      %dma_start3A_145 = arith.constant 0 : i32
      %dma_start3A_146 = arith.constant 0 : i32
      %dma_start3A_147 = tpu.memref_slice %arg8[%run_scoped3A_44, %dma_start3A_145, %dma_start3A_146] : memref<4x80x128xbf16, #tpu.memory_space<vmem>> -> memref<1x80x128xbf16, #tpu.memory_space<vmem>>
      %dma_start3A_148 = tpu.memref_squeeze %dma_start3A_147 : memref<1x80x128xbf16, #tpu.memory_space<vmem>> -> memref<80x128xbf16, #tpu.memory_space<vmem>>
      %dma_start3A_149 = arith.constant 0 : i32
      %dma_start3A_150 = tpu.memref_slice %arg9[%add3A_43, %dma_start3A_149] : memref<10240x128xbf16, #tpu.memory_space<vmem_shared>> -> memref<80x128xbf16, #tpu.memory_space<vmem_shared>>
      %dma_start3A_151 = arith.constant 0 : i32
      %dma_start3A_152 = tpu.memref_slice %arg9[%add3A_43, %dma_start3A_151] : memref<10240x128xbf16, #tpu.memory_space<vmem_shared>> -> memref<80x128xbf16, #tpu.memory_space<vmem_shared>>
      %dma_start3A_153 = arith.constant 0 : i32
      %dma_start3A_154 = arith.constant 0 : i32
      %dma_start3A_155 = tpu.memref_slice %arg8[%run_scoped3A_44, %dma_start3A_153, %dma_start3A_154] : memref<4x80x128xbf16, #tpu.memory_space<vmem>> -> memref<1x80x128xbf16, #tpu.memory_space<vmem>>
      %dma_start3A_156 = tpu.memref_squeeze %dma_start3A_155 : memref<1x80x128xbf16, #tpu.memory_space<vmem>> -> memref<80x128xbf16, #tpu.memory_space<vmem>>
      tpu.enqueue_dma source(%dma_start3A_156 : memref<80x128xbf16, #tpu.memory_space<vmem>>) target(%dma_start3A_152 : memref<80x128xbf16, #tpu.memory_space<vmem_shared>>) target_semaphore(%run_scoped3A_144 : memref<!tpu.dma_semaphore, #tpu.memory_space<semaphore_mem>>)
      %dma_wait3A_157 = arith.constant 0 : i32
      %dma_wait3A_158 = arith.constant 0 : i32
      %dma_wait3A_159 = tpu.memref_slice %arg8[%run_scoped3A_44, %dma_wait3A_157, %dma_wait3A_158] : memref<4x80x128xbf16, #tpu.memory_space<vmem>> -> memref<1x80x128xbf16, #tpu.memory_space<vmem>>
      %dma_wait3A_160 = tpu.memref_squeeze %dma_wait3A_159 : memref<1x80x128xbf16, #tpu.memory_space<vmem>> -> memref<80x128xbf16, #tpu.memory_space<vmem>>
      %dma_wait3A_161 = arith.constant 0 : i32
      %dma_wait3A_162 = tpu.memref_slice %arg9[%add3A_43, %dma_wait3A_161] : memref<10240x128xbf16, #tpu.memory_space<vmem_shared>> -> memref<80x128xbf16, #tpu.memory_space<vmem_shared>>
      %dma_wait3A_163 = arith.constant 0 : i32
      %dma_wait3A_164 = tpu.memref_slice %arg9[%add3A_43, %dma_wait3A_163] : memref<10240x128xbf16, #tpu.memory_space<vmem_shared>> -> memref<80x128xbf16, #tpu.memory_space<vmem_shared>>
      %dma_wait3A_165 = arith.constant 0 : i32
      %dma_wait3A_166 = arith.constant 0 : i32
      %dma_wait3A_167 = tpu.memref_slice %arg8[%run_scoped3A_44, %dma_wait3A_165, %dma_wait3A_166] : memref<4x80x128xbf16, #tpu.memory_space<vmem>> -> memref<1x80x128xbf16, #tpu.memory_space<vmem>>
      %dma_wait3A_168 = tpu.memref_squeeze %dma_wait3A_167 : memref<1x80x128xbf16, #tpu.memory_space<vmem>> -> memref<80x128xbf16, #tpu.memory_space<vmem>>
      tpu.wait_dma2 semaphore(%run_scoped3A_144 : memref<!tpu.dma_semaphore, #tpu.memory_space<semaphore_mem>>) src(%dma_wait3A_168 : memref<80x128xbf16, #tpu.memory_space<vmem>>) dst(%dma_wait3A_164 : memref<80x128xbf16, #tpu.memory_space<vmem_shared>>)
      tpu.yield
    }) : () -> ()
    %barrier3A = arith.constant 0 : index
    tpu.barrier barrier_id(%barrier3A)
    %dma_start3A = arith.constant 0 : i32
    %dma_start3A_45 = arith.constant 0 : i32
    %dma_start3A_46 = arith.constant 0 : i32
    %dma_start3A_47 = arith.constant 0 : i32
    %dma_start3A_48 = arith.constant 0 : i32
    %dma_start3A_49 = tpu.memref_slice %arg8[%dma_start3A_45, %dma_start3A_47, %dma_start3A_48] : memref<4x80x128xbf16, #tpu.memory_space<vmem>> -> memref<1x80x128xbf16, #tpu.memory_space<vmem>>
    %dma_start3A_50 = tpu.memref_squeeze %dma_start3A_49 : memref<1x80x128xbf16, #tpu.memory_space<vmem>> -> memref<80x128xbf16, #tpu.memory_space<vmem>>
    %dma_start3A_51 = arith.constant 0 : i32
    %dma_start3A_52 = tpu.memref_slice %arg6[%dma_start3A, %dma_start3A_51] : memref<125x80xi32, #tpu.memory_space<vmem>> -> memref<1x80xi32, #tpu.memory_space<vmem>>
    %dma_start3A_53 = tpu.memref_squeeze %dma_start3A_52 : memref<1x80xi32, #tpu.memory_space<vmem>> -> memref<80xi32, #tpu.memory_space<vmem>>
    %dma_start3A_54 = arith.constant 0 : i32
    %dma_start3A_55 = arith.constant 0 : i32
    %dma_start3A_56 = tpu.memref_slice %arg2[%dma_start3A_54, %dma_start3A_55] : memref<10000x128xbf16, #tpu.memory_space<hbm>> -> memref<10000x128xbf16, #tpu.memory_space<hbm>>
    %dma_start3A_57 = tpu.memref_slice %arg10[%dma_start3A_46] : memref<4x!tpu.dma_semaphore, #tpu.memory_space<semaphore_mem>> -> memref<1x!tpu.dma_semaphore, #tpu.memory_space<semaphore_mem>>
    %dma_start3A_58 = tpu.memref_squeeze %dma_start3A_57 : memref<1x!tpu.dma_semaphore, #tpu.memory_space<semaphore_mem>> -> memref<!tpu.dma_semaphore, #tpu.memory_space<semaphore_mem>>
    tpu.enqueue_indirect_dma source(%dma_start3A_56 : memref<10000x128xbf16, #tpu.memory_space<hbm>>) target(%dma_start3A_50 : memref<80x128xbf16, #tpu.memory_space<vmem>>) offsets(%dma_start3A_53 : memref<80xi32, #tpu.memory_space<vmem>>) semaphore(%dma_start3A_58 : memref<!tpu.dma_semaphore, #tpu.memory_space<semaphore_mem>>)
    %dma_start3A_59 = arith.constant 1 : i32
    %dma_start3A_60 = arith.constant 1 : i32
    %dma_start3A_61 = arith.constant 1 : i32
    %dma_start3A_62 = arith.constant 0 : i32
    %dma_start3A_63 = arith.constant 0 : i32
    %dma_start3A_64 = tpu.memref_slice %arg8[%dma_start3A_60, %dma_start3A_62, %dma_start3A_63] : memref<4x80x128xbf16, #tpu.memory_space<vmem>> -> memref<1x80x128xbf16, #tpu.memory_space<vmem>>
    %dma_start3A_65 = tpu.memref_squeeze %dma_start3A_64 : memref<1x80x128xbf16, #tpu.memory_space<vmem>> -> memref<80x128xbf16, #tpu.memory_space<vmem>>
    %dma_start3A_66 = arith.constant 0 : i32
    %dma_start3A_67 = tpu.memref_slice %arg6[%dma_start3A_59, %dma_start3A_66] : memref<125x80xi32, #tpu.memory_space<vmem>> -> memref<1x80xi32, #tpu.memory_space<vmem>>
    %dma_start3A_68 = tpu.memref_squeeze %dma_start3A_67 : memref<1x80xi32, #tpu.memory_space<vmem>> -> memref<80xi32, #tpu.memory_space<vmem>>
    %dma_start3A_69 = arith.constant 0 : i32
    %dma_start3A_70 = arith.constant 0 : i32
    %dma_start3A_71 = tpu.memref_slice %arg2[%dma_start3A_69, %dma_start3A_70] : memref<10000x128xbf16, #tpu.memory_space<hbm>> -> memref<10000x128xbf16, #tpu.memory_space<hbm>>
    %dma_start3A_72 = tpu.memref_slice %arg10[%dma_start3A_61] : memref<4x!tpu.dma_semaphore, #tpu.memory_space<semaphore_mem>> -> memref<1x!tpu.dma_semaphore, #tpu.memory_space<semaphore_mem>>
    %dma_start3A_73 = tpu.memref_squeeze %dma_start3A_72 : memref<1x!tpu.dma_semaphore, #tpu.memory_space<semaphore_mem>> -> memref<!tpu.dma_semaphore, #tpu.memory_space<semaphore_mem>>
    tpu.enqueue_indirect_dma source(%dma_start3A_71 : memref<10000x128xbf16, #tpu.memory_space<hbm>>) target(%dma_start3A_65 : memref<80x128xbf16, #tpu.memory_space<vmem>>) offsets(%dma_start3A_68 : memref<80xi32, #tpu.memory_space<vmem>>) semaphore(%dma_start3A_73 : memref<!tpu.dma_semaphore, #tpu.memory_space<semaphore_mem>>)
    %scan3A_74 = arith.constant 0 : i32
    %scan3A_75 = arith.constant 0 : i32
    %scan3A_76 = arith.constant 125 : i32
    %scan3A_77 = arith.addi %scan3A_75, %scan3A_76 : i32
    %scan3A_78 = arith.constant 1 : i32
    scf.for %scan3A_144 = %scan3A_75 to %scan3A_77 step %scan3A_78  : i32 {
      %rem3A = arith.constant 4 : i32
      %rem3A_145 = arith.remsi %scan3A_144, %rem3A : i32
      %dma_wait3A_146 = arith.constant 0 : i32
      %dma_wait3A_147 = arith.constant 0 : i32
      %dma_wait3A_148 = tpu.memref_slice %arg8[%rem3A_145, %dma_wait3A_146, %dma_wait3A_147] : memref<4x80x128xbf16, #tpu.memory_space<vmem>> -> memref<1x80x128xbf16, #tpu.memory_space<vmem>>
      %dma_wait3A_149 = tpu.memref_squeeze %dma_wait3A_148 : memref<1x80x128xbf16, #tpu.memory_space<vmem>> -> memref<80x128xbf16, #tpu.memory_space<vmem>>
      %dma_wait3A_150 = arith.constant 0 : i32
      %dma_wait3A_151 = tpu.memref_slice %arg6[%scan3A_144, %dma_wait3A_150] : memref<125x80xi32, #tpu.memory_space<vmem>> -> memref<1x80xi32, #tpu.memory_space<vmem>>
      %dma_wait3A_152 = tpu.memref_squeeze %dma_wait3A_151 : memref<1x80xi32, #tpu.memory_space<vmem>> -> memref<80xi32, #tpu.memory_space<vmem>>
      %dma_wait3A_153 = arith.constant 0 : i32
      %dma_wait3A_154 = arith.constant 0 : i32
      %dma_wait3A_155 = tpu.memref_slice %arg2[%dma_wait3A_153, %dma_wait3A_154] : memref<10000x128xbf16, #tpu.memory_space<hbm>> -> memref<10000x128xbf16, #tpu.memory_space<hbm>>
      %dma_wait3A_156 = tpu.memref_slice %arg10[%rem3A_145] : memref<4x!tpu.dma_semaphore, #tpu.memory_space<semaphore_mem>> -> memref<1x!tpu.dma_semaphore, #tpu.memory_space<semaphore_mem>>
      %dma_wait3A_157 = tpu.memref_squeeze %dma_wait3A_156 : memref<1x!tpu.dma_semaphore, #tpu.memory_space<semaphore_mem>> -> memref<!tpu.dma_semaphore, #tpu.memory_space<semaphore_mem>>
      tpu.wait_indirect_dma semaphore(%dma_wait3A_157 : memref<!tpu.dma_semaphore, #tpu.memory_space<semaphore_mem>>) src(%dma_wait3A_155 : memref<10000x128xbf16, #tpu.memory_space<hbm>>) dst(%dma_wait3A_149 : memref<80x128xbf16, #tpu.memory_space<vmem>>)
      %dma_start3A_158 = arith.constant 0 : i32
      %dma_start3A_159 = arith.constant 0 : i32
      %dma_start3A_160 = tpu.memref_slice %arg8[%rem3A_145, %dma_start3A_158, %dma_start3A_159] : memref<4x80x128xbf16, #tpu.memory_space<vmem>> -> memref<1x80x128xbf16, #tpu.memory_space<vmem>>
      %dma_start3A_161 = tpu.memref_squeeze %dma_start3A_160 : memref<1x80x128xbf16, #tpu.memory_space<vmem>> -> memref<80x128xbf16, #tpu.memory_space<vmem>>
      %dma_start3A_162 = arith.constant 0 : i32
      %dma_start3A_163 = tpu.memref_slice %arg7[%scan3A_144, %dma_start3A_162] : memref<125x80xi32, #tpu.memory_space<vmem>> -> memref<1x80xi32, #tpu.memory_space<vmem>>
      %dma_start3A_164 = tpu.memref_squeeze %dma_start3A_163 : memref<1x80xi32, #tpu.memory_space<vmem>> -> memref<80xi32, #tpu.memory_space<vmem>>
      %dma_start3A_165 = arith.constant 0 : i32
      %dma_start3A_166 = arith.constant 0 : i32
      %dma_start3A_167 = tpu.memref_slice %arg9[%dma_start3A_165, %dma_start3A_166] : memref<10240x128xbf16, #tpu.memory_space<vmem_shared>> -> memref<10240x128xbf16, #tpu.memory_space<vmem_shared>>
      %dma_start3A_168 = tpu.memref_slice %arg11[%rem3A_145] : memref<4x!tpu.dma_semaphore, #tpu.memory_space<semaphore_mem>> -> memref<1x!tpu.dma_semaphore, #tpu.memory_space<semaphore_mem>>
      %dma_start3A_169 = tpu.memref_squeeze %dma_start3A_168 : memref<1x!tpu.dma_semaphore, #tpu.memory_space<semaphore_mem>> -> memref<!tpu.dma_semaphore, #tpu.memory_space<semaphore_mem>>
      tpu.enqueue_indirect_dma source(%dma_start3A_161 : memref<80x128xbf16, #tpu.memory_space<vmem>>) target(%dma_start3A_167 : memref<10240x128xbf16, #tpu.memory_space<vmem_shared>>) offsets(%dma_start3A_164 : memref<80xi32, #tpu.memory_space<vmem>>) semaphore(%dma_start3A_169 : memref<!tpu.dma_semaphore, #tpu.memory_space<semaphore_mem>>) {add = true}
      %add3A_170 = arith.constant 2 : i32
      %add3A_171 = arith.addi %scan3A_144, %add3A_170 : i32
      %lt3A = arith.constant 125 : i32
      %lt3A_172 = arith.cmpi slt, %add3A_171, %lt3A : i32
      %convert_element_type3A = arith.extui %lt3A_172 : i1 to i32
      %cond3A = arith.constant 0 : i32
      %cond3A_173 = arith.cmpi ne, %convert_element_type3A, %cond3A : i32
      scf.if %cond3A_173 {
        %add3A_174 = arith.constant 2 : i32
        %add3A_175 = arith.addi %scan3A_144, %add3A_174 : i32
        %rem3A_176 = arith.constant 4 : i32
        %rem3A_177 = arith.remsi %add3A_175, %rem3A_176 : i32
        %ge3A = arith.constant 2 : i32
        %ge3A_178 = arith.cmpi sge, %scan3A_144, %ge3A : i32
        %convert_element_type3A_179 = arith.extui %ge3A_178 : i1 to i32
        %cond3A_180 = arith.constant 0 : i32
        %cond3A_181 = arith.cmpi ne, %convert_element_type3A_179, %cond3A_180 : i32
        scf.if %cond3A_181 {
          %dma_wait3A_196 = arith.constant 0 : i32
          %dma_wait3A_197 = arith.constant 0 : i32
          %dma_wait3A_198 = arith.constant 0 : i32
          %dma_wait3A_199 = tpu.memref_slice %arg8[%rem3A_177, %dma_wait3A_197, %dma_wait3A_198] : memref<4x80x128xbf16, #tpu.memory_space<vmem>> -> memref<1x80x128xbf16, #tpu.memory_space<vmem>>
          %dma_wait3A_200 = tpu.memref_squeeze %dma_wait3A_199 : memref<1x80x128xbf16, #tpu.memory_space<vmem>> -> memref<80x128xbf16, #tpu.memory_space<vmem>>
          %dma_wait3A_201 = arith.constant 0 : i32
          %dma_wait3A_202 = tpu.memref_slice %arg7[%dma_wait3A_196, %dma_wait3A_201] : memref<125x80xi32, #tpu.memory_space<vmem>> -> memref<1x80xi32, #tpu.memory_space<vmem>>
          %dma_wait3A_203 = tpu.memref_squeeze %dma_wait3A_202 : memref<1x80xi32, #tpu.memory_space<vmem>> -> memref<80xi32, #tpu.memory_space<vmem>>
          %dma_wait3A_204 = arith.constant 0 : i32
          %dma_wait3A_205 = arith.constant 0 : i32
          %dma_wait3A_206 = tpu.memref_slice %arg9[%dma_wait3A_204, %dma_wait3A_205] : memref<10240x128xbf16, #tpu.memory_space<vmem_shared>> -> memref<10240x128xbf16, #tpu.memory_space<vmem_shared>>
          %dma_wait3A_207 = tpu.memref_slice %arg11[%rem3A_177] : memref<4x!tpu.dma_semaphore, #tpu.memory_space<semaphore_mem>> -> memref<1x!tpu.dma_semaphore, #tpu.memory_space<semaphore_mem>>
          %dma_wait3A_208 = tpu.memref_squeeze %dma_wait3A_207 : memref<1x!tpu.dma_semaphore, #tpu.memory_space<semaphore_mem>> -> memref<!tpu.dma_semaphore, #tpu.memory_space<semaphore_mem>>
          tpu.wait_indirect_dma semaphore(%dma_wait3A_208 : memref<!tpu.dma_semaphore, #tpu.memory_space<semaphore_mem>>) src(%dma_wait3A_200 : memref<80x128xbf16, #tpu.memory_space<vmem>>) dst(%dma_wait3A_206 : memref<10240x128xbf16, #tpu.memory_space<vmem_shared>>)
        } else {
        }
        %add3A_182 = arith.constant 2 : i32
        %add3A_183 = arith.addi %scan3A_144, %add3A_182 : i32
        %dma_start3A_184 = arith.constant 0 : i32
        %dma_start3A_185 = arith.constant 0 : i32
        %dma_start3A_186 = tpu.memref_slice %arg8[%rem3A_177, %dma_start3A_184, %dma_start3A_185] : memref<4x80x128xbf16, #tpu.memory_space<vmem>> -> memref<1x80x128xbf16, #tpu.memory_space<vmem>>
        %dma_start3A_187 = tpu.memref_squeeze %dma_start3A_186 : memref<1x80x128xbf16, #tpu.memory_space<vmem>> -> memref<80x128xbf16, #tpu.memory_space<vmem>>
        %dma_start3A_188 = arith.constant 0 : i32
        %dma_start3A_189 = tpu.memref_slice %arg6[%add3A_183, %dma_start3A_188] : memref<125x80xi32, #tpu.memory_space<vmem>> -> memref<1x80xi32, #tpu.memory_space<vmem>>
        %dma_start3A_190 = tpu.memref_squeeze %dma_start3A_189 : memref<1x80xi32, #tpu.memory_space<vmem>> -> memref<80xi32, #tpu.memory_space<vmem>>
        %dma_start3A_191 = arith.constant 0 : i32
        %dma_start3A_192 = arith.constant 0 : i32
        %dma_start3A_193 = tpu.memref_slice %arg2[%dma_start3A_191, %dma_start3A_192] : memref<10000x128xbf16, #tpu.memory_space<hbm>> -> memref<10000x128xbf16, #tpu.memory_space<hbm>>
        %dma_start3A_194 = tpu.memref_slice %arg10[%rem3A_177] : memref<4x!tpu.dma_semaphore, #tpu.memory_space<semaphore_mem>> -> memref<1x!tpu.dma_semaphore, #tpu.memory_space<semaphore_mem>>
        %dma_start3A_195 = tpu.memref_squeeze %dma_start3A_194 : memref<1x!tpu.dma_semaphore, #tpu.memory_space<semaphore_mem>> -> memref<!tpu.dma_semaphore, #tpu.memory_space<semaphore_mem>>
        tpu.enqueue_indirect_dma source(%dma_start3A_193 : memref<10000x128xbf16, #tpu.memory_space<hbm>>) target(%dma_start3A_187 : memref<80x128xbf16, #tpu.memory_space<vmem>>) offsets(%dma_start3A_190 : memref<80xi32, #tpu.memory_space<vmem>>) semaphore(%dma_start3A_195 : memref<!tpu.dma_semaphore, #tpu.memory_space<semaphore_mem>>)
      } else {
      }
    }
    %scan3A_79 = arith.constant 125 : i32
    %dma_wait3A = arith.constant 1 : i32
    %dma_wait3A_80 = arith.constant 0 : i32
    %dma_wait3A_81 = arith.constant 1 : i32
    %dma_wait3A_82 = arith.constant 0 : i32
    %dma_wait3A_83 = arith.constant 0 : i32
    %dma_wait3A_84 = tpu.memref_slice %arg8[%dma_wait3A, %dma_wait3A_82, %dma_wait3A_83] : memref<4x80x128xbf16, #tpu.memory_space<vmem>> -> memref<1x80x128xbf16, #tpu.memory_space<vmem>>
    %dma_wait3A_85 = tpu.memref_squeeze %dma_wait3A_84 : memref<1x80x128xbf16, #tpu.memory_space<vmem>> -> memref<80x128xbf16, #tpu.memory_space<vmem>>
    %dma_wait3A_86 = arith.constant 0 : i32
    %dma_wait3A_87 = tpu.memref_slice %arg7[%dma_wait3A_80, %dma_wait3A_86] : memref<125x80xi32, #tpu.memory_space<vmem>> -> memref<1x80xi32, #tpu.memory_space<vmem>>
    %dma_wait3A_88 = tpu.memref_squeeze %dma_wait3A_87 : memref<1x80xi32, #tpu.memory_space<vmem>> -> memref<80xi32, #tpu.memory_space<vmem>>
    %dma_wait3A_89 = arith.constant 0 : i32
    %dma_wait3A_90 = arith.constant 0 : i32
    %dma_wait3A_91 = tpu.memref_slice %arg9[%dma_wait3A_89, %dma_wait3A_90] : memref<10240x128xbf16, #tpu.memory_space<vmem_shared>> -> memref<10240x128xbf16, #tpu.memory_space<vmem_shared>>
    %dma_wait3A_92 = tpu.memref_slice %arg11[%dma_wait3A_81] : memref<4x!tpu.dma_semaphore, #tpu.memory_space<semaphore_mem>> -> memref<1x!tpu.dma_semaphore, #tpu.memory_space<semaphore_mem>>
    %dma_wait3A_93 = tpu.memref_squeeze %dma_wait3A_92 : memref<1x!tpu.dma_semaphore, #tpu.memory_space<semaphore_mem>> -> memref<!tpu.dma_semaphore, #tpu.memory_space<semaphore_mem>>
    tpu.wait_indirect_dma semaphore(%dma_wait3A_93 : memref<!tpu.dma_semaphore, #tpu.memory_space<semaphore_mem>>) src(%dma_wait3A_85 : memref<80x128xbf16, #tpu.memory_space<vmem>>) dst(%dma_wait3A_91 : memref<10240x128xbf16, #tpu.memory_space<vmem_shared>>)
    %dma_wait3A_94 = arith.constant 2 : i32
    %dma_wait3A_95 = arith.constant 0 : i32
    %dma_wait3A_96 = arith.constant 2 : i32
    %dma_wait3A_97 = arith.constant 0 : i32
    %dma_wait3A_98 = arith.constant 0 : i32
    %dma_wait3A_99 = tpu.memref_slice %arg8[%dma_wait3A_94, %dma_wait3A_97, %dma_wait3A_98] : memref<4x80x128xbf16, #tpu.memory_space<vmem>> -> memref<1x80x128xbf16, #tpu.memory_space<vmem>>
    %dma_wait3A_100 = tpu.memref_squeeze %dma_wait3A_99 : memref<1x80x128xbf16, #tpu.memory_space<vmem>> -> memref<80x128xbf16, #tpu.memory_space<vmem>>
    %dma_wait3A_101 = arith.constant 0 : i32
    %dma_wait3A_102 = tpu.memref_slice %arg7[%dma_wait3A_95, %dma_wait3A_101] : memref<125x80xi32, #tpu.memory_space<vmem>> -> memref<1x80xi32, #tpu.memory_space<vmem>>
    %dma_wait3A_103 = tpu.memref_squeeze %dma_wait3A_102 : memref<1x80xi32, #tpu.memory_space<vmem>> -> memref<80xi32, #tpu.memory_space<vmem>>
    %dma_wait3A_104 = arith.constant 0 : i32
    %dma_wait3A_105 = arith.constant 0 : i32
    %dma_wait3A_106 = tpu.memref_slice %arg9[%dma_wait3A_104, %dma_wait3A_105] : memref<10240x128xbf16, #tpu.memory_space<vmem_shared>> -> memref<10240x128xbf16, #tpu.memory_space<vmem_shared>>
    %dma_wait3A_107 = tpu.memref_slice %arg11[%dma_wait3A_96] : memref<4x!tpu.dma_semaphore, #tpu.memory_space<semaphore_mem>> -> memref<1x!tpu.dma_semaphore, #tpu.memory_space<semaphore_mem>>
    %dma_wait3A_108 = tpu.memref_squeeze %dma_wait3A_107 : memref<1x!tpu.dma_semaphore, #tpu.memory_space<semaphore_mem>> -> memref<!tpu.dma_semaphore, #tpu.memory_space<semaphore_mem>>
    tpu.wait_indirect_dma semaphore(%dma_wait3A_108 : memref<!tpu.dma_semaphore, #tpu.memory_space<semaphore_mem>>) src(%dma_wait3A_100 : memref<80x128xbf16, #tpu.memory_space<vmem>>) dst(%dma_wait3A_106 : memref<10240x128xbf16, #tpu.memory_space<vmem_shared>>)
    %dma_wait3A_109 = arith.constant 3 : i32
    %dma_wait3A_110 = arith.constant 0 : i32
    %dma_wait3A_111 = arith.constant 3 : i32
    %dma_wait3A_112 = arith.constant 0 : i32
    %dma_wait3A_113 = arith.constant 0 : i32
    %dma_wait3A_114 = tpu.memref_slice %arg8[%dma_wait3A_109, %dma_wait3A_112, %dma_wait3A_113] : memref<4x80x128xbf16, #tpu.memory_space<vmem>> -> memref<1x80x128xbf16, #tpu.memory_space<vmem>>
    %dma_wait3A_115 = tpu.memref_squeeze %dma_wait3A_114 : memref<1x80x128xbf16, #tpu.memory_space<vmem>> -> memref<80x128xbf16, #tpu.memory_space<vmem>>
    %dma_wait3A_116 = arith.constant 0 : i32
    %dma_wait3A_117 = tpu.memref_slice %arg7[%dma_wait3A_110, %dma_wait3A_116] : memref<125x80xi32, #tpu.memory_space<vmem>> -> memref<1x80xi32, #tpu.memory_space<vmem>>
    %dma_wait3A_118 = tpu.memref_squeeze %dma_wait3A_117 : memref<1x80xi32, #tpu.memory_space<vmem>> -> memref<80xi32, #tpu.memory_space<vmem>>
    %dma_wait3A_119 = arith.constant 0 : i32
    %dma_wait3A_120 = arith.constant 0 : i32
    %dma_wait3A_121 = tpu.memref_slice %arg9[%dma_wait3A_119, %dma_wait3A_120] : memref<10240x128xbf16, #tpu.memory_space<vmem_shared>> -> memref<10240x128xbf16, #tpu.memory_space<vmem_shared>>
    %dma_wait3A_122 = tpu.memref_slice %arg11[%dma_wait3A_111] : memref<4x!tpu.dma_semaphore, #tpu.memory_space<semaphore_mem>> -> memref<1x!tpu.dma_semaphore, #tpu.memory_space<semaphore_mem>>
    %dma_wait3A_123 = tpu.memref_squeeze %dma_wait3A_122 : memref<1x!tpu.dma_semaphore, #tpu.memory_space<semaphore_mem>> -> memref<!tpu.dma_semaphore, #tpu.memory_space<semaphore_mem>>
    tpu.wait_indirect_dma semaphore(%dma_wait3A_123 : memref<!tpu.dma_semaphore, #tpu.memory_space<semaphore_mem>>) src(%dma_wait3A_115 : memref<80x128xbf16, #tpu.memory_space<vmem>>) dst(%dma_wait3A_121 : memref<10240x128xbf16, #tpu.memory_space<vmem_shared>>)
    %dma_wait3A_124 = arith.constant 0 : i32
    %dma_wait3A_125 = arith.constant 0 : i32
    %dma_wait3A_126 = arith.constant 0 : i32
    %dma_wait3A_127 = arith.constant 0 : i32
    %dma_wait3A_128 = arith.constant 0 : i32
    %dma_wait3A_129 = tpu.memref_slice %arg8[%dma_wait3A_124, %dma_wait3A_127, %dma_wait3A_128] : memref<4x80x128xbf16, #tpu.memory_space<vmem>> -> memref<1x80x128xbf16, #tpu.memory_space<vmem>>
    %dma_wait3A_130 = tpu.memref_squeeze %dma_wait3A_129 : memref<1x80x128xbf16, #tpu.memory_space<vmem>> -> memref<80x128xbf16, #tpu.memory_space<vmem>>
    %dma_wait3A_131 = arith.constant 0 : i32
    %dma_wait3A_132 = tpu.memref_slice %arg7[%dma_wait3A_125, %dma_wait3A_131] : memref<125x80xi32, #tpu.memory_space<vmem>> -> memref<1x80xi32, #tpu.memory_space<vmem>>
    %dma_wait3A_133 = tpu.memref_squeeze %dma_wait3A_132 : memref<1x80xi32, #tpu.memory_space<vmem>> -> memref<80xi32, #tpu.memory_space<vmem>>
    %dma_wait3A_134 = arith.constant 0 : i32
    %dma_wait3A_135 = arith.constant 0 : i32
    %dma_wait3A_136 = tpu.memref_slice %arg9[%dma_wait3A_134, %dma_wait3A_135] : memref<10240x128xbf16, #tpu.memory_space<vmem_shared>> -> memref<10240x128xbf16, #tpu.memory_space<vmem_shared>>
    %dma_wait3A_137 = tpu.memref_slice %arg11[%dma_wait3A_126] : memref<4x!tpu.dma_semaphore, #tpu.memory_space<semaphore_mem>> -> memref<1x!tpu.dma_semaphore, #tpu.memory_space<semaphore_mem>>
    %dma_wait3A_138 = tpu.memref_squeeze %dma_wait3A_137 : memref<1x!tpu.dma_semaphore, #tpu.memory_space<semaphore_mem>> -> memref<!tpu.dma_semaphore, #tpu.memory_space<semaphore_mem>>
    tpu.wait_indirect_dma semaphore(%dma_wait3A_138 : memref<!tpu.dma_semaphore, #tpu.memory_space<semaphore_mem>>) src(%dma_wait3A_130 : memref<80x128xbf16, #tpu.memory_space<vmem>>) dst(%dma_wait3A_136 : memref<10240x128xbf16, #tpu.memory_space<vmem_shared>>)
    %barrier3A_139 = arith.constant 0 : index
    tpu.barrier barrier_id(%barrier3A_139)
    %mul3A_140 = arith.constant 640 : i32
    %mul3A_141 = arith.muli %arg1, %mul3A_140 : i32
    %mul3A_142 = arith.constant 640 : i32
    %mul3A_143 = arith.muli %arg1, %mul3A_142 : i32
    "tpu.region"() ({
      %run_scoped3A_144 = tpu.sem_alloc : memref<!tpu.dma_semaphore, #tpu.memory_space<semaphore_mem>>
      %dma_start3A_145 = arith.constant 0 : i32
      %dma_start3A_146 = tpu.memref_slice %arg5[%arg0, %mul3A_143, %dma_start3A_145] : memref<2x10240x128xbf16, #tpu.memory_space<hbm>> -> memref<1x640x128xbf16, #tpu.memory_space<hbm>>
      %dma_start3A_147 = tpu.memref_squeeze %dma_start3A_146 : memref<1x640x128xbf16, #tpu.memory_space<hbm>> -> memref<640x128xbf16, #tpu.memory_space<hbm>>
      %dma_start3A_148 = arith.constant 0 : i32
      %dma_start3A_149 = tpu.memref_slice %arg9[%mul3A_141, %dma_start3A_148] : memref<10240x128xbf16, #tpu.memory_space<vmem_shared>> -> memref<640x128xbf16, #tpu.memory_space<vmem_shared>>
      tpu.enqueue_dma source(%dma_start3A_149 : memref<640x128xbf16, #tpu.memory_space<vmem_shared>>) target(%dma_start3A_147 : memref<640x128xbf16, #tpu.memory_space<hbm>>) target_semaphore(%run_scoped3A_144 : memref<!tpu.dma_semaphore, #tpu.memory_space<semaphore_mem>>)
      %dma_wait3A_150 = arith.constant 0 : i32
      %dma_wait3A_151 = tpu.memref_slice %arg5[%arg0, %mul3A_143, %dma_wait3A_150] : memref<2x10240x128xbf16, #tpu.memory_space<hbm>> -> memref<1x640x128xbf16, #tpu.memory_space<hbm>>
      %dma_wait3A_152 = tpu.memref_squeeze %dma_wait3A_151 : memref<1x640x128xbf16, #tpu.memory_space<hbm>> -> memref<640x128xbf16, #tpu.memory_space<hbm>>
      %dma_wait3A_153 = arith.constant 0 : i32
      %dma_wait3A_154 = tpu.memref_slice %arg9[%mul3A_141, %dma_wait3A_153] : memref<10240x128xbf16, #tpu.memory_space<vmem_shared>> -> memref<640x128xbf16, #tpu.memory_space<vmem_shared>>
      tpu.wait_dma2 semaphore(%run_scoped3A_144 : memref<!tpu.dma_semaphore, #tpu.memory_space<semaphore_mem>>) src(%dma_wait3A_154 : memref<640x128xbf16, #tpu.memory_space<vmem_shared>>) dst(%dma_wait3A_152 : memref<640x128xbf16, #tpu.memory_space<hbm>>)
      tpu.yield
    }) : () -> ()
    return
  }
}

#map = affine_map<(d0, d1) -> (0, 0)>
#map1 = affine_map<(d0, d1) -> (0, 0, 0)>
module attributes {stable_mosaic.version = 14 : i64} {
  func.func @agg(%arg0: i32, %arg1: i32, %arg2: memref<10000x64xf32, #tpu.memory_space<hbm>>, %arg3: memref<32x125x80xi32, #tpu.memory_space<hbm>>, %arg4: memref<32x125x80xi32, #tpu.memory_space<hbm>>, %arg5: memref<2x10240x64xf32, #tpu.memory_space<hbm>>, %arg6: memref<125x80xi32, #tpu.memory_space<vmem>>, %arg7: memref<125x80xi32, #tpu.memory_space<vmem>>, %arg8: memref<4x80x64xf32, #tpu.memory_space<vmem>>, %arg9: memref<10240x64xf32, #tpu.memory_space<vmem_shared>>, %arg10: memref<4x!tpu.dma_semaphore, #tpu.memory_space<semaphore_mem>>, %arg11: memref<4x!tpu.dma_semaphore, #tpu.memory_space<semaphore_mem>>) attributes {dimension_semantics = [#tpu.dimension_semantics<core_parallel>, #tpu.dimension_semantics<subcore_parallel>], iteration_bounds = array<i64: 2, 16>, scalar_prefetch = 0 : i64, scratch_operands = 6 : i64, tpu.core_type = #tpu.core_type<sc_vector_subcore>, window_params = [{transform_indices = #map}, {transform_indices = #map1}, {transform_indices = #map1}, {transform_indices = #map1}]} {
    %mul3A = arith.constant 2 : i32
    %mul3A_0 = arith.muli %arg1, %mul3A : i32
    %add3A = arith.addi %mul3A_0, %arg0 : i32
    "tpu.region"() ({
      %run_scoped3A_144 = tpu.sem_alloc : memref<!tpu.dma_semaphore, #tpu.memory_space<semaphore_mem>>
      %dma_start3A_145 = arith.constant 0 : i32
      %dma_start3A_146 = arith.constant 0 : i32
      %dma_start3A_147 = tpu.memref_slice %arg3[%add3A, %dma_start3A_145, %dma_start3A_146] : memref<32x125x80xi32, #tpu.memory_space<hbm>> -> memref<1x125x80xi32, #tpu.memory_space<hbm>>
      %dma_start3A_148 = tpu.memref_squeeze %dma_start3A_147 : memref<1x125x80xi32, #tpu.memory_space<hbm>> -> memref<125x80xi32, #tpu.memory_space<hbm>>
      %dma_start3A_149 = arith.constant 0 : i32
      %dma_start3A_150 = arith.constant 0 : i32
      %dma_start3A_151 = tpu.memref_slice %arg3[%add3A, %dma_start3A_149, %dma_start3A_150] : memref<32x125x80xi32, #tpu.memory_space<hbm>> -> memref<1x125x80xi32, #tpu.memory_space<hbm>>
      %dma_start3A_152 = tpu.memref_squeeze %dma_start3A_151 : memref<1x125x80xi32, #tpu.memory_space<hbm>> -> memref<125x80xi32, #tpu.memory_space<hbm>>
      tpu.enqueue_dma source(%dma_start3A_152 : memref<125x80xi32, #tpu.memory_space<hbm>>) target(%arg6 : memref<125x80xi32, #tpu.memory_space<vmem>>) target_semaphore(%run_scoped3A_144 : memref<!tpu.dma_semaphore, #tpu.memory_space<semaphore_mem>>)
      %dma_wait3A_153 = arith.constant 0 : i32
      %dma_wait3A_154 = arith.constant 0 : i32
      %dma_wait3A_155 = tpu.memref_slice %arg3[%add3A, %dma_wait3A_153, %dma_wait3A_154] : memref<32x125x80xi32, #tpu.memory_space<hbm>> -> memref<1x125x80xi32, #tpu.memory_space<hbm>>
      %dma_wait3A_156 = tpu.memref_squeeze %dma_wait3A_155 : memref<1x125x80xi32, #tpu.memory_space<hbm>> -> memref<125x80xi32, #tpu.memory_space<hbm>>
      %dma_wait3A_157 = arith.constant 0 : i32
      %dma_wait3A_158 = arith.constant 0 : i32
      %dma_wait3A_159 = tpu.memref_slice %arg3[%add3A, %dma_wait3A_157, %dma_wait3A_158] : memref<32x125x80xi32, #tpu.memory_space<hbm>> -> memref<1x125x80xi32, #tpu.memory_space<hbm>>
      %dma_wait3A_160 = tpu.memref_squeeze %dma_wait3A_159 : memref<1x125x80xi32, #tpu.memory_space<hbm>> -> memref<125x80xi32, #tpu.memory_space<hbm>>
      tpu.wait_dma2 semaphore(%run_scoped3A_144 : memref<!tpu.dma_semaphore, #tpu.memory_space<semaphore_mem>>) src(%dma_wait3A_160 : memref<125x80xi32, #tpu.memory_space<hbm>>) dst(%arg6 : memref<125x80xi32, #tpu.memory_space<vmem>>)
      tpu.yield
    }) : () -> ()
    "tpu.region"() ({
      %run_scoped3A_144 = tpu.sem_alloc : memref<!tpu.dma_semaphore, #tpu.memory_space<semaphore_mem>>
      %dma_start3A_145 = arith.constant 0 : i32
      %dma_start3A_146 = arith.constant 0 : i32
      %dma_start3A_147 = tpu.memref_slice %arg4[%add3A, %dma_start3A_145, %dma_start3A_146] : memref<32x125x80xi32, #tpu.memory_space<hbm>> -> memref<1x125x80xi32, #tpu.memory_space<hbm>>
      %dma_start3A_148 = tpu.memref_squeeze %dma_start3A_147 : memref<1x125x80xi32, #tpu.memory_space<hbm>> -> memref<125x80xi32, #tpu.memory_space<hbm>>
      %dma_start3A_149 = arith.constant 0 : i32
      %dma_start3A_150 = arith.constant 0 : i32
      %dma_start3A_151 = tpu.memref_slice %arg4[%add3A, %dma_start3A_149, %dma_start3A_150] : memref<32x125x80xi32, #tpu.memory_space<hbm>> -> memref<1x125x80xi32, #tpu.memory_space<hbm>>
      %dma_start3A_152 = tpu.memref_squeeze %dma_start3A_151 : memref<1x125x80xi32, #tpu.memory_space<hbm>> -> memref<125x80xi32, #tpu.memory_space<hbm>>
      tpu.enqueue_dma source(%dma_start3A_152 : memref<125x80xi32, #tpu.memory_space<hbm>>) target(%arg7 : memref<125x80xi32, #tpu.memory_space<vmem>>) target_semaphore(%run_scoped3A_144 : memref<!tpu.dma_semaphore, #tpu.memory_space<semaphore_mem>>)
      %dma_wait3A_153 = arith.constant 0 : i32
      %dma_wait3A_154 = arith.constant 0 : i32
      %dma_wait3A_155 = tpu.memref_slice %arg4[%add3A, %dma_wait3A_153, %dma_wait3A_154] : memref<32x125x80xi32, #tpu.memory_space<hbm>> -> memref<1x125x80xi32, #tpu.memory_space<hbm>>
      %dma_wait3A_156 = tpu.memref_squeeze %dma_wait3A_155 : memref<1x125x80xi32, #tpu.memory_space<hbm>> -> memref<125x80xi32, #tpu.memory_space<hbm>>
      %dma_wait3A_157 = arith.constant 0 : i32
      %dma_wait3A_158 = arith.constant 0 : i32
      %dma_wait3A_159 = tpu.memref_slice %arg4[%add3A, %dma_wait3A_157, %dma_wait3A_158] : memref<32x125x80xi32, #tpu.memory_space<hbm>> -> memref<1x125x80xi32, #tpu.memory_space<hbm>>
      %dma_wait3A_160 = tpu.memref_squeeze %dma_wait3A_159 : memref<1x125x80xi32, #tpu.memory_space<hbm>> -> memref<125x80xi32, #tpu.memory_space<hbm>>
      tpu.wait_dma2 semaphore(%run_scoped3A_144 : memref<!tpu.dma_semaphore, #tpu.memory_space<semaphore_mem>>) src(%dma_wait3A_160 : memref<125x80xi32, #tpu.memory_space<hbm>>) dst(%arg7 : memref<125x80xi32, #tpu.memory_space<vmem>>)
      tpu.yield
    }) : () -> ()
    %scan3A = arith.constant 0 : i32
    %scan3A_1 = arith.constant 0 : i32
    %scan3A_2 = arith.constant 80 : i32
    %scan3A_3 = arith.addi %scan3A_1, %scan3A_2 : i32
    %scan3A_4 = arith.constant 1 : i32
    scf.for %scan3A_144 = %scan3A_1 to %scan3A_3 step %scan3A_4  : i32 {
      %broadcast_in_dim3A = arith.constant 0.000000e+00 : f32
      %broadcast_in_dim3A_145 = vector.broadcast %broadcast_in_dim3A : f32 to vector<16xf32>
      %swap3A = arith.constant 0 : i32
      %swap3A_146 = arith.index_cast %swap3A : i32 to index
      %swap3A_147 = arith.index_cast %scan3A_144 : i32 to index
      %swap3A_148 = arith.constant 0 : index
      %swap3A_149 = tpu.vector_load %arg8[%swap3A_146, %swap3A_147, %swap3A_148] {strides = array<i32>} : memref<4x80x64xf32, #tpu.memory_space<vmem>>, vector<1x1x16xf32>,
      %swap3A_150 = vector.shape_cast %swap3A_149 : vector<1x1x16xf32> to vector<16xf32>
      %swap3A_151 = vector.shape_cast %broadcast_in_dim3A_145 : vector<16xf32> to vector<1x1x16xf32>
      tpu.vector_store %arg8[%swap3A_146, %swap3A_147, %swap3A_148], %swap3A_151 {strides = array<i32>} : memref<4x80x64xf32, #tpu.memory_space<vmem>>, vector<1x1x16xf32>,
      %broadcast_in_dim3A_152 = arith.constant 0.000000e+00 : f32
      %broadcast_in_dim3A_153 = vector.broadcast %broadcast_in_dim3A_152 : f32 to vector<16xf32>
      %swap3A_154 = arith.constant 0 : i32
      %swap3A_155 = arith.index_cast %swap3A_154 : i32 to index
      %swap3A_156 = arith.index_cast %scan3A_144 : i32 to index
      %swap3A_157 = arith.constant 16 : index
      %swap3A_158 = tpu.vector_load %arg8[%swap3A_155, %swap3A_156, %swap3A_157] {strides = array<i32>} : memref<4x80x64xf32, #tpu.memory_space<vmem>>, vector<1x1x16xf32>,
      %swap3A_159 = vector.shape_cast %swap3A_158 : vector<1x1x16xf32> to vector<16xf32>
      %swap3A_160 = vector.shape_cast %broadcast_in_dim3A_153 : vector<16xf32> to vector<1x1x16xf32>
      tpu.vector_store %arg8[%swap3A_155, %swap3A_156, %swap3A_157], %swap3A_160 {strides = array<i32>} : memref<4x80x64xf32, #tpu.memory_space<vmem>>, vector<1x1x16xf32>,
      %broadcast_in_dim3A_161 = arith.constant 0.000000e+00 : f32
      %broadcast_in_dim3A_162 = vector.broadcast %broadcast_in_dim3A_161 : f32 to vector<16xf32>
      %swap3A_163 = arith.constant 0 : i32
      %swap3A_164 = arith.index_cast %swap3A_163 : i32 to index
      %swap3A_165 = arith.index_cast %scan3A_144 : i32 to index
      %swap3A_166 = arith.constant 32 : index
      %swap3A_167 = tpu.vector_load %arg8[%swap3A_164, %swap3A_165, %swap3A_166] {strides = array<i32>} : memref<4x80x64xf32, #tpu.memory_space<vmem>>, vector<1x1x16xf32>,
      %swap3A_168 = vector.shape_cast %swap3A_167 : vector<1x1x16xf32> to vector<16xf32>
      %swap3A_169 = vector.shape_cast %broadcast_in_dim3A_162 : vector<16xf32> to vector<1x1x16xf32>
      tpu.vector_store %arg8[%swap3A_164, %swap3A_165, %swap3A_166], %swap3A_169 {strides = array<i32>} : memref<4x80x64xf32, #tpu.memory_space<vmem>>, vector<1x1x16xf32>,
      %broadcast_in_dim3A_170 = arith.constant 0.000000e+00 : f32
      %broadcast_in_dim3A_171 = vector.broadcast %broadcast_in_dim3A_170 : f32 to vector<16xf32>
      %swap3A_172 = arith.constant 0 : i32
      %swap3A_173 = arith.index_cast %swap3A_172 : i32 to index
      %swap3A_174 = arith.index_cast %scan3A_144 : i32 to index
      %swap3A_175 = arith.constant 48 : index
      %swap3A_176 = tpu.vector_load %arg8[%swap3A_173, %swap3A_174, %swap3A_175] {strides = array<i32>} : memref<4x80x64xf32, #tpu.memory_space<vmem>>, vector<1x1x16xf32>,
      %swap3A_177 = vector.shape_cast %swap3A_176 : vector<1x1x16xf32> to vector<16xf32>
      %swap3A_178 = vector.shape_cast %broadcast_in_dim3A_171 : vector<16xf32> to vector<1x1x16xf32>
      tpu.vector_store %arg8[%swap3A_173, %swap3A_174, %swap3A_175], %swap3A_178 {strides = array<i32>} : memref<4x80x64xf32, #tpu.memory_space<vmem>>, vector<1x1x16xf32>,
    }
    %scan3A_5 = arith.constant 80 : i32
    %mul3A_6 = arith.constant 640 : i32
    %mul3A_7 = arith.muli %arg1, %mul3A_6 : i32
    %add3A_8 = arith.constant 0 : i32
    %add3A_9 = arith.addi %mul3A_7, %add3A_8 : i32
    %run_scoped3A = arith.constant 0 : i32
    "tpu.region"() ({
      %run_scoped3A_144 = tpu.sem_alloc : memref<!tpu.dma_semaphore, #tpu.memory_space<semaphore_mem>>
      %dma_start3A_145 = arith.constant 0 : i32
      %dma_start3A_146 = arith.constant 0 : i32
      %dma_start3A_147 = tpu.memref_slice %arg8[%run_scoped3A, %dma_start3A_145, %dma_start3A_146] : memref<4x80x64xf32, #tpu.memory_space<vmem>> -> memref<1x80x64xf32, #tpu.memory_space<vmem>>
      %dma_start3A_148 = tpu.memref_squeeze %dma_start3A_147 : memref<1x80x64xf32, #tpu.memory_space<vmem>> -> memref<80x64xf32, #tpu.memory_space<vmem>>
      %dma_start3A_149 = arith.constant 0 : i32
      %dma_start3A_150 = tpu.memref_slice %arg9[%add3A_9, %dma_start3A_149] : memref<10240x64xf32, #tpu.memory_space<vmem_shared>> -> memref<80x64xf32, #tpu.memory_space<vmem_shared>>
      %dma_start3A_151 = arith.constant 0 : i32
      %dma_start3A_152 = tpu.memref_slice %arg9[%add3A_9, %dma_start3A_151] : memref<10240x64xf32, #tpu.memory_space<vmem_shared>> -> memref<80x64xf32, #tpu.memory_space<vmem_shared>>
      %dma_start3A_153 = arith.constant 0 : i32
      %dma_start3A_154 = arith.constant 0 : i32
      %dma_start3A_155 = tpu.memref_slice %arg8[%run_scoped3A, %dma_start3A_153, %dma_start3A_154] : memref<4x80x64xf32, #tpu.memory_space<vmem>> -> memref<1x80x64xf32, #tpu.memory_space<vmem>>
      %dma_start3A_156 = tpu.memref_squeeze %dma_start3A_155 : memref<1x80x64xf32, #tpu.memory_space<vmem>> -> memref<80x64xf32, #tpu.memory_space<vmem>>
      tpu.enqueue_dma source(%dma_start3A_156 : memref<80x64xf32, #tpu.memory_space<vmem>>) target(%dma_start3A_152 : memref<80x64xf32, #tpu.memory_space<vmem_shared>>) target_semaphore(%run_scoped3A_144 : memref<!tpu.dma_semaphore, #tpu.memory_space<semaphore_mem>>)
      %dma_wait3A_157 = arith.constant 0 : i32
      %dma_wait3A_158 = arith.constant 0 : i32
      %dma_wait3A_159 = tpu.memref_slice %arg8[%run_scoped3A, %dma_wait3A_157, %dma_wait3A_158] : memref<4x80x64xf32, #tpu.memory_space<vmem>> -> memref<1x80x64xf32, #tpu.memory_space<vmem>>
      %dma_wait3A_160 = tpu.memref_squeeze %dma_wait3A_159 : memref<1x80x64xf32, #tpu.memory_space<vmem>> -> memref<80x64xf32, #tpu.memory_space<vmem>>
      %dma_wait3A_161 = arith.constant 0 : i32
      %dma_wait3A_162 = tpu.memref_slice %arg9[%add3A_9, %dma_wait3A_161] : memref<10240x64xf32, #tpu.memory_space<vmem_shared>> -> memref<80x64xf32, #tpu.memory_space<vmem_shared>>
      %dma_wait3A_163 = arith.constant 0 : i32
      %dma_wait3A_164 = tpu.memref_slice %arg9[%add3A_9, %dma_wait3A_163] : memref<10240x64xf32, #tpu.memory_space<vmem_shared>> -> memref<80x64xf32, #tpu.memory_space<vmem_shared>>
      %dma_wait3A_165 = arith.constant 0 : i32
      %dma_wait3A_166 = arith.constant 0 : i32
      %dma_wait3A_167 = tpu.memref_slice %arg8[%run_scoped3A, %dma_wait3A_165, %dma_wait3A_166] : memref<4x80x64xf32, #tpu.memory_space<vmem>> -> memref<1x80x64xf32, #tpu.memory_space<vmem>>
      %dma_wait3A_168 = tpu.memref_squeeze %dma_wait3A_167 : memref<1x80x64xf32, #tpu.memory_space<vmem>> -> memref<80x64xf32, #tpu.memory_space<vmem>>
      tpu.wait_dma2 semaphore(%run_scoped3A_144 : memref<!tpu.dma_semaphore, #tpu.memory_space<semaphore_mem>>) src(%dma_wait3A_168 : memref<80x64xf32, #tpu.memory_space<vmem>>) dst(%dma_wait3A_164 : memref<80x64xf32, #tpu.memory_space<vmem_shared>>)
      tpu.yield
    }) : () -> ()
    %mul3A_10 = arith.constant 640 : i32
    %mul3A_11 = arith.muli %arg1, %mul3A_10 : i32
    %add3A_12 = arith.constant 80 : i32
    %add3A_13 = arith.addi %mul3A_11, %add3A_12 : i32
    %run_scoped3A_14 = arith.constant 0 : i32
    "tpu.region"() ({
      %run_scoped3A_144 = tpu.sem_alloc : memref<!tpu.dma_semaphore, #tpu.memory_space<semaphore_mem>>
      %dma_start3A_145 = arith.constant 0 : i32
      %dma_start3A_146 = arith.constant 0 : i32
      %dma_start3A_147 = tpu.memref_slice %arg8[%run_scoped3A_14, %dma_start3A_145, %dma_start3A_146] : memref<4x80x64xf32, #tpu.memory_space<vmem>> -> memref<1x80x64xf32, #tpu.memory_space<vmem>>
      %dma_start3A_148 = tpu.memref_squeeze %dma_start3A_147 : memref<1x80x64xf32, #tpu.memory_space<vmem>> -> memref<80x64xf32, #tpu.memory_space<vmem>>
      %dma_start3A_149 = arith.constant 0 : i32
      %dma_start3A_150 = tpu.memref_slice %arg9[%add3A_13, %dma_start3A_149] : memref<10240x64xf32, #tpu.memory_space<vmem_shared>> -> memref<80x64xf32, #tpu.memory_space<vmem_shared>>
      %dma_start3A_151 = arith.constant 0 : i32
      %dma_start3A_152 = tpu.memref_slice %arg9[%add3A_13, %dma_start3A_151] : memref<10240x64xf32, #tpu.memory_space<vmem_shared>> -> memref<80x64xf32, #tpu.memory_space<vmem_shared>>
      %dma_start3A_153 = arith.constant 0 : i32
      %dma_start3A_154 = arith.constant 0 : i32
      %dma_start3A_155 = tpu.memref_slice %arg8[%run_scoped3A_14, %dma_start3A_153, %dma_start3A_154] : memref<4x80x64xf32, #tpu.memory_space<vmem>> -> memref<1x80x64xf32, #tpu.memory_space<vmem>>
      %dma_start3A_156 = tpu.memref_squeeze %dma_start3A_155 : memref<1x80x64xf32, #tpu.memory_space<vmem>> -> memref<80x64xf32, #tpu.memory_space<vmem>>
      tpu.enqueue_dma source(%dma_start3A_156 : memref<80x64xf32, #tpu.memory_space<vmem>>) target(%dma_start3A_152 : memref<80x64xf32, #tpu.memory_space<vmem_shared>>) target_semaphore(%run_scoped3A_144 : memref<!tpu.dma_semaphore, #tpu.memory_space<semaphore_mem>>)
      %dma_wait3A_157 = arith.constant 0 : i32
      %dma_wait3A_158 = arith.constant 0 : i32
      %dma_wait3A_159 = tpu.memref_slice %arg8[%run_scoped3A_14, %dma_wait3A_157, %dma_wait3A_158] : memref<4x80x64xf32, #tpu.memory_space<vmem>> -> memref<1x80x64xf32, #tpu.memory_space<vmem>>
      %dma_wait3A_160 = tpu.memref_squeeze %dma_wait3A_159 : memref<1x80x64xf32, #tpu.memory_space<vmem>> -> memref<80x64xf32, #tpu.memory_space<vmem>>
      %dma_wait3A_161 = arith.constant 0 : i32
      %dma_wait3A_162 = tpu.memref_slice %arg9[%add3A_13, %dma_wait3A_161] : memref<10240x64xf32, #tpu.memory_space<vmem_shared>> -> memref<80x64xf32, #tpu.memory_space<vmem_shared>>
      %dma_wait3A_163 = arith.constant 0 : i32
      %dma_wait3A_164 = tpu.memref_slice %arg9[%add3A_13, %dma_wait3A_163] : memref<10240x64xf32, #tpu.memory_space<vmem_shared>> -> memref<80x64xf32, #tpu.memory_space<vmem_shared>>
      %dma_wait3A_165 = arith.constant 0 : i32
      %dma_wait3A_166 = arith.constant 0 : i32
      %dma_wait3A_167 = tpu.memref_slice %arg8[%run_scoped3A_14, %dma_wait3A_165, %dma_wait3A_166] : memref<4x80x64xf32, #tpu.memory_space<vmem>> -> memref<1x80x64xf32, #tpu.memory_space<vmem>>
      %dma_wait3A_168 = tpu.memref_squeeze %dma_wait3A_167 : memref<1x80x64xf32, #tpu.memory_space<vmem>> -> memref<80x64xf32, #tpu.memory_space<vmem>>
      tpu.wait_dma2 semaphore(%run_scoped3A_144 : memref<!tpu.dma_semaphore, #tpu.memory_space<semaphore_mem>>) src(%dma_wait3A_168 : memref<80x64xf32, #tpu.memory_space<vmem>>) dst(%dma_wait3A_164 : memref<80x64xf32, #tpu.memory_space<vmem_shared>>)
      tpu.yield
    }) : () -> ()
    %mul3A_15 = arith.constant 640 : i32
    %mul3A_16 = arith.muli %arg1, %mul3A_15 : i32
    %add3A_17 = arith.constant 160 : i32
    %add3A_18 = arith.addi %mul3A_16, %add3A_17 : i32
    %run_scoped3A_19 = arith.constant 0 : i32
    "tpu.region"() ({
      %run_scoped3A_144 = tpu.sem_alloc : memref<!tpu.dma_semaphore, #tpu.memory_space<semaphore_mem>>
      %dma_start3A_145 = arith.constant 0 : i32
      %dma_start3A_146 = arith.constant 0 : i32
      %dma_start3A_147 = tpu.memref_slice %arg8[%run_scoped3A_19, %dma_start3A_145, %dma_start3A_146] : memref<4x80x64xf32, #tpu.memory_space<vmem>> -> memref<1x80x64xf32, #tpu.memory_space<vmem>>
      %dma_start3A_148 = tpu.memref_squeeze %dma_start3A_147 : memref<1x80x64xf32, #tpu.memory_space<vmem>> -> memref<80x64xf32, #tpu.memory_space<vmem>>
      %dma_start3A_149 = arith.constant 0 : i32
      %dma_start3A_150 = tpu.memref_slice %arg9[%add3A_18, %dma_start3A_149] : memref<10240x64xf32, #tpu.memory_space<vmem_shared>> -> memref<80x64xf32, #tpu.memory_space<vmem_shared>>
      %dma_start3A_151 = arith.constant 0 : i32
      %dma_start3A_152 = tpu.memref_slice %arg9[%add3A_18, %dma_start3A_151] : memref<10240x64xf32, #tpu.memory_space<vmem_shared>> -> memref<80x64xf32, #tpu.memory_space<vmem_shared>>
      %dma_start3A_153 = arith.constant 0 : i32
      %dma_start3A_154 = arith.constant 0 : i32
      %dma_start3A_155 = tpu.memref_slice %arg8[%run_scoped3A_19, %dma_start3A_153, %dma_start3A_154] : memref<4x80x64xf32, #tpu.memory_space<vmem>> -> memref<1x80x64xf32, #tpu.memory_space<vmem>>
      %dma_start3A_156 = tpu.memref_squeeze %dma_start3A_155 : memref<1x80x64xf32, #tpu.memory_space<vmem>> -> memref<80x64xf32, #tpu.memory_space<vmem>>
      tpu.enqueue_dma source(%dma_start3A_156 : memref<80x64xf32, #tpu.memory_space<vmem>>) target(%dma_start3A_152 : memref<80x64xf32, #tpu.memory_space<vmem_shared>>) target_semaphore(%run_scoped3A_144 : memref<!tpu.dma_semaphore, #tpu.memory_space<semaphore_mem>>)
      %dma_wait3A_157 = arith.constant 0 : i32
      %dma_wait3A_158 = arith.constant 0 : i32
      %dma_wait3A_159 = tpu.memref_slice %arg8[%run_scoped3A_19, %dma_wait3A_157, %dma_wait3A_158] : memref<4x80x64xf32, #tpu.memory_space<vmem>> -> memref<1x80x64xf32, #tpu.memory_space<vmem>>
      %dma_wait3A_160 = tpu.memref_squeeze %dma_wait3A_159 : memref<1x80x64xf32, #tpu.memory_space<vmem>> -> memref<80x64xf32, #tpu.memory_space<vmem>>
      %dma_wait3A_161 = arith.constant 0 : i32
      %dma_wait3A_162 = tpu.memref_slice %arg9[%add3A_18, %dma_wait3A_161] : memref<10240x64xf32, #tpu.memory_space<vmem_shared>> -> memref<80x64xf32, #tpu.memory_space<vmem_shared>>
      %dma_wait3A_163 = arith.constant 0 : i32
      %dma_wait3A_164 = tpu.memref_slice %arg9[%add3A_18, %dma_wait3A_163] : memref<10240x64xf32, #tpu.memory_space<vmem_shared>> -> memref<80x64xf32, #tpu.memory_space<vmem_shared>>
      %dma_wait3A_165 = arith.constant 0 : i32
      %dma_wait3A_166 = arith.constant 0 : i32
      %dma_wait3A_167 = tpu.memref_slice %arg8[%run_scoped3A_19, %dma_wait3A_165, %dma_wait3A_166] : memref<4x80x64xf32, #tpu.memory_space<vmem>> -> memref<1x80x64xf32, #tpu.memory_space<vmem>>
      %dma_wait3A_168 = tpu.memref_squeeze %dma_wait3A_167 : memref<1x80x64xf32, #tpu.memory_space<vmem>> -> memref<80x64xf32, #tpu.memory_space<vmem>>
      tpu.wait_dma2 semaphore(%run_scoped3A_144 : memref<!tpu.dma_semaphore, #tpu.memory_space<semaphore_mem>>) src(%dma_wait3A_168 : memref<80x64xf32, #tpu.memory_space<vmem>>) dst(%dma_wait3A_164 : memref<80x64xf32, #tpu.memory_space<vmem_shared>>)
      tpu.yield
    }) : () -> ()
    %mul3A_20 = arith.constant 640 : i32
    %mul3A_21 = arith.muli %arg1, %mul3A_20 : i32
    %add3A_22 = arith.constant 240 : i32
    %add3A_23 = arith.addi %mul3A_21, %add3A_22 : i32
    %run_scoped3A_24 = arith.constant 0 : i32
    "tpu.region"() ({
      %run_scoped3A_144 = tpu.sem_alloc : memref<!tpu.dma_semaphore, #tpu.memory_space<semaphore_mem>>
      %dma_start3A_145 = arith.constant 0 : i32
      %dma_start3A_146 = arith.constant 0 : i32
      %dma_start3A_147 = tpu.memref_slice %arg8[%run_scoped3A_24, %dma_start3A_145, %dma_start3A_146] : memref<4x80x64xf32, #tpu.memory_space<vmem>> -> memref<1x80x64xf32, #tpu.memory_space<vmem>>
      %dma_start3A_148 = tpu.memref_squeeze %dma_start3A_147 : memref<1x80x64xf32, #tpu.memory_space<vmem>> -> memref<80x64xf32, #tpu.memory_space<vmem>>
      %dma_start3A_149 = arith.constant 0 : i32
      %dma_start3A_150 = tpu.memref_slice %arg9[%add3A_23, %dma_start3A_149] : memref<10240x64xf32, #tpu.memory_space<vmem_shared>> -> memref<80x64xf32, #tpu.memory_space<vmem_shared>>
      %dma_start3A_151 = arith.constant 0 : i32
      %dma_start3A_152 = tpu.memref_slice %arg9[%add3A_23, %dma_start3A_151] : memref<10240x64xf32, #tpu.memory_space<vmem_shared>> -> memref<80x64xf32, #tpu.memory_space<vmem_shared>>
      %dma_start3A_153 = arith.constant 0 : i32
      %dma_start3A_154 = arith.constant 0 : i32
      %dma_start3A_155 = tpu.memref_slice %arg8[%run_scoped3A_24, %dma_start3A_153, %dma_start3A_154] : memref<4x80x64xf32, #tpu.memory_space<vmem>> -> memref<1x80x64xf32, #tpu.memory_space<vmem>>
      %dma_start3A_156 = tpu.memref_squeeze %dma_start3A_155 : memref<1x80x64xf32, #tpu.memory_space<vmem>> -> memref<80x64xf32, #tpu.memory_space<vmem>>
      tpu.enqueue_dma source(%dma_start3A_156 : memref<80x64xf32, #tpu.memory_space<vmem>>) target(%dma_start3A_152 : memref<80x64xf32, #tpu.memory_space<vmem_shared>>) target_semaphore(%run_scoped3A_144 : memref<!tpu.dma_semaphore, #tpu.memory_space<semaphore_mem>>)
      %dma_wait3A_157 = arith.constant 0 : i32
      %dma_wait3A_158 = arith.constant 0 : i32
      %dma_wait3A_159 = tpu.memref_slice %arg8[%run_scoped3A_24, %dma_wait3A_157, %dma_wait3A_158] : memref<4x80x64xf32, #tpu.memory_space<vmem>> -> memref<1x80x64xf32, #tpu.memory_space<vmem>>
      %dma_wait3A_160 = tpu.memref_squeeze %dma_wait3A_159 : memref<1x80x64xf32, #tpu.memory_space<vmem>> -> memref<80x64xf32, #tpu.memory_space<vmem>>
      %dma_wait3A_161 = arith.constant 0 : i32
      %dma_wait3A_162 = tpu.memref_slice %arg9[%add3A_23, %dma_wait3A_161] : memref<10240x64xf32, #tpu.memory_space<vmem_shared>> -> memref<80x64xf32, #tpu.memory_space<vmem_shared>>
      %dma_wait3A_163 = arith.constant 0 : i32
      %dma_wait3A_164 = tpu.memref_slice %arg9[%add3A_23, %dma_wait3A_163] : memref<10240x64xf32, #tpu.memory_space<vmem_shared>> -> memref<80x64xf32, #tpu.memory_space<vmem_shared>>
      %dma_wait3A_165 = arith.constant 0 : i32
      %dma_wait3A_166 = arith.constant 0 : i32
      %dma_wait3A_167 = tpu.memref_slice %arg8[%run_scoped3A_24, %dma_wait3A_165, %dma_wait3A_166] : memref<4x80x64xf32, #tpu.memory_space<vmem>> -> memref<1x80x64xf32, #tpu.memory_space<vmem>>
      %dma_wait3A_168 = tpu.memref_squeeze %dma_wait3A_167 : memref<1x80x64xf32, #tpu.memory_space<vmem>> -> memref<80x64xf32, #tpu.memory_space<vmem>>
      tpu.wait_dma2 semaphore(%run_scoped3A_144 : memref<!tpu.dma_semaphore, #tpu.memory_space<semaphore_mem>>) src(%dma_wait3A_168 : memref<80x64xf32, #tpu.memory_space<vmem>>) dst(%dma_wait3A_164 : memref<80x64xf32, #tpu.memory_space<vmem_shared>>)
      tpu.yield
    }) : () -> ()
    %mul3A_25 = arith.constant 640 : i32
    %mul3A_26 = arith.muli %arg1, %mul3A_25 : i32
    %add3A_27 = arith.constant 320 : i32
    %add3A_28 = arith.addi %mul3A_26, %add3A_27 : i32
    %run_scoped3A_29 = arith.constant 0 : i32
    "tpu.region"() ({
      %run_scoped3A_144 = tpu.sem_alloc : memref<!tpu.dma_semaphore, #tpu.memory_space<semaphore_mem>>
      %dma_start3A_145 = arith.constant 0 : i32
      %dma_start3A_146 = arith.constant 0 : i32
      %dma_start3A_147 = tpu.memref_slice %arg8[%run_scoped3A_29, %dma_start3A_145, %dma_start3A_146] : memref<4x80x64xf32, #tpu.memory_space<vmem>> -> memref<1x80x64xf32, #tpu.memory_space<vmem>>
      %dma_start3A_148 = tpu.memref_squeeze %dma_start3A_147 : memref<1x80x64xf32, #tpu.memory_space<vmem>> -> memref<80x64xf32, #tpu.memory_space<vmem>>
      %dma_start3A_149 = arith.constant 0 : i32
      %dma_start3A_150 = tpu.memref_slice %arg9[%add3A_28, %dma_start3A_149] : memref<10240x64xf32, #tpu.memory_space<vmem_shared>> -> memref<80x64xf32, #tpu.memory_space<vmem_shared>>
      %dma_start3A_151 = arith.constant 0 : i32
      %dma_start3A_152 = tpu.memref_slice %arg9[%add3A_28, %dma_start3A_151] : memref<10240x64xf32, #tpu.memory_space<vmem_shared>> -> memref<80x64xf32, #tpu.memory_space<vmem_shared>>
      %dma_start3A_153 = arith.constant 0 : i32
      %dma_start3A_154 = arith.constant 0 : i32
      %dma_start3A_155 = tpu.memref_slice %arg8[%run_scoped3A_29, %dma_start3A_153, %dma_start3A_154] : memref<4x80x64xf32, #tpu.memory_space<vmem>> -> memref<1x80x64xf32, #tpu.memory_space<vmem>>
      %dma_start3A_156 = tpu.memref_squeeze %dma_start3A_155 : memref<1x80x64xf32, #tpu.memory_space<vmem>> -> memref<80x64xf32, #tpu.memory_space<vmem>>
      tpu.enqueue_dma source(%dma_start3A_156 : memref<80x64xf32, #tpu.memory_space<vmem>>) target(%dma_start3A_152 : memref<80x64xf32, #tpu.memory_space<vmem_shared>>) target_semaphore(%run_scoped3A_144 : memref<!tpu.dma_semaphore, #tpu.memory_space<semaphore_mem>>)
      %dma_wait3A_157 = arith.constant 0 : i32
      %dma_wait3A_158 = arith.constant 0 : i32
      %dma_wait3A_159 = tpu.memref_slice %arg8[%run_scoped3A_29, %dma_wait3A_157, %dma_wait3A_158] : memref<4x80x64xf32, #tpu.memory_space<vmem>> -> memref<1x80x64xf32, #tpu.memory_space<vmem>>
      %dma_wait3A_160 = tpu.memref_squeeze %dma_wait3A_159 : memref<1x80x64xf32, #tpu.memory_space<vmem>> -> memref<80x64xf32, #tpu.memory_space<vmem>>
      %dma_wait3A_161 = arith.constant 0 : i32
      %dma_wait3A_162 = tpu.memref_slice %arg9[%add3A_28, %dma_wait3A_161] : memref<10240x64xf32, #tpu.memory_space<vmem_shared>> -> memref<80x64xf32, #tpu.memory_space<vmem_shared>>
      %dma_wait3A_163 = arith.constant 0 : i32
      %dma_wait3A_164 = tpu.memref_slice %arg9[%add3A_28, %dma_wait3A_163] : memref<10240x64xf32, #tpu.memory_space<vmem_shared>> -> memref<80x64xf32, #tpu.memory_space<vmem_shared>>
      %dma_wait3A_165 = arith.constant 0 : i32
      %dma_wait3A_166 = arith.constant 0 : i32
      %dma_wait3A_167 = tpu.memref_slice %arg8[%run_scoped3A_29, %dma_wait3A_165, %dma_wait3A_166] : memref<4x80x64xf32, #tpu.memory_space<vmem>> -> memref<1x80x64xf32, #tpu.memory_space<vmem>>
      %dma_wait3A_168 = tpu.memref_squeeze %dma_wait3A_167 : memref<1x80x64xf32, #tpu.memory_space<vmem>> -> memref<80x64xf32, #tpu.memory_space<vmem>>
      tpu.wait_dma2 semaphore(%run_scoped3A_144 : memref<!tpu.dma_semaphore, #tpu.memory_space<semaphore_mem>>) src(%dma_wait3A_168 : memref<80x64xf32, #tpu.memory_space<vmem>>) dst(%dma_wait3A_164 : memref<80x64xf32, #tpu.memory_space<vmem_shared>>)
      tpu.yield
    }) : () -> ()
    %mul3A_30 = arith.constant 640 : i32
    %mul3A_31 = arith.muli %arg1, %mul3A_30 : i32
    %add3A_32 = arith.constant 400 : i32
    %add3A_33 = arith.addi %mul3A_31, %add3A_32 : i32
    %run_scoped3A_34 = arith.constant 0 : i32
    "tpu.region"() ({
      %run_scoped3A_144 = tpu.sem_alloc : memref<!tpu.dma_semaphore, #tpu.memory_space<semaphore_mem>>
      %dma_start3A_145 = arith.constant 0 : i32
      %dma_start3A_146 = arith.constant 0 : i32
      %dma_start3A_147 = tpu.memref_slice %arg8[%run_scoped3A_34, %dma_start3A_145, %dma_start3A_146] : memref<4x80x64xf32, #tpu.memory_space<vmem>> -> memref<1x80x64xf32, #tpu.memory_space<vmem>>
      %dma_start3A_148 = tpu.memref_squeeze %dma_start3A_147 : memref<1x80x64xf32, #tpu.memory_space<vmem>> -> memref<80x64xf32, #tpu.memory_space<vmem>>
      %dma_start3A_149 = arith.constant 0 : i32
      %dma_start3A_150 = tpu.memref_slice %arg9[%add3A_33, %dma_start3A_149] : memref<10240x64xf32, #tpu.memory_space<vmem_shared>> -> memref<80x64xf32, #tpu.memory_space<vmem_shared>>
      %dma_start3A_151 = arith.constant 0 : i32
      %dma_start3A_152 = tpu.memref_slice %arg9[%add3A_33, %dma_start3A_151] : memref<10240x64xf32, #tpu.memory_space<vmem_shared>> -> memref<80x64xf32, #tpu.memory_space<vmem_shared>>
      %dma_start3A_153 = arith.constant 0 : i32
      %dma_start3A_154 = arith.constant 0 : i32
      %dma_start3A_155 = tpu.memref_slice %arg8[%run_scoped3A_34, %dma_start3A_153, %dma_start3A_154] : memref<4x80x64xf32, #tpu.memory_space<vmem>> -> memref<1x80x64xf32, #tpu.memory_space<vmem>>
      %dma_start3A_156 = tpu.memref_squeeze %dma_start3A_155 : memref<1x80x64xf32, #tpu.memory_space<vmem>> -> memref<80x64xf32, #tpu.memory_space<vmem>>
      tpu.enqueue_dma source(%dma_start3A_156 : memref<80x64xf32, #tpu.memory_space<vmem>>) target(%dma_start3A_152 : memref<80x64xf32, #tpu.memory_space<vmem_shared>>) target_semaphore(%run_scoped3A_144 : memref<!tpu.dma_semaphore, #tpu.memory_space<semaphore_mem>>)
      %dma_wait3A_157 = arith.constant 0 : i32
      %dma_wait3A_158 = arith.constant 0 : i32
      %dma_wait3A_159 = tpu.memref_slice %arg8[%run_scoped3A_34, %dma_wait3A_157, %dma_wait3A_158] : memref<4x80x64xf32, #tpu.memory_space<vmem>> -> memref<1x80x64xf32, #tpu.memory_space<vmem>>
      %dma_wait3A_160 = tpu.memref_squeeze %dma_wait3A_159 : memref<1x80x64xf32, #tpu.memory_space<vmem>> -> memref<80x64xf32, #tpu.memory_space<vmem>>
      %dma_wait3A_161 = arith.constant 0 : i32
      %dma_wait3A_162 = tpu.memref_slice %arg9[%add3A_33, %dma_wait3A_161] : memref<10240x64xf32, #tpu.memory_space<vmem_shared>> -> memref<80x64xf32, #tpu.memory_space<vmem_shared>>
      %dma_wait3A_163 = arith.constant 0 : i32
      %dma_wait3A_164 = tpu.memref_slice %arg9[%add3A_33, %dma_wait3A_163] : memref<10240x64xf32, #tpu.memory_space<vmem_shared>> -> memref<80x64xf32, #tpu.memory_space<vmem_shared>>
      %dma_wait3A_165 = arith.constant 0 : i32
      %dma_wait3A_166 = arith.constant 0 : i32
      %dma_wait3A_167 = tpu.memref_slice %arg8[%run_scoped3A_34, %dma_wait3A_165, %dma_wait3A_166] : memref<4x80x64xf32, #tpu.memory_space<vmem>> -> memref<1x80x64xf32, #tpu.memory_space<vmem>>
      %dma_wait3A_168 = tpu.memref_squeeze %dma_wait3A_167 : memref<1x80x64xf32, #tpu.memory_space<vmem>> -> memref<80x64xf32, #tpu.memory_space<vmem>>
      tpu.wait_dma2 semaphore(%run_scoped3A_144 : memref<!tpu.dma_semaphore, #tpu.memory_space<semaphore_mem>>) src(%dma_wait3A_168 : memref<80x64xf32, #tpu.memory_space<vmem>>) dst(%dma_wait3A_164 : memref<80x64xf32, #tpu.memory_space<vmem_shared>>)
      tpu.yield
    }) : () -> ()
    %mul3A_35 = arith.constant 640 : i32
    %mul3A_36 = arith.muli %arg1, %mul3A_35 : i32
    %add3A_37 = arith.constant 480 : i32
    %add3A_38 = arith.addi %mul3A_36, %add3A_37 : i32
    %run_scoped3A_39 = arith.constant 0 : i32
    "tpu.region"() ({
      %run_scoped3A_144 = tpu.sem_alloc : memref<!tpu.dma_semaphore, #tpu.memory_space<semaphore_mem>>
      %dma_start3A_145 = arith.constant 0 : i32
      %dma_start3A_146 = arith.constant 0 : i32
      %dma_start3A_147 = tpu.memref_slice %arg8[%run_scoped3A_39, %dma_start3A_145, %dma_start3A_146] : memref<4x80x64xf32, #tpu.memory_space<vmem>> -> memref<1x80x64xf32, #tpu.memory_space<vmem>>
      %dma_start3A_148 = tpu.memref_squeeze %dma_start3A_147 : memref<1x80x64xf32, #tpu.memory_space<vmem>> -> memref<80x64xf32, #tpu.memory_space<vmem>>
      %dma_start3A_149 = arith.constant 0 : i32
      %dma_start3A_150 = tpu.memref_slice %arg9[%add3A_38, %dma_start3A_149] : memref<10240x64xf32, #tpu.memory_space<vmem_shared>> -> memref<80x64xf32, #tpu.memory_space<vmem_shared>>
      %dma_start3A_151 = arith.constant 0 : i32
      %dma_start3A_152 = tpu.memref_slice %arg9[%add3A_38, %dma_start3A_151] : memref<10240x64xf32, #tpu.memory_space<vmem_shared>> -> memref<80x64xf32, #tpu.memory_space<vmem_shared>>
      %dma_start3A_153 = arith.constant 0 : i32
      %dma_start3A_154 = arith.constant 0 : i32
      %dma_start3A_155 = tpu.memref_slice %arg8[%run_scoped3A_39, %dma_start3A_153, %dma_start3A_154] : memref<4x80x64xf32, #tpu.memory_space<vmem>> -> memref<1x80x64xf32, #tpu.memory_space<vmem>>
      %dma_start3A_156 = tpu.memref_squeeze %dma_start3A_155 : memref<1x80x64xf32, #tpu.memory_space<vmem>> -> memref<80x64xf32, #tpu.memory_space<vmem>>
      tpu.enqueue_dma source(%dma_start3A_156 : memref<80x64xf32, #tpu.memory_space<vmem>>) target(%dma_start3A_152 : memref<80x64xf32, #tpu.memory_space<vmem_shared>>) target_semaphore(%run_scoped3A_144 : memref<!tpu.dma_semaphore, #tpu.memory_space<semaphore_mem>>)
      %dma_wait3A_157 = arith.constant 0 : i32
      %dma_wait3A_158 = arith.constant 0 : i32
      %dma_wait3A_159 = tpu.memref_slice %arg8[%run_scoped3A_39, %dma_wait3A_157, %dma_wait3A_158] : memref<4x80x64xf32, #tpu.memory_space<vmem>> -> memref<1x80x64xf32, #tpu.memory_space<vmem>>
      %dma_wait3A_160 = tpu.memref_squeeze %dma_wait3A_159 : memref<1x80x64xf32, #tpu.memory_space<vmem>> -> memref<80x64xf32, #tpu.memory_space<vmem>>
      %dma_wait3A_161 = arith.constant 0 : i32
      %dma_wait3A_162 = tpu.memref_slice %arg9[%add3A_38, %dma_wait3A_161] : memref<10240x64xf32, #tpu.memory_space<vmem_shared>> -> memref<80x64xf32, #tpu.memory_space<vmem_shared>>
      %dma_wait3A_163 = arith.constant 0 : i32
      %dma_wait3A_164 = tpu.memref_slice %arg9[%add3A_38, %dma_wait3A_163] : memref<10240x64xf32, #tpu.memory_space<vmem_shared>> -> memref<80x64xf32, #tpu.memory_space<vmem_shared>>
      %dma_wait3A_165 = arith.constant 0 : i32
      %dma_wait3A_166 = arith.constant 0 : i32
      %dma_wait3A_167 = tpu.memref_slice %arg8[%run_scoped3A_39, %dma_wait3A_165, %dma_wait3A_166] : memref<4x80x64xf32, #tpu.memory_space<vmem>> -> memref<1x80x64xf32, #tpu.memory_space<vmem>>
      %dma_wait3A_168 = tpu.memref_squeeze %dma_wait3A_167 : memref<1x80x64xf32, #tpu.memory_space<vmem>> -> memref<80x64xf32, #tpu.memory_space<vmem>>
      tpu.wait_dma2 semaphore(%run_scoped3A_144 : memref<!tpu.dma_semaphore, #tpu.memory_space<semaphore_mem>>) src(%dma_wait3A_168 : memref<80x64xf32, #tpu.memory_space<vmem>>) dst(%dma_wait3A_164 : memref<80x64xf32, #tpu.memory_space<vmem_shared>>)
      tpu.yield
    }) : () -> ()
    %mul3A_40 = arith.constant 640 : i32
    %mul3A_41 = arith.muli %arg1, %mul3A_40 : i32
    %add3A_42 = arith.constant 560 : i32
    %add3A_43 = arith.addi %mul3A_41, %add3A_42 : i32
    %run_scoped3A_44 = arith.constant 0 : i32
    "tpu.region"() ({
      %run_scoped3A_144 = tpu.sem_alloc : memref<!tpu.dma_semaphore, #tpu.memory_space<semaphore_mem>>
      %dma_start3A_145 = arith.constant 0 : i32
      %dma_start3A_146 = arith.constant 0 : i32
      %dma_start3A_147 = tpu.memref_slice %arg8[%run_scoped3A_44, %dma_start3A_145, %dma_start3A_146] : memref<4x80x64xf32, #tpu.memory_space<vmem>> -> memref<1x80x64xf32, #tpu.memory_space<vmem>>
      %dma_start3A_148 = tpu.memref_squeeze %dma_start3A_147 : memref<1x80x64xf32, #tpu.memory_space<vmem>> -> memref<80x64xf32, #tpu.memory_space<vmem>>
      %dma_start3A_149 = arith.constant 0 : i32
      %dma_start3A_150 = tpu.memref_slice %arg9[%add3A_43, %dma_start3A_149] : memref<10240x64xf32, #tpu.memory_space<vmem_shared>> -> memref<80x64xf32, #tpu.memory_space<vmem_shared>>
      %dma_start3A_151 = arith.constant 0 : i32
      %dma_start3A_152 = tpu.memref_slice %arg9[%add3A_43, %dma_start3A_151] : memref<10240x64xf32, #tpu.memory_space<vmem_shared>> -> memref<80x64xf32, #tpu.memory_space<vmem_shared>>
      %dma_start3A_153 = arith.constant 0 : i32
      %dma_start3A_154 = arith.constant 0 : i32
      %dma_start3A_155 = tpu.memref_slice %arg8[%run_scoped3A_44, %dma_start3A_153, %dma_start3A_154] : memref<4x80x64xf32, #tpu.memory_space<vmem>> -> memref<1x80x64xf32, #tpu.memory_space<vmem>>
      %dma_start3A_156 = tpu.memref_squeeze %dma_start3A_155 : memref<1x80x64xf32, #tpu.memory_space<vmem>> -> memref<80x64xf32, #tpu.memory_space<vmem>>
      tpu.enqueue_dma source(%dma_start3A_156 : memref<80x64xf32, #tpu.memory_space<vmem>>) target(%dma_start3A_152 : memref<80x64xf32, #tpu.memory_space<vmem_shared>>) target_semaphore(%run_scoped3A_144 : memref<!tpu.dma_semaphore, #tpu.memory_space<semaphore_mem>>)
      %dma_wait3A_157 = arith.constant 0 : i32
      %dma_wait3A_158 = arith.constant 0 : i32
      %dma_wait3A_159 = tpu.memref_slice %arg8[%run_scoped3A_44, %dma_wait3A_157, %dma_wait3A_158] : memref<4x80x64xf32, #tpu.memory_space<vmem>> -> memref<1x80x64xf32, #tpu.memory_space<vmem>>
      %dma_wait3A_160 = tpu.memref_squeeze %dma_wait3A_159 : memref<1x80x64xf32, #tpu.memory_space<vmem>> -> memref<80x64xf32, #tpu.memory_space<vmem>>
      %dma_wait3A_161 = arith.constant 0 : i32
      %dma_wait3A_162 = tpu.memref_slice %arg9[%add3A_43, %dma_wait3A_161] : memref<10240x64xf32, #tpu.memory_space<vmem_shared>> -> memref<80x64xf32, #tpu.memory_space<vmem_shared>>
      %dma_wait3A_163 = arith.constant 0 : i32
      %dma_wait3A_164 = tpu.memref_slice %arg9[%add3A_43, %dma_wait3A_163] : memref<10240x64xf32, #tpu.memory_space<vmem_shared>> -> memref<80x64xf32, #tpu.memory_space<vmem_shared>>
      %dma_wait3A_165 = arith.constant 0 : i32
      %dma_wait3A_166 = arith.constant 0 : i32
      %dma_wait3A_167 = tpu.memref_slice %arg8[%run_scoped3A_44, %dma_wait3A_165, %dma_wait3A_166] : memref<4x80x64xf32, #tpu.memory_space<vmem>> -> memref<1x80x64xf32, #tpu.memory_space<vmem>>
      %dma_wait3A_168 = tpu.memref_squeeze %dma_wait3A_167 : memref<1x80x64xf32, #tpu.memory_space<vmem>> -> memref<80x64xf32, #tpu.memory_space<vmem>>
      tpu.wait_dma2 semaphore(%run_scoped3A_144 : memref<!tpu.dma_semaphore, #tpu.memory_space<semaphore_mem>>) src(%dma_wait3A_168 : memref<80x64xf32, #tpu.memory_space<vmem>>) dst(%dma_wait3A_164 : memref<80x64xf32, #tpu.memory_space<vmem_shared>>)
      tpu.yield
    }) : () -> ()
    %barrier3A = arith.constant 0 : index
    tpu.barrier barrier_id(%barrier3A)
    %dma_start3A = arith.constant 0 : i32
    %dma_start3A_45 = arith.constant 0 : i32
    %dma_start3A_46 = arith.constant 0 : i32
    %dma_start3A_47 = arith.constant 0 : i32
    %dma_start3A_48 = arith.constant 0 : i32
    %dma_start3A_49 = tpu.memref_slice %arg8[%dma_start3A_45, %dma_start3A_47, %dma_start3A_48] : memref<4x80x64xf32, #tpu.memory_space<vmem>> -> memref<1x80x64xf32, #tpu.memory_space<vmem>>
    %dma_start3A_50 = tpu.memref_squeeze %dma_start3A_49 : memref<1x80x64xf32, #tpu.memory_space<vmem>> -> memref<80x64xf32, #tpu.memory_space<vmem>>
    %dma_start3A_51 = arith.constant 0 : i32
    %dma_start3A_52 = tpu.memref_slice %arg6[%dma_start3A, %dma_start3A_51] : memref<125x80xi32, #tpu.memory_space<vmem>> -> memref<1x80xi32, #tpu.memory_space<vmem>>
    %dma_start3A_53 = tpu.memref_squeeze %dma_start3A_52 : memref<1x80xi32, #tpu.memory_space<vmem>> -> memref<80xi32, #tpu.memory_space<vmem>>
    %dma_start3A_54 = arith.constant 0 : i32
    %dma_start3A_55 = arith.constant 0 : i32
    %dma_start3A_56 = tpu.memref_slice %arg2[%dma_start3A_54, %dma_start3A_55] : memref<10000x64xf32, #tpu.memory_space<hbm>> -> memref<10000x64xf32, #tpu.memory_space<hbm>>
    %dma_start3A_57 = tpu.memref_slice %arg10[%dma_start3A_46] : memref<4x!tpu.dma_semaphore, #tpu.memory_space<semaphore_mem>> -> memref<1x!tpu.dma_semaphore, #tpu.memory_space<semaphore_mem>>
    %dma_start3A_58 = tpu.memref_squeeze %dma_start3A_57 : memref<1x!tpu.dma_semaphore, #tpu.memory_space<semaphore_mem>> -> memref<!tpu.dma_semaphore, #tpu.memory_space<semaphore_mem>>
    tpu.enqueue_indirect_dma source(%dma_start3A_56 : memref<10000x64xf32, #tpu.memory_space<hbm>>) target(%dma_start3A_50 : memref<80x64xf32, #tpu.memory_space<vmem>>) offsets(%dma_start3A_53 : memref<80xi32, #tpu.memory_space<vmem>>) semaphore(%dma_start3A_58 : memref<!tpu.dma_semaphore, #tpu.memory_space<semaphore_mem>>)
    %dma_start3A_59 = arith.constant 1 : i32
    %dma_start3A_60 = arith.constant 1 : i32
    %dma_start3A_61 = arith.constant 1 : i32
    %dma_start3A_62 = arith.constant 0 : i32
    %dma_start3A_63 = arith.constant 0 : i32
    %dma_start3A_64 = tpu.memref_slice %arg8[%dma_start3A_60, %dma_start3A_62, %dma_start3A_63] : memref<4x80x64xf32, #tpu.memory_space<vmem>> -> memref<1x80x64xf32, #tpu.memory_space<vmem>>
    %dma_start3A_65 = tpu.memref_squeeze %dma_start3A_64 : memref<1x80x64xf32, #tpu.memory_space<vmem>> -> memref<80x64xf32, #tpu.memory_space<vmem>>
    %dma_start3A_66 = arith.constant 0 : i32
    %dma_start3A_67 = tpu.memref_slice %arg6[%dma_start3A_59, %dma_start3A_66] : memref<125x80xi32, #tpu.memory_space<vmem>> -> memref<1x80xi32, #tpu.memory_space<vmem>>
    %dma_start3A_68 = tpu.memref_squeeze %dma_start3A_67 : memref<1x80xi32, #tpu.memory_space<vmem>> -> memref<80xi32, #tpu.memory_space<vmem>>
    %dma_start3A_69 = arith.constant 0 : i32
    %dma_start3A_70 = arith.constant 0 : i32
    %dma_start3A_71 = tpu.memref_slice %arg2[%dma_start3A_69, %dma_start3A_70] : memref<10000x64xf32, #tpu.memory_space<hbm>> -> memref<10000x64xf32, #tpu.memory_space<hbm>>
    %dma_start3A_72 = tpu.memref_slice %arg10[%dma_start3A_61] : memref<4x!tpu.dma_semaphore, #tpu.memory_space<semaphore_mem>> -> memref<1x!tpu.dma_semaphore, #tpu.memory_space<semaphore_mem>>
    %dma_start3A_73 = tpu.memref_squeeze %dma_start3A_72 : memref<1x!tpu.dma_semaphore, #tpu.memory_space<semaphore_mem>> -> memref<!tpu.dma_semaphore, #tpu.memory_space<semaphore_mem>>
    tpu.enqueue_indirect_dma source(%dma_start3A_71 : memref<10000x64xf32, #tpu.memory_space<hbm>>) target(%dma_start3A_65 : memref<80x64xf32, #tpu.memory_space<vmem>>) offsets(%dma_start3A_68 : memref<80xi32, #tpu.memory_space<vmem>>) semaphore(%dma_start3A_73 : memref<!tpu.dma_semaphore, #tpu.memory_space<semaphore_mem>>)
    %scan3A_74 = arith.constant 0 : i32
    %scan3A_75 = arith.constant 0 : i32
    %scan3A_76 = arith.constant 125 : i32
    %scan3A_77 = arith.addi %scan3A_75, %scan3A_76 : i32
    %scan3A_78 = arith.constant 1 : i32
    scf.for %scan3A_144 = %scan3A_75 to %scan3A_77 step %scan3A_78  : i32 {
      %rem3A = arith.constant 4 : i32
      %rem3A_145 = arith.remsi %scan3A_144, %rem3A : i32
      %dma_wait3A_146 = arith.constant 0 : i32
      %dma_wait3A_147 = arith.constant 0 : i32
      %dma_wait3A_148 = tpu.memref_slice %arg8[%rem3A_145, %dma_wait3A_146, %dma_wait3A_147] : memref<4x80x64xf32, #tpu.memory_space<vmem>> -> memref<1x80x64xf32, #tpu.memory_space<vmem>>
      %dma_wait3A_149 = tpu.memref_squeeze %dma_wait3A_148 : memref<1x80x64xf32, #tpu.memory_space<vmem>> -> memref<80x64xf32, #tpu.memory_space<vmem>>
      %dma_wait3A_150 = arith.constant 0 : i32
      %dma_wait3A_151 = tpu.memref_slice %arg6[%scan3A_144, %dma_wait3A_150] : memref<125x80xi32, #tpu.memory_space<vmem>> -> memref<1x80xi32, #tpu.memory_space<vmem>>
      %dma_wait3A_152 = tpu.memref_squeeze %dma_wait3A_151 : memref<1x80xi32, #tpu.memory_space<vmem>> -> memref<80xi32, #tpu.memory_space<vmem>>
      %dma_wait3A_153 = arith.constant 0 : i32
      %dma_wait3A_154 = arith.constant 0 : i32
      %dma_wait3A_155 = tpu.memref_slice %arg2[%dma_wait3A_153, %dma_wait3A_154] : memref<10000x64xf32, #tpu.memory_space<hbm>> -> memref<10000x64xf32, #tpu.memory_space<hbm>>
      %dma_wait3A_156 = tpu.memref_slice %arg10[%rem3A_145] : memref<4x!tpu.dma_semaphore, #tpu.memory_space<semaphore_mem>> -> memref<1x!tpu.dma_semaphore, #tpu.memory_space<semaphore_mem>>
      %dma_wait3A_157 = tpu.memref_squeeze %dma_wait3A_156 : memref<1x!tpu.dma_semaphore, #tpu.memory_space<semaphore_mem>> -> memref<!tpu.dma_semaphore, #tpu.memory_space<semaphore_mem>>
      tpu.wait_indirect_dma semaphore(%dma_wait3A_157 : memref<!tpu.dma_semaphore, #tpu.memory_space<semaphore_mem>>) src(%dma_wait3A_155 : memref<10000x64xf32, #tpu.memory_space<hbm>>) dst(%dma_wait3A_149 : memref<80x64xf32, #tpu.memory_space<vmem>>)
      %dma_start3A_158 = arith.constant 0 : i32
      %dma_start3A_159 = arith.constant 0 : i32
      %dma_start3A_160 = tpu.memref_slice %arg8[%rem3A_145, %dma_start3A_158, %dma_start3A_159] : memref<4x80x64xf32, #tpu.memory_space<vmem>> -> memref<1x80x64xf32, #tpu.memory_space<vmem>>
      %dma_start3A_161 = tpu.memref_squeeze %dma_start3A_160 : memref<1x80x64xf32, #tpu.memory_space<vmem>> -> memref<80x64xf32, #tpu.memory_space<vmem>>
      %dma_start3A_162 = arith.constant 0 : i32
      %dma_start3A_163 = tpu.memref_slice %arg7[%scan3A_144, %dma_start3A_162] : memref<125x80xi32, #tpu.memory_space<vmem>> -> memref<1x80xi32, #tpu.memory_space<vmem>>
      %dma_start3A_164 = tpu.memref_squeeze %dma_start3A_163 : memref<1x80xi32, #tpu.memory_space<vmem>> -> memref<80xi32, #tpu.memory_space<vmem>>
      %dma_start3A_165 = arith.constant 0 : i32
      %dma_start3A_166 = arith.constant 0 : i32
      %dma_start3A_167 = tpu.memref_slice %arg9[%dma_start3A_165, %dma_start3A_166] : memref<10240x64xf32, #tpu.memory_space<vmem_shared>> -> memref<10240x64xf32, #tpu.memory_space<vmem_shared>>
      %dma_start3A_168 = tpu.memref_slice %arg11[%rem3A_145] : memref<4x!tpu.dma_semaphore, #tpu.memory_space<semaphore_mem>> -> memref<1x!tpu.dma_semaphore, #tpu.memory_space<semaphore_mem>>
      %dma_start3A_169 = tpu.memref_squeeze %dma_start3A_168 : memref<1x!tpu.dma_semaphore, #tpu.memory_space<semaphore_mem>> -> memref<!tpu.dma_semaphore, #tpu.memory_space<semaphore_mem>>
      tpu.enqueue_indirect_dma source(%dma_start3A_161 : memref<80x64xf32, #tpu.memory_space<vmem>>) target(%dma_start3A_167 : memref<10240x64xf32, #tpu.memory_space<vmem_shared>>) offsets(%dma_start3A_164 : memref<80xi32, #tpu.memory_space<vmem>>) semaphore(%dma_start3A_169 : memref<!tpu.dma_semaphore, #tpu.memory_space<semaphore_mem>>) {add = true}
      %add3A_170 = arith.constant 2 : i32
      %add3A_171 = arith.addi %scan3A_144, %add3A_170 : i32
      %lt3A = arith.constant 125 : i32
      %lt3A_172 = arith.cmpi slt, %add3A_171, %lt3A : i32
      %convert_element_type3A = arith.extui %lt3A_172 : i1 to i32
      %cond3A = arith.constant 0 : i32
      %cond3A_173 = arith.cmpi ne, %convert_element_type3A, %cond3A : i32
      scf.if %cond3A_173 {
        %add3A_174 = arith.constant 2 : i32
        %add3A_175 = arith.addi %scan3A_144, %add3A_174 : i32
        %rem3A_176 = arith.constant 4 : i32
        %rem3A_177 = arith.remsi %add3A_175, %rem3A_176 : i32
        %ge3A = arith.constant 2 : i32
        %ge3A_178 = arith.cmpi sge, %scan3A_144, %ge3A : i32
        %convert_element_type3A_179 = arith.extui %ge3A_178 : i1 to i32
        %cond3A_180 = arith.constant 0 : i32
        %cond3A_181 = arith.cmpi ne, %convert_element_type3A_179, %cond3A_180 : i32
        scf.if %cond3A_181 {
          %dma_wait3A_196 = arith.constant 0 : i32
          %dma_wait3A_197 = arith.constant 0 : i32
          %dma_wait3A_198 = arith.constant 0 : i32
          %dma_wait3A_199 = tpu.memref_slice %arg8[%rem3A_177, %dma_wait3A_197, %dma_wait3A_198] : memref<4x80x64xf32, #tpu.memory_space<vmem>> -> memref<1x80x64xf32, #tpu.memory_space<vmem>>
          %dma_wait3A_200 = tpu.memref_squeeze %dma_wait3A_199 : memref<1x80x64xf32, #tpu.memory_space<vmem>> -> memref<80x64xf32, #tpu.memory_space<vmem>>
          %dma_wait3A_201 = arith.constant 0 : i32
          %dma_wait3A_202 = tpu.memref_slice %arg7[%dma_wait3A_196, %dma_wait3A_201] : memref<125x80xi32, #tpu.memory_space<vmem>> -> memref<1x80xi32, #tpu.memory_space<vmem>>
          %dma_wait3A_203 = tpu.memref_squeeze %dma_wait3A_202 : memref<1x80xi32, #tpu.memory_space<vmem>> -> memref<80xi32, #tpu.memory_space<vmem>>
          %dma_wait3A_204 = arith.constant 0 : i32
          %dma_wait3A_205 = arith.constant 0 : i32
          %dma_wait3A_206 = tpu.memref_slice %arg9[%dma_wait3A_204, %dma_wait3A_205] : memref<10240x64xf32, #tpu.memory_space<vmem_shared>> -> memref<10240x64xf32, #tpu.memory_space<vmem_shared>>
          %dma_wait3A_207 = tpu.memref_slice %arg11[%rem3A_177] : memref<4x!tpu.dma_semaphore, #tpu.memory_space<semaphore_mem>> -> memref<1x!tpu.dma_semaphore, #tpu.memory_space<semaphore_mem>>
          %dma_wait3A_208 = tpu.memref_squeeze %dma_wait3A_207 : memref<1x!tpu.dma_semaphore, #tpu.memory_space<semaphore_mem>> -> memref<!tpu.dma_semaphore, #tpu.memory_space<semaphore_mem>>
          tpu.wait_indirect_dma semaphore(%dma_wait3A_208 : memref<!tpu.dma_semaphore, #tpu.memory_space<semaphore_mem>>) src(%dma_wait3A_200 : memref<80x64xf32, #tpu.memory_space<vmem>>) dst(%dma_wait3A_206 : memref<10240x64xf32, #tpu.memory_space<vmem_shared>>)
        } else {
        }
        %add3A_182 = arith.constant 2 : i32
        %add3A_183 = arith.addi %scan3A_144, %add3A_182 : i32
        %dma_start3A_184 = arith.constant 0 : i32
        %dma_start3A_185 = arith.constant 0 : i32
        %dma_start3A_186 = tpu.memref_slice %arg8[%rem3A_177, %dma_start3A_184, %dma_start3A_185] : memref<4x80x64xf32, #tpu.memory_space<vmem>> -> memref<1x80x64xf32, #tpu.memory_space<vmem>>
        %dma_start3A_187 = tpu.memref_squeeze %dma_start3A_186 : memref<1x80x64xf32, #tpu.memory_space<vmem>> -> memref<80x64xf32, #tpu.memory_space<vmem>>
        %dma_start3A_188 = arith.constant 0 : i32
        %dma_start3A_189 = tpu.memref_slice %arg6[%add3A_183, %dma_start3A_188] : memref<125x80xi32, #tpu.memory_space<vmem>> -> memref<1x80xi32, #tpu.memory_space<vmem>>
        %dma_start3A_190 = tpu.memref_squeeze %dma_start3A_189 : memref<1x80xi32, #tpu.memory_space<vmem>> -> memref<80xi32, #tpu.memory_space<vmem>>
        %dma_start3A_191 = arith.constant 0 : i32
        %dma_start3A_192 = arith.constant 0 : i32
        %dma_start3A_193 = tpu.memref_slice %arg2[%dma_start3A_191, %dma_start3A_192] : memref<10000x64xf32, #tpu.memory_space<hbm>> -> memref<10000x64xf32, #tpu.memory_space<hbm>>
        %dma_start3A_194 = tpu.memref_slice %arg10[%rem3A_177] : memref<4x!tpu.dma_semaphore, #tpu.memory_space<semaphore_mem>> -> memref<1x!tpu.dma_semaphore, #tpu.memory_space<semaphore_mem>>
        %dma_start3A_195 = tpu.memref_squeeze %dma_start3A_194 : memref<1x!tpu.dma_semaphore, #tpu.memory_space<semaphore_mem>> -> memref<!tpu.dma_semaphore, #tpu.memory_space<semaphore_mem>>
        tpu.enqueue_indirect_dma source(%dma_start3A_193 : memref<10000x64xf32, #tpu.memory_space<hbm>>) target(%dma_start3A_187 : memref<80x64xf32, #tpu.memory_space<vmem>>) offsets(%dma_start3A_190 : memref<80xi32, #tpu.memory_space<vmem>>) semaphore(%dma_start3A_195 : memref<!tpu.dma_semaphore, #tpu.memory_space<semaphore_mem>>)
      } else {
      }
    }
    %scan3A_79 = arith.constant 125 : i32
    %dma_wait3A = arith.constant 1 : i32
    %dma_wait3A_80 = arith.constant 0 : i32
    %dma_wait3A_81 = arith.constant 1 : i32
    %dma_wait3A_82 = arith.constant 0 : i32
    %dma_wait3A_83 = arith.constant 0 : i32
    %dma_wait3A_84 = tpu.memref_slice %arg8[%dma_wait3A, %dma_wait3A_82, %dma_wait3A_83] : memref<4x80x64xf32, #tpu.memory_space<vmem>> -> memref<1x80x64xf32, #tpu.memory_space<vmem>>
    %dma_wait3A_85 = tpu.memref_squeeze %dma_wait3A_84 : memref<1x80x64xf32, #tpu.memory_space<vmem>> -> memref<80x64xf32, #tpu.memory_space<vmem>>
    %dma_wait3A_86 = arith.constant 0 : i32
    %dma_wait3A_87 = tpu.memref_slice %arg7[%dma_wait3A_80, %dma_wait3A_86] : memref<125x80xi32, #tpu.memory_space<vmem>> -> memref<1x80xi32, #tpu.memory_space<vmem>>
    %dma_wait3A_88 = tpu.memref_squeeze %dma_wait3A_87 : memref<1x80xi32, #tpu.memory_space<vmem>> -> memref<80xi32, #tpu.memory_space<vmem>>
    %dma_wait3A_89 = arith.constant 0 : i32
    %dma_wait3A_90 = arith.constant 0 : i32
    %dma_wait3A_91 = tpu.memref_slice %arg9[%dma_wait3A_89, %dma_wait3A_90] : memref<10240x64xf32, #tpu.memory_space<vmem_shared>> -> memref<10240x64xf32, #tpu.memory_space<vmem_shared>>
    %dma_wait3A_92 = tpu.memref_slice %arg11[%dma_wait3A_81] : memref<4x!tpu.dma_semaphore, #tpu.memory_space<semaphore_mem>> -> memref<1x!tpu.dma_semaphore, #tpu.memory_space<semaphore_mem>>
    %dma_wait3A_93 = tpu.memref_squeeze %dma_wait3A_92 : memref<1x!tpu.dma_semaphore, #tpu.memory_space<semaphore_mem>> -> memref<!tpu.dma_semaphore, #tpu.memory_space<semaphore_mem>>
    tpu.wait_indirect_dma semaphore(%dma_wait3A_93 : memref<!tpu.dma_semaphore, #tpu.memory_space<semaphore_mem>>) src(%dma_wait3A_85 : memref<80x64xf32, #tpu.memory_space<vmem>>) dst(%dma_wait3A_91 : memref<10240x64xf32, #tpu.memory_space<vmem_shared>>)
    %dma_wait3A_94 = arith.constant 2 : i32
    %dma_wait3A_95 = arith.constant 0 : i32
    %dma_wait3A_96 = arith.constant 2 : i32
    %dma_wait3A_97 = arith.constant 0 : i32
    %dma_wait3A_98 = arith.constant 0 : i32
    %dma_wait3A_99 = tpu.memref_slice %arg8[%dma_wait3A_94, %dma_wait3A_97, %dma_wait3A_98] : memref<4x80x64xf32, #tpu.memory_space<vmem>> -> memref<1x80x64xf32, #tpu.memory_space<vmem>>
    %dma_wait3A_100 = tpu.memref_squeeze %dma_wait3A_99 : memref<1x80x64xf32, #tpu.memory_space<vmem>> -> memref<80x64xf32, #tpu.memory_space<vmem>>
    %dma_wait3A_101 = arith.constant 0 : i32
    %dma_wait3A_102 = tpu.memref_slice %arg7[%dma_wait3A_95, %dma_wait3A_101] : memref<125x80xi32, #tpu.memory_space<vmem>> -> memref<1x80xi32, #tpu.memory_space<vmem>>
    %dma_wait3A_103 = tpu.memref_squeeze %dma_wait3A_102 : memref<1x80xi32, #tpu.memory_space<vmem>> -> memref<80xi32, #tpu.memory_space<vmem>>
    %dma_wait3A_104 = arith.constant 0 : i32
    %dma_wait3A_105 = arith.constant 0 : i32
    %dma_wait3A_106 = tpu.memref_slice %arg9[%dma_wait3A_104, %dma_wait3A_105] : memref<10240x64xf32, #tpu.memory_space<vmem_shared>> -> memref<10240x64xf32, #tpu.memory_space<vmem_shared>>
    %dma_wait3A_107 = tpu.memref_slice %arg11[%dma_wait3A_96] : memref<4x!tpu.dma_semaphore, #tpu.memory_space<semaphore_mem>> -> memref<1x!tpu.dma_semaphore, #tpu.memory_space<semaphore_mem>>
    %dma_wait3A_108 = tpu.memref_squeeze %dma_wait3A_107 : memref<1x!tpu.dma_semaphore, #tpu.memory_space<semaphore_mem>> -> memref<!tpu.dma_semaphore, #tpu.memory_space<semaphore_mem>>
    tpu.wait_indirect_dma semaphore(%dma_wait3A_108 : memref<!tpu.dma_semaphore, #tpu.memory_space<semaphore_mem>>) src(%dma_wait3A_100 : memref<80x64xf32, #tpu.memory_space<vmem>>) dst(%dma_wait3A_106 : memref<10240x64xf32, #tpu.memory_space<vmem_shared>>)
    %dma_wait3A_109 = arith.constant 3 : i32
    %dma_wait3A_110 = arith.constant 0 : i32
    %dma_wait3A_111 = arith.constant 3 : i32
    %dma_wait3A_112 = arith.constant 0 : i32
    %dma_wait3A_113 = arith.constant 0 : i32
    %dma_wait3A_114 = tpu.memref_slice %arg8[%dma_wait3A_109, %dma_wait3A_112, %dma_wait3A_113] : memref<4x80x64xf32, #tpu.memory_space<vmem>> -> memref<1x80x64xf32, #tpu.memory_space<vmem>>
    %dma_wait3A_115 = tpu.memref_squeeze %dma_wait3A_114 : memref<1x80x64xf32, #tpu.memory_space<vmem>> -> memref<80x64xf32, #tpu.memory_space<vmem>>
    %dma_wait3A_116 = arith.constant 0 : i32
    %dma_wait3A_117 = tpu.memref_slice %arg7[%dma_wait3A_110, %dma_wait3A_116] : memref<125x80xi32, #tpu.memory_space<vmem>> -> memref<1x80xi32, #tpu.memory_space<vmem>>
    %dma_wait3A_118 = tpu.memref_squeeze %dma_wait3A_117 : memref<1x80xi32, #tpu.memory_space<vmem>> -> memref<80xi32, #tpu.memory_space<vmem>>
    %dma_wait3A_119 = arith.constant 0 : i32
    %dma_wait3A_120 = arith.constant 0 : i32
    %dma_wait3A_121 = tpu.memref_slice %arg9[%dma_wait3A_119, %dma_wait3A_120] : memref<10240x64xf32, #tpu.memory_space<vmem_shared>> -> memref<10240x64xf32, #tpu.memory_space<vmem_shared>>
    %dma_wait3A_122 = tpu.memref_slice %arg11[%dma_wait3A_111] : memref<4x!tpu.dma_semaphore, #tpu.memory_space<semaphore_mem>> -> memref<1x!tpu.dma_semaphore, #tpu.memory_space<semaphore_mem>>
    %dma_wait3A_123 = tpu.memref_squeeze %dma_wait3A_122 : memref<1x!tpu.dma_semaphore, #tpu.memory_space<semaphore_mem>> -> memref<!tpu.dma_semaphore, #tpu.memory_space<semaphore_mem>>
    tpu.wait_indirect_dma semaphore(%dma_wait3A_123 : memref<!tpu.dma_semaphore, #tpu.memory_space<semaphore_mem>>) src(%dma_wait3A_115 : memref<80x64xf32, #tpu.memory_space<vmem>>) dst(%dma_wait3A_121 : memref<10240x64xf32, #tpu.memory_space<vmem_shared>>)
    %dma_wait3A_124 = arith.constant 0 : i32
    %dma_wait3A_125 = arith.constant 0 : i32
    %dma_wait3A_126 = arith.constant 0 : i32
    %dma_wait3A_127 = arith.constant 0 : i32
    %dma_wait3A_128 = arith.constant 0 : i32
    %dma_wait3A_129 = tpu.memref_slice %arg8[%dma_wait3A_124, %dma_wait3A_127, %dma_wait3A_128] : memref<4x80x64xf32, #tpu.memory_space<vmem>> -> memref<1x80x64xf32, #tpu.memory_space<vmem>>
    %dma_wait3A_130 = tpu.memref_squeeze %dma_wait3A_129 : memref<1x80x64xf32, #tpu.memory_space<vmem>> -> memref<80x64xf32, #tpu.memory_space<vmem>>
    %dma_wait3A_131 = arith.constant 0 : i32
    %dma_wait3A_132 = tpu.memref_slice %arg7[%dma_wait3A_125, %dma_wait3A_131] : memref<125x80xi32, #tpu.memory_space<vmem>> -> memref<1x80xi32, #tpu.memory_space<vmem>>
    %dma_wait3A_133 = tpu.memref_squeeze %dma_wait3A_132 : memref<1x80xi32, #tpu.memory_space<vmem>> -> memref<80xi32, #tpu.memory_space<vmem>>
    %dma_wait3A_134 = arith.constant 0 : i32
    %dma_wait3A_135 = arith.constant 0 : i32
    %dma_wait3A_136 = tpu.memref_slice %arg9[%dma_wait3A_134, %dma_wait3A_135] : memref<10240x64xf32, #tpu.memory_space<vmem_shared>> -> memref<10240x64xf32, #tpu.memory_space<vmem_shared>>
    %dma_wait3A_137 = tpu.memref_slice %arg11[%dma_wait3A_126] : memref<4x!tpu.dma_semaphore, #tpu.memory_space<semaphore_mem>> -> memref<1x!tpu.dma_semaphore, #tpu.memory_space<semaphore_mem>>
    %dma_wait3A_138 = tpu.memref_squeeze %dma_wait3A_137 : memref<1x!tpu.dma_semaphore, #tpu.memory_space<semaphore_mem>> -> memref<!tpu.dma_semaphore, #tpu.memory_space<semaphore_mem>>
    tpu.wait_indirect_dma semaphore(%dma_wait3A_138 : memref<!tpu.dma_semaphore, #tpu.memory_space<semaphore_mem>>) src(%dma_wait3A_130 : memref<80x64xf32, #tpu.memory_space<vmem>>) dst(%dma_wait3A_136 : memref<10240x64xf32, #tpu.memory_space<vmem_shared>>)
    %barrier3A_139 = arith.constant 0 : index
    tpu.barrier barrier_id(%barrier3A_139)
    %mul3A_140 = arith.constant 640 : i32
    %mul3A_141 = arith.muli %arg1, %mul3A_140 : i32
    %mul3A_142 = arith.constant 640 : i32
    %mul3A_143 = arith.muli %arg1, %mul3A_142 : i32
    "tpu.region"() ({
      %run_scoped3A_144 = tpu.sem_alloc : memref<!tpu.dma_semaphore, #tpu.memory_space<semaphore_mem>>
      %dma_start3A_145 = arith.constant 0 : i32
      %dma_start3A_146 = tpu.memref_slice %arg5[%arg0, %mul3A_143, %dma_start3A_145] : memref<2x10240x64xf32, #tpu.memory_space<hbm>> -> memref<1x640x64xf32, #tpu.memory_space<hbm>>
      %dma_start3A_147 = tpu.memref_squeeze %dma_start3A_146 : memref<1x640x64xf32, #tpu.memory_space<hbm>> -> memref<640x64xf32, #tpu.memory_space<hbm>>
      %dma_start3A_148 = arith.constant 0 : i32
      %dma_start3A_149 = tpu.memref_slice %arg9[%mul3A_141, %dma_start3A_148] : memref<10240x64xf32, #tpu.memory_space<vmem_shared>> -> memref<640x64xf32, #tpu.memory_space<vmem_shared>>
      tpu.enqueue_dma source(%dma_start3A_149 : memref<640x64xf32, #tpu.memory_space<vmem_shared>>) target(%dma_start3A_147 : memref<640x64xf32, #tpu.memory_space<hbm>>) target_semaphore(%run_scoped3A_144 : memref<!tpu.dma_semaphore, #tpu.memory_space<semaphore_mem>>)
      %dma_wait3A_150 = arith.constant 0 : i32
      %dma_wait3A_151 = tpu.memref_slice %arg5[%arg0, %mul3A_143, %dma_wait3A_150] : memref<2x10240x64xf32, #tpu.memory_space<hbm>> -> memref<1x640x64xf32, #tpu.memory_space<hbm>>
      %dma_wait3A_152 = tpu.memref_squeeze %dma_wait3A_151 : memref<1x640x64xf32, #tpu.memory_space<hbm>> -> memref<640x64xf32, #tpu.memory_space<hbm>>
      %dma_wait3A_153 = arith.constant 0 : i32
      %dma_wait3A_154 = tpu.memref_slice %arg9[%mul3A_141, %dma_wait3A_153] : memref<10240x64xf32, #tpu.memory_space<vmem_shared>> -> memref<640x64xf32, #tpu.memory_space<vmem_shared>>
      tpu.wait_dma2 semaphore(%run_scoped3A_144 : memref<!tpu.dma_semaphore, #tpu.memory_space<semaphore_mem>>) src(%dma_wait3A_154 : memref<640x64xf32, #tpu.memory_space<vmem_shared>>) dst(%dma_wait3A_152 : memref<640x64xf32, #tpu.memory_space<hbm>>)
      tpu.yield
    }) : () -> ()
    return
  }
}

module attributes {stable_mosaic.version = 14 : i64} {
  func.func @_tc1_body(%arg0: i32, %arg1: memref<1000x128xf32, #tpu.memory_space<vmem>>, %arg2: memref<128x128xf32, #tpu.memory_space<vmem>>, %arg3: memref<2x2x1000x1xf32, #tpu.memory_space<vmem>>, %arg4: memref<1000x128xbf16, #tpu.memory_space<vmem>>) attributes {dimension_semantics = [#tpu.dimension_semantics<arbitrary>], iteration_bounds = array<i64: 10>, scalar_prefetch = 0 : i64, scratch_operands = 0 : i64, tpu.core_type = #tpu.core_type<tc>, window_params = [{transform_indices = @transform_0, window_bounds = array<i64: 1000, 128>}, {pipeline_mode = #tpu.pipeline_mode<synchronous>, transform_indices = @transform_1, window_bounds = array<i64: 128, 128>}, {transform_indices = @transform_2, window_bounds = array<i64: 2, 2, 1000, 1>}, {transform_indices = @transform_3, window_bounds = array<i64: 1000, 128>}]} {
    %get3A = arith.constant 0 : index
    %get3A_0 = arith.constant 0 : index
    %get3A_1 = arith.constant 0 : index
    %get3A_2 = arith.constant 0 : index
    %get3A_3 = vector.load %arg3[%get3A, %get3A_0, %get3A_1, %get3A_2] : memref<2x2x1000x1xf32, #tpu.memory_space<vmem>>, vector<1x1x1000x1xf32>
    %get3A_4 = vector.shape_cast %get3A_3 : vector<1x1x1000x1xf32> to vector<1000x1xf32>
    %get3A_5 = arith.constant 1 : index
    %get3A_6 = arith.constant 0 : index
    %get3A_7 = arith.constant 0 : index
    %get3A_8 = arith.constant 0 : index
    %get3A_9 = vector.load %arg3[%get3A_5, %get3A_6, %get3A_7, %get3A_8] : memref<2x2x1000x1xf32, #tpu.memory_space<vmem>>, vector<1x1x1000x1xf32>
    %get3A_10 = vector.shape_cast %get3A_9 : vector<1x1x1000x1xf32> to vector<1000x1xf32>
    %add3A = arith.addf %get3A_4, %get3A_10 : vector<1000x1xf32>
    %gt3A = arith.constant 0.000000e+00 : f32
    %gt3A_11 = vector.broadcast %gt3A : f32 to vector<1000x1xf32>
    %gt3A_12 = arith.cmpf ogt, %add3A, %gt3A_11 : vector<1000x1xf32>
    %max3A = arith.constant 1.000000e+00 : f32
    %max3A_13 = vector.broadcast %max3A : f32 to vector<1000x1xf32>
    %max3A_14 = arith.maximumf %add3A, %max3A_13 : vector<1000x1xf32>
    %rsqrt3A = math.rsqrt %max3A_14 : vector<1000x1xf32>
    %jit3A = arith.constant 0.000000e+00 : f32
    %broadcast_in_dim3A = vector.broadcast %jit3A : f32 to vector<1000x1xf32>
    %select_n3A = arith.select %gt3A_12, %rsqrt3A, %broadcast_in_dim3A : vector<1000x1xi1>, vector<1000x1xf32>
    %get3A_15 = arith.constant 0 : index
    %get3A_16 = arith.constant 0 : index
    %get3A_17 = vector.load %arg1[%get3A_15, %get3A_16] : memref<1000x128xf32, #tpu.memory_space<vmem>>, vector<1000x128xf32>
    %get3A_18 = arith.constant 0 : index
    %get3A_19 = arith.constant 0 : index
    %get3A_20 = vector.load %arg2[%get3A_18, %get3A_19] : memref<128x128xf32, #tpu.memory_space<vmem>>, vector<128x128xf32>
    %dot_general3A = arith.constant dense<0.000000e+00> : vector<1000x128xf32>
    %dot_general3A_21 = tpu.matmul %get3A_17, %get3A_20, %dot_general3A {dimension_numbers = #tpu.dot_dimension_numbers<[1], [0], [0], [1], [0, 0, 1, 1], [], []>, transpose_lhs_hint = false} : vector<1000x128xf32>, vector<128x128xf32>, vector<1000x128xf32> -> vector<1000x128xf32>
    %mul3A = vector.broadcast %select_n3A : vector<1000x1xf32> to vector<1000x128xf32>
    %mul3A_22 = arith.mulf %dot_general3A_21, %mul3A : vector<1000x128xf32>
    %convert_element_type3A = arith.truncf %mul3A_22 : vector<1000x128xf32> to vector<1000x128xbf16>
    %swap3A = arith.constant 0 : index
    %swap3A_23 = arith.constant 0 : index
    %swap3A_24 = vector.load %arg4[%swap3A, %swap3A_23] : memref<1000x128xbf16, #tpu.memory_space<vmem>>, vector<1000x128xbf16>
    tpu.vector_store %arg4[%swap3A, %swap3A_23], %convert_element_type3A {strides = array<i32>} : memref<1000x128xbf16, #tpu.memory_space<vmem>>, vector<1000x128xbf16>,
    return
  }
  func.func @transform_0(%arg0: i32) -> (i32, i32) {
    %c0_i32 = arith.constant 0 : i32
    %c0_i32_0 = arith.constant 0 : i32
    return %arg0, %c0_i32 : i32, i32
  }
  func.func @transform_1(%arg0: i32) -> (i32, i32) {
    %c0_i32 = arith.constant 0 : i32
    %c0_i32_0 = arith.constant 0 : i32
    %c0_i32_1 = arith.constant 0 : i32
    return %c0_i32, %c0_i32_0 : i32, i32
  }
  func.func @transform_2(%arg0: i32) -> (i32, i32, i32, i32) {
    %c0_i32 = arith.constant 0 : i32
    %c0_i32_0 = arith.constant 0 : i32
    %c0_i32_1 = arith.constant 0 : i32
    %c0_i32_2 = arith.constant 0 : i32
    return %c0_i32, %c0_i32_0, %arg0, %c0_i32_1 : i32, i32, i32, i32
  }
  func.func @transform_3(%arg0: i32) -> (i32, i32) {
    %c0_i32 = arith.constant 0 : i32
    %c0_i32_0 = arith.constant 0 : i32
    return %arg0, %c0_i32 : i32, i32
  }
}

module attributes {stable_mosaic.version = 14 : i64} {
  func.func @_tc2_body(%arg0: i32, %arg1: memref<2x1000x128xbf16, #tpu.memory_space<vmem>>, %arg2: memref<2x2x1000x1xf32, #tpu.memory_space<vmem>>, %arg3: memref<1x128xf32, #tpu.memory_space<vmem>>, %arg4: memref<128x64xf32, #tpu.memory_space<vmem>>, %arg5: memref<1000x64xf32, #tpu.memory_space<vmem>>) attributes {dimension_semantics = [#tpu.dimension_semantics<arbitrary>], iteration_bounds = array<i64: 10>, scalar_prefetch = 0 : i64, scratch_operands = 0 : i64, tpu.core_type = #tpu.core_type<tc>, window_params = [{transform_indices = @transform_0, window_bounds = array<i64: 2, 1000, 128>}, {transform_indices = @transform_1, window_bounds = array<i64: 2, 2, 1000, 1>}, {pipeline_mode = #tpu.pipeline_mode<synchronous>, transform_indices = @transform_2, window_bounds = array<i64: 1, 128>}, {pipeline_mode = #tpu.pipeline_mode<synchronous>, transform_indices = @transform_3, window_bounds = array<i64: 128, 64>}, {transform_indices = @transform_4, window_bounds = array<i64: 1000, 64>}]} {
    %get3A = arith.constant 0 : index
    %get3A_0 = arith.constant 0 : index
    %get3A_1 = arith.constant 0 : index
    %get3A_2 = arith.constant 0 : index
    %get3A_3 = vector.load %arg2[%get3A, %get3A_0, %get3A_1, %get3A_2] : memref<2x2x1000x1xf32, #tpu.memory_space<vmem>>, vector<1x1x1000x1xf32>
    %get3A_4 = vector.shape_cast %get3A_3 : vector<1x1x1000x1xf32> to vector<1000x1xf32>
    %get3A_5 = arith.constant 1 : index
    %get3A_6 = arith.constant 0 : index
    %get3A_7 = arith.constant 0 : index
    %get3A_8 = arith.constant 0 : index
    %get3A_9 = vector.load %arg2[%get3A_5, %get3A_6, %get3A_7, %get3A_8] : memref<2x2x1000x1xf32, #tpu.memory_space<vmem>>, vector<1x1x1000x1xf32>
    %get3A_10 = vector.shape_cast %get3A_9 : vector<1x1x1000x1xf32> to vector<1000x1xf32>
    %add3A = arith.addf %get3A_4, %get3A_10 : vector<1000x1xf32>
    %get3A_11 = arith.constant 0 : index
    %get3A_12 = arith.constant 1 : index
    %get3A_13 = arith.constant 0 : index
    %get3A_14 = arith.constant 0 : index
    %get3A_15 = vector.load %arg2[%get3A_11, %get3A_12, %get3A_13, %get3A_14] : memref<2x2x1000x1xf32, #tpu.memory_space<vmem>>, vector<1x1x1000x1xf32>
    %get3A_16 = vector.shape_cast %get3A_15 : vector<1x1x1000x1xf32> to vector<1000x1xf32>
    %get3A_17 = arith.constant 1 : index
    %get3A_18 = arith.constant 1 : index
    %get3A_19 = arith.constant 0 : index
    %get3A_20 = arith.constant 0 : index
    %get3A_21 = vector.load %arg2[%get3A_17, %get3A_18, %get3A_19, %get3A_20] : memref<2x2x1000x1xf32, #tpu.memory_space<vmem>>, vector<1x1x1000x1xf32>
    %get3A_22 = vector.shape_cast %get3A_21 : vector<1x1x1000x1xf32> to vector<1000x1xf32>
    %add3A_23 = arith.addf %get3A_16, %get3A_22 : vector<1000x1xf32>
    %gt3A = arith.constant 0.000000e+00 : f32
    %gt3A_24 = vector.broadcast %gt3A : f32 to vector<1000x1xf32>
    %gt3A_25 = arith.cmpf ogt, %add3A, %gt3A_24 : vector<1000x1xf32>
    %max3A = arith.constant 1.000000e+00 : f32
    %max3A_26 = vector.broadcast %max3A : f32 to vector<1000x1xf32>
    %max3A_27 = arith.maximumf %add3A, %max3A_26 : vector<1000x1xf32>
    %rsqrt3A = math.rsqrt %max3A_27 : vector<1000x1xf32>
    %jit3A = arith.constant 0.000000e+00 : f32
    %broadcast_in_dim3A = vector.broadcast %jit3A : f32 to vector<1000x1xf32>
    %select_n3A = arith.select %gt3A_25, %rsqrt3A, %broadcast_in_dim3A : vector<1000x1xi1>, vector<1000x1xf32>
    %gt3A_28 = arith.constant 0.000000e+00 : f32
    %gt3A_29 = vector.broadcast %gt3A_28 : f32 to vector<1000x1xf32>
    %gt3A_30 = arith.cmpf ogt, %add3A_23, %gt3A_29 : vector<1000x1xf32>
    %max3A_31 = arith.constant 1.000000e+00 : f32
    %max3A_32 = vector.broadcast %max3A_31 : f32 to vector<1000x1xf32>
    %max3A_33 = arith.maximumf %add3A_23, %max3A_32 : vector<1000x1xf32>
    %rsqrt3A_34 = math.rsqrt %max3A_33 : vector<1000x1xf32>
    %jit3A_35 = arith.constant 0.000000e+00 : f32
    %broadcast_in_dim3A_36 = vector.broadcast %jit3A_35 : f32 to vector<1000x1xf32>
    %select_n3A_37 = arith.select %gt3A_30, %rsqrt3A_34, %broadcast_in_dim3A_36 : vector<1000x1xi1>, vector<1000x1xf32>
    %get3A_38 = arith.constant 0 : index
    %get3A_39 = arith.constant 0 : index
    %get3A_40 = arith.constant 0 : index
    %get3A_41 = vector.load %arg1[%get3A_38, %get3A_39, %get3A_40] : memref<2x1000x128xbf16, #tpu.memory_space<vmem>>, vector<1x1000x128xbf16>
    %get3A_42 = vector.shape_cast %get3A_41 : vector<1x1000x128xbf16> to vector<1000x128xbf16>
    %convert_element_type3A = arith.extf %get3A_42 : vector<1000x128xbf16> to vector<1000x128xf32>
    %get3A_43 = arith.constant 1 : index
    %get3A_44 = arith.constant 0 : index
    %get3A_45 = arith.constant 0 : index
    %get3A_46 = vector.load %arg1[%get3A_43, %get3A_44, %get3A_45] : memref<2x1000x128xbf16, #tpu.memory_space<vmem>>, vector<1x1000x128xbf16>
    %get3A_47 = vector.shape_cast %get3A_46 : vector<1x1000x128xbf16> to vector<1000x128xbf16>
    %convert_element_type3A_48 = arith.extf %get3A_47 : vector<1000x128xbf16> to vector<1000x128xf32>
    %add3A_49 = arith.addf %convert_element_type3A, %convert_element_type3A_48 : vector<1000x128xf32>
    %mul3A = vector.broadcast %select_n3A_37 : vector<1000x1xf32> to vector<1000x128xf32>
    %mul3A_50 = arith.mulf %add3A_49, %mul3A : vector<1000x128xf32>
    %get3A_51 = arith.constant 0 : index
    %get3A_52 = arith.constant 0 : index
    %get3A_53 = vector.load %arg3[%get3A_51, %get3A_52] : memref<1x128xf32, #tpu.memory_space<vmem>>, vector<1x128xf32>
    %add3A_54 = vector.broadcast %get3A_53 : vector<1x128xf32> to vector<1000x128xf32>
    %add3A_55 = arith.addf %mul3A_50, %add3A_54 : vector<1000x128xf32>
    %max3A_56 = arith.constant 0.000000e+00 : f32
    %max3A_57 = vector.broadcast %max3A_56 : f32 to vector<1000x128xf32>
    %max3A_58 = arith.maximumf %add3A_55, %max3A_57 : vector<1000x128xf32>
    %get3A_59 = arith.constant 0 : index
    %get3A_60 = arith.constant 0 : index
    %get3A_61 = vector.load %arg4[%get3A_59, %get3A_60] : memref<128x64xf32, #tpu.memory_space<vmem>>, vector<128x64xf32>
    %dot_general3A = arith.constant dense<0.000000e+00> : vector<1000x64xf32>
    %dot_general3A_62 = tpu.matmul %max3A_58, %get3A_61, %dot_general3A {dimension_numbers = #tpu.dot_dimension_numbers<[1], [0], [0], [1], [0, 0, 1, 1], [], []>, transpose_lhs_hint = false} : vector<1000x128xf32>, vector<128x64xf32>, vector<1000x64xf32> -> vector<1000x64xf32>
    %mul3A_63 = vector.broadcast %select_n3A : vector<1000x1xf32> to vector<1000x64xf32>
    %mul3A_64 = arith.mulf %dot_general3A_62, %mul3A_63 : vector<1000x64xf32>
    %swap3A = arith.constant 0 : index
    %swap3A_65 = arith.constant 0 : index
    %swap3A_66 = vector.load %arg5[%swap3A, %swap3A_65] : memref<1000x64xf32, #tpu.memory_space<vmem>>, vector<1000x64xf32>
    tpu.vector_store %arg5[%swap3A, %swap3A_65], %mul3A_64 {strides = array<i32>} : memref<1000x64xf32, #tpu.memory_space<vmem>>, vector<1000x64xf32>,
    return
  }
  func.func @transform_0(%arg0: i32) -> (i32, i32, i32) {
    %c0_i32 = arith.constant 0 : i32
    %c0_i32_0 = arith.constant 0 : i32
    %c0_i32_1 = arith.constant 0 : i32
    return %c0_i32, %arg0, %c0_i32_0 : i32, i32, i32
  }
  func.func @transform_1(%arg0: i32) -> (i32, i32, i32, i32) {
    %c0_i32 = arith.constant 0 : i32
    %c0_i32_0 = arith.constant 0 : i32
    %c0_i32_1 = arith.constant 0 : i32
    %c0_i32_2 = arith.constant 0 : i32
    return %c0_i32, %c0_i32_0, %arg0, %c0_i32_1 : i32, i32, i32, i32
  }
  func.func @transform_2(%arg0: i32) -> (i32, i32) {
    %c0_i32 = arith.constant 0 : i32
    %c0_i32_0 = arith.constant 0 : i32
    %c0_i32_1 = arith.constant 0 : i32
    return %c0_i32, %c0_i32_0 : i32, i32
  }
  func.func @transform_3(%arg0: i32) -> (i32, i32) {
    %c0_i32 = arith.constant 0 : i32
    %c0_i32_0 = arith.constant 0 : i32
    %c0_i32_1 = arith.constant 0 : i32
    return %c0_i32, %c0_i32_0 : i32, i32
  }
  func.func @transform_4(%arg0: i32) -> (i32, i32) {
    %c0_i32 = arith.constant 0 : i32
    %c0_i32_0 = arith.constant 0 : i32
    return %arg0, %c0_i32 : i32, i32
  }
}

module attributes {stable_mosaic.version = 14 : i64} {
  func.func @_tc3_body(%arg0: i32, %arg1: memref<2x1000x64xf32, #tpu.memory_space<vmem>>, %arg2: memref<2x2x1000x1xf32, #tpu.memory_space<vmem>>, %arg3: memref<1x64xf32, #tpu.memory_space<vmem>>, %arg4: memref<1000x64xf32, #tpu.memory_space<vmem>>) attributes {dimension_semantics = [#tpu.dimension_semantics<arbitrary>], iteration_bounds = array<i64: 10>, scalar_prefetch = 0 : i64, scratch_operands = 0 : i64, tpu.core_type = #tpu.core_type<tc>, window_params = [{transform_indices = @transform_0, window_bounds = array<i64: 2, 1000, 64>}, {transform_indices = @transform_1, window_bounds = array<i64: 2, 2, 1000, 1>}, {pipeline_mode = #tpu.pipeline_mode<synchronous>, transform_indices = @transform_2, window_bounds = array<i64: 1, 64>}, {transform_indices = @transform_3, window_bounds = array<i64: 1000, 64>}]} {
    %get3A = arith.constant 0 : index
    %get3A_0 = arith.constant 1 : index
    %get3A_1 = arith.constant 0 : index
    %get3A_2 = arith.constant 0 : index
    %get3A_3 = vector.load %arg2[%get3A, %get3A_0, %get3A_1, %get3A_2] : memref<2x2x1000x1xf32, #tpu.memory_space<vmem>>, vector<1x1x1000x1xf32>
    %get3A_4 = vector.shape_cast %get3A_3 : vector<1x1x1000x1xf32> to vector<1000x1xf32>
    %get3A_5 = arith.constant 1 : index
    %get3A_6 = arith.constant 1 : index
    %get3A_7 = arith.constant 0 : index
    %get3A_8 = arith.constant 0 : index
    %get3A_9 = vector.load %arg2[%get3A_5, %get3A_6, %get3A_7, %get3A_8] : memref<2x2x1000x1xf32, #tpu.memory_space<vmem>>, vector<1x1x1000x1xf32>
    %get3A_10 = vector.shape_cast %get3A_9 : vector<1x1x1000x1xf32> to vector<1000x1xf32>
    %add3A = arith.addf %get3A_4, %get3A_10 : vector<1000x1xf32>
    %gt3A = arith.constant 0.000000e+00 : f32
    %gt3A_11 = vector.broadcast %gt3A : f32 to vector<1000x1xf32>
    %gt3A_12 = arith.cmpf ogt, %add3A, %gt3A_11 : vector<1000x1xf32>
    %max3A = arith.constant 1.000000e+00 : f32
    %max3A_13 = vector.broadcast %max3A : f32 to vector<1000x1xf32>
    %max3A_14 = arith.maximumf %add3A, %max3A_13 : vector<1000x1xf32>
    %rsqrt3A = math.rsqrt %max3A_14 : vector<1000x1xf32>
    %jit3A = arith.constant 0.000000e+00 : f32
    %broadcast_in_dim3A = vector.broadcast %jit3A : f32 to vector<1000x1xf32>
    %select_n3A = arith.select %gt3A_12, %rsqrt3A, %broadcast_in_dim3A : vector<1000x1xi1>, vector<1000x1xf32>
    %get3A_15 = arith.constant 0 : index
    %get3A_16 = arith.constant 0 : index
    %get3A_17 = arith.constant 0 : index
    %get3A_18 = vector.load %arg1[%get3A_15, %get3A_16, %get3A_17] : memref<2x1000x64xf32, #tpu.memory_space<vmem>>, vector<1x1000x64xf32>
    %get3A_19 = vector.shape_cast %get3A_18 : vector<1x1000x64xf32> to vector<1000x64xf32>
    %get3A_20 = arith.constant 1 : index
    %get3A_21 = arith.constant 0 : index
    %get3A_22 = arith.constant 0 : index
    %get3A_23 = vector.load %arg1[%get3A_20, %get3A_21, %get3A_22] : memref<2x1000x64xf32, #tpu.memory_space<vmem>>, vector<1x1000x64xf32>
    %get3A_24 = vector.shape_cast %get3A_23 : vector<1x1000x64xf32> to vector<1000x64xf32>
    %add3A_25 = arith.addf %get3A_19, %get3A_24 : vector<1000x64xf32>
    %mul3A = vector.broadcast %select_n3A : vector<1000x1xf32> to vector<1000x64xf32>
    %mul3A_26 = arith.mulf %add3A_25, %mul3A : vector<1000x64xf32>
    %get3A_27 = arith.constant 0 : index
    %get3A_28 = arith.constant 0 : index
    %get3A_29 = vector.load %arg3[%get3A_27, %get3A_28] : memref<1x64xf32, #tpu.memory_space<vmem>>, vector<1x64xf32>
    %add3A_30 = vector.broadcast %get3A_29 : vector<1x64xf32> to vector<1000x64xf32>
    %add3A_31 = arith.addf %mul3A_26, %add3A_30 : vector<1000x64xf32>
    %max3A_32 = arith.constant 0.000000e+00 : f32
    %max3A_33 = vector.broadcast %max3A_32 : f32 to vector<1000x64xf32>
    %max3A_34 = arith.maximumf %add3A_31, %max3A_33 : vector<1000x64xf32>
    %reduce_max3A = arith.constant dense<0xFF800000> : vector<1000xf32>
    %reduce_max3A_35 = vector.multi_reduction <maximumf>, %max3A_34, %reduce_max3A [1] : vector<1000x64xf32> to vector<1000xf32>
    %broadcast_in_dim3A_36 = vector.shape_cast %reduce_max3A_35 : vector<1000xf32> to vector<1000x1xf32>
    %sub3A = vector.broadcast %broadcast_in_dim3A_36 : vector<1000x1xf32> to vector<1000x64xf32>
    %sub3A_37 = arith.subf %max3A_34, %sub3A : vector<1000x64xf32>
    %exp3A = math.exp %sub3A_37 : vector<1000x64xf32>
    %reduce_sum3A = arith.constant dense<0.000000e+00> : vector<1000xf32>
    %reduce_sum3A_38 = vector.multi_reduction <add>, %exp3A, %reduce_sum3A [1] : vector<1000x64xf32> to vector<1000xf32>
    %broadcast_in_dim3A_39 = vector.shape_cast %reduce_sum3A_38 : vector<1000xf32> to vector<1000x1xf32>
    %sub3A_40 = vector.broadcast %broadcast_in_dim3A_36 : vector<1000x1xf32> to vector<1000x64xf32>
    %sub3A_41 = arith.subf %max3A_34, %sub3A_40 : vector<1000x64xf32>
    %log3A = math.log %broadcast_in_dim3A_39 : vector<1000x1xf32>
    %sub3A_42 = vector.broadcast %log3A : vector<1000x1xf32> to vector<1000x64xf32>
    %sub3A_43 = arith.subf %sub3A_41, %sub3A_42 : vector<1000x64xf32>
    %swap3A = arith.constant 0 : index
    %swap3A_44 = arith.constant 0 : index
    %swap3A_45 = vector.load %arg4[%swap3A, %swap3A_44] : memref<1000x64xf32, #tpu.memory_space<vmem>>, vector<1000x64xf32>
    tpu.vector_store %arg4[%swap3A, %swap3A_44], %sub3A_43 {strides = array<i32>} : memref<1000x64xf32, #tpu.memory_space<vmem>>, vector<1000x64xf32>,
    return
  }
  func.func @transform_0(%arg0: i32) -> (i32, i32, i32) {
    %c0_i32 = arith.constant 0 : i32
    %c0_i32_0 = arith.constant 0 : i32
    %c0_i32_1 = arith.constant 0 : i32
    return %c0_i32, %arg0, %c0_i32_0 : i32, i32, i32
  }
  func.func @transform_1(%arg0: i32) -> (i32, i32, i32, i32) {
    %c0_i32 = arith.constant 0 : i32
    %c0_i32_0 = arith.constant 0 : i32
    %c0_i32_1 = arith.constant 0 : i32
    %c0_i32_2 = arith.constant 0 : i32
    return %c0_i32, %c0_i32_0, %arg0, %c0_i32_1 : i32, i32, i32, i32
  }
  func.func @transform_2(%arg0: i32) -> (i32, i32) {
    %c0_i32 = arith.constant 0 : i32
    %c0_i32_0 = arith.constant 0 : i32
    %c0_i32_1 = arith.constant 0 : i32
    return %c0_i32, %c0_i32_0 : i32, i32
  }
  func.func @transform_3(%arg0: i32) -> (i32, i32) {
    %c0_i32 = arith.constant 0 : i32
    %c0_i32_0 = arith.constant 0 : i32
    return %arg0, %c0_i32 : i32, i32
  }
}

</mosaic_0001>

<sc_bundles>
// kernel: kernel.11.cloned.1.call-start
scs
__scs_entry_jumppad:
0x0: {  	(pc) =	sbr.rel $0x88, $3  }
0x1: {  	(tag) =	ssettag $0x0;
	lr =	simm.s32 $0x1  }
0x2: {  	[smem:$0x3F9B] =	sst lr;
	_ =	strace $0xD0000000  }
0x3: {  	_ = 	snop  }
0x4: {  	_ = 	snop  }
0x5: {  	_ = 	snop  }
0x6: {  	_ = 	snop  }
0x7: {  	_ = 	snop  }
__scs_overlays_trampoline_lowered:
0x8: {  	[smem:$0x3FAA] =	sst s0  }
0x9: {  	[smem:$0x3FAB] =	sst s1  }
0xa: {  	[smem:$0x3FAC] =	sst s2  }
0xb: {  	[smem:$0x3FAD] =	sst s3  }
0xc: {  	[smem:$0x3FAE] =	sst s4  }
0xd: {  	[smem:$0x3FAF] =	sst s5  }
0xe: {  	[smem:$0x3FB0] =	sst s6  }
0xf: {  	[smem:$0x3FB1] =	sst s7  }
0x10: {  	[smem:$0x3FB2] =	sst s8  }
0x11: {  	[smem:$0x3FB3] =	sst s9;
	s0 =	simm.s32 @!p0 $0x0  }
0x12: {  	s1 =	sld [smem:$0x3F99];
	s0 =	simm.s32 @p0 $0x1  }
0x13: {  	[smem:$0x3FB4] =	sst s0;
	s0 =	simm.s32 @!p1 $0x0  }
0x14: {  	s2 =	sld [smem:$0x3F98];
	s0 =	simm.s32 @p1 $0x1  }
0x15: {  	[smem:$0x3FB5] =	sst s0;
	s0 =	simm.s32 @!p2 $0x0  }
0x16: {  	s3 =	sld [smem:$0x3FDB];
	s0 =	simm.s32 @p2 $0x1  }
0x17: {  	s4 =	simm.s32 $0x1BF5;
	[smem:$0x3FB7] =	sst s0  }
0x18: {  	s0 =	sld [smem:$0x3F9A];
	_ =	swait.ge [sflag:s4], $0x0  }
0x19: {  	s7 =	sld [smem:$0x3F9B]  }
0x1a: {  	s8 =	sadd.s32 $0xFFFFE003, lr  }
0x1b: {  	s9 =	sadd.s32 $0xFFFFFEF7, lr;
	s5 =	simm.s32 $0xFFFFFFFF;
	p2 =	slt.u32 s8, $0xFFFFF086  }
0x1c: {  	p1 =	slt.u32 s9, $0xF7A;
	s5 =	simm.s32 @!p2 $0x0  }
0x1d: {  	s5 =	simm.s32 @p1 $0x1;
	p0 =	seq.s32 s7, s2  }
0x1e: {  	s7 =	smul.u32 @!p0 $0xF7A, s2;
	p2 =	seq.s32 @!p0 s5, $0x0  }
0x1f: {  	s9 =	smul.u32 $0xF7A, s1;
	s8 =	simm.s32 @!p0 $0x1BF5;
	p2 =	por !p2, p0  }
0x20: {  	[sflag:s8] =	ssyncset.s32 @!p0 $0xFFFFF086;
	s6 =	sadd.s32 @!p0 s3, s7;
	s7 =	simm.s32 @!p0 $0x108  }
0x21: {  	s3 =	sadd.s32 s3, s9;
	s6 =	sadd.s32 @!p0 $0x88, s6;
	s7 =	simm.s32 @p2 $0x1082  }
0x22: {  	[simem:s7], [sflag:s8] =	dma.local @!p0 [hbm:s6], $0xF7A  }
0x23: {  	s9 =	sor.u32 $0xD0000000, s2;
	s6 =	simm.s32 $0x108;
	_ =	swait.ge @!p0 [sflag:s8], $0x0  }
0x24: {  	s3 =	sadd.s32 $0x88, s3;
	s6 =	simm.s32 @!p1 $0x1082;
	[sflag:s4] =	ssyncset.s32 $0xFFFFF086  }
0x25: {  	[simem:s6], [sflag:s4] =	dma.local [hbm:s3], $0xF7A  }
0x26: {  	[smem:$0x3F9B] =	sst s1;
	(tag) =	ssettag s2;
	_ =	strace s9  }
0x27: {  	s1 =	sld [smem:$0x3FAB]  }
0x28: {  	s2 =	sld [smem:$0x3FAC]  }
0x29: {  	s4 =	sld [smem:$0x3FAE]  }
0x2a: {  	p0 =	seq.s32 s5, $0x0;
	s5 =	sld [smem:$0x3FAF]  }
0x2b: {  	s6 =	sld [smem:$0x3FB0]  }
0x2c: {  	s7 =	sld [smem:$0x3FB1]  }
0x2d: {  	s3 =	simm.s32 $0x108;
	s8 =	sld [smem:$0x3FB2]  }
0x2e: {  	s3 =	simm.s32 @!p0 $0x1082;
	s9 =	sld [smem:$0x3FB3]  }
0x2f: {  	lr =	sadd.s32 s0, s3;
	s0 =	sld [smem:$0x3FAA]  }
0x30: {  	s3 =	sld [smem:$0x3FAD]  }
0x31: {  	[smem:$0x3FB6] =	sst s10  }
0x32: {  	s10 =	sld [smem:$0x3FB4];
	_ =	sdelay $0x3  }
0x33: {  	p0 =	seq.s32 s10, $0x1;
	s10 =	sld [smem:$0x3FB6];
	_ =	sdelay $0x3  }
0x34: {  	[smem:$0x3FB6] =	sst s10  }
0x35: {  	s10 =	sld [smem:$0x3FB5];
	_ =	sdelay $0x3  }
0x36: {  	p1 =	seq.s32 s10, $0x1;
	s10 =	sld [smem:$0x3FB6];
	_ =	sdelay $0x3  }
0x37: {  	[smem:$0x3FB6] =	sst s10  }
0x38: {  	s10 =	sld [smem:$0x3FB7]  }
0x39: {  	_ = 	snop;
	(pc) =	sbr.ind lr, $3  }
0x3a: {  	_ = 	snop  }
0x3b: {  	_ = 	snop  }
0x3c: {  	p2 =	seq.s32 s10, $0x1;
	s10 =	sld [smem:$0x3FB6]  }
0x3d: {  	_ =	shalt  }
0x3e: {  	_ =	shalt  }
0x3f: {  	_ =	shalt  }
0x40: {  	_ =	shalt  }
0x41: {  	_ =	shalt  }
0x42: {  	_ =	shalt  }
0x43: {  	_ =	shalt  }
0x44: {  	_ =	shalt  }
0x45: {  	_ =	shalt  }
0x46: {  	_ =	shalt  }
0x47: {  	_ =	shalt  }
0x48: {  	_ =	shalt  }
0x49: {  	_ =	shalt  }
0x4a: {  	_ =	shalt  }
0x4b: {  	_ =	shalt  }
0x4c: {  	_ =	shalt  }
0x4d: {  	_ =	shalt  }
0x4e: {  	_ =	shalt  }
0x4f: {  	_ =	shalt  }
0x50: {  	_ =	shalt  }
0x51: {  	_ =	shalt  }
0x52: {  	_ =	shalt  }
0x53: {  	_ =	shalt  }
0x54: {  	_ =	shalt  }
0x55: {  	_ =	shalt  }
0x56: {  	_ =	shalt  }
0x57: {  	_ =	shalt  }
0x58: {  	_ =	shalt  }
0x59: {  	_ =	shalt  }
0x5a: {  	_ =	shalt  }
0x5b: {  	_ =	shalt  }
0x5c: {  	_ =	shalt  }
0x5d: {  	_ =	shalt  }
0x5e: {  	_ =	shalt  }
0x5f: {  	_ =	shalt  }
0x60: {  	_ =	shalt  }
0x61: {  	_ =	shalt  }
0x62: {  	_ =	shalt  }
0x63: {  	_ =	shalt  }
0x64: {  	_ =	shalt  }
0x65: {  	_ =	shalt  }
0x66: {  	_ =	shalt  }
0x67: {  	_ =	shalt  }
0x68: {  	_ =	shalt  }
0x69: {  	_ =	shalt  }
0x6a: {  	_ =	shalt  }
0x6b: {  	_ =	shalt  }
0x6c: {  	_ =	shalt  }
0x6d: {  	_ =	shalt  }
0x6e: {  	_ =	shalt  }
0x6f: {  	_ =	shalt  }
0x70: {  	_ =	shalt  }
0x71: {  	_ =	shalt  }
0x72: {  	_ =	shalt  }
0x73: {  	_ =	shalt  }
0x74: {  	_ =	shalt  }
0x75: {  	_ =	shalt  }
0x76: {  	_ =	shalt  }
0x77: {  	_ =	shalt  }
0x78: {  	_ =	shalt  }
0x79: {  	_ =	shalt  }
0x7a: {  	_ =	shalt  }
0x7b: {  	_ =	shalt  }
0x7c: {  	_ =	shalt  }
0x7d: {  	_ =	shalt  }
0x7e: {  	_ =	shalt  }
0x7f: {  	_ =	shalt  }
0x80: {  	_ =	shalt  }
0x81: {  	_ =	shalt  }
0x82: {  	_ =	shalt  }
0x83: {  	_ =	shalt  }
0x84: {  	_ =	shalt  }
0x85: {  	_ =	shalt  }
0x86: {  	_ =	shalt  }
0x87: {  	_ =	shalt  }
.Lfunc_end0:
.L_simem_size_0:
called_computation.1_lowered:
.L_overlay_start_0:
0x88: {  	s2 =	sld [smem:$0x3FD9]  }
0x89: {  	s3 =	sld [smem:$0x3FFE];
	_ =	sdelay $0x1  }
0x8a: {  	s1 =	srdreg.scid  }
0x8b: {  	s0 =	sand.u32 $0x1, s1  }
0x8c: {  	s17 =	sshll.u32 s0, $0xA;
	s2 =	sadd.s32 s3, s2  }
0x8d: {  	s2 =	sadd.s32 s2, s17  }
0x8e: {  	[smem:$0x3FC2] =	sst s2  }
0x8f: {  	_ = 	snop  }
0x90: {  	s2 =	sld [smem:$0x3FD0];
	(tm) =	ssettm $0x1  }
0x91: {  	s18 =	sld [smem:$0x3FFB];
	_ =	sdelay $0x3  }
0x92: {  	_ =	strace s18  }
0x93: {  	s3 =	sld [smem:$0x3FFC];
	_ =	sdelay $0x3  }
0x94: {  	_ =	strace s3  }
0x95: {  	s3 =	sld [smem:$0x3FFD];
	_ =	sdelay $0x3  }
0x96: {  	_ =	strace s3  }
0x97: {  	_ =	strace $0x8FFFFFFF  }
0x98: {  	s19 =	sld [smem:$0x3FDB];
	_ =	sdelay $0x1  }
0x99: {  	s4 =	simm.s32 $_scs_section_size  }
0x9a: {  	s5 =	simm.s32 $_size__tile_overlayer_lowered;
	s6 =	simm.s32 $_tile_overlayer_lowered  }
0x9b: {  	s22 =	simm.s32 $0x1BFF;
	s21 =	sshll.u32 s6, $0x1;
	s3 =	sadd.s32 s4, s19  }
0x9c: {  	s7 =	simm.s32 $0x0;
	s20 =	sshll.u32 s5, $0x1;
	s5 =	sadd.s32 s21, s3  }
0x9d: {  	[timem:s7], [sflag:s22] =	dma.local [hbm:s5], s20  }
0x9e: {  	_ =	swait.ge [sflag:s22], s20  }
0x9f: {  	s4 =	ssub.s32 $0x0, s20;
	[sflag:s22] =	ssyncset.done $0x0  }
0xa0: {  	[sflag:s22] =	ssyncadd.s32 s4;
	_ =	sdelay $0x1  }
0xa1: {  	s23 =	simm.s32 $0x1B8B  }
0xa2: {  	_ =	swait.ge [sflag:s23], $0x1  }
0xa3: {  	[sflag:s23] =	ssyncset.done $0x0  }
0xa4: {  	s25 =	simm.s32 $0x1B8E;
	s24 =	sld [smem:$0x3FFE];
	[sflag:s23] =	ssyncadd.s32 $0xFFFFFFFF  }
0xa5: {  	s26 =	simm.s32 $execute0_lowered;
	[smem:$0x3FD2] =	sst s25  }
0xa6: {  	s5 =	sshll.u32 s26, $0x1;
	_ =	strace $0x80000049;
	[dreg:$0x1] =	wrdreg $0xFFFFFFFF  }
0xa7: {  	s28 =	simm.s32 $_size_execute0_lowered;
	s3 =	sadd.s32 s3, s5;
	[dreg:$0x0] =	wrdreg $0x0  }
0xa8: {  	s5 =	sshll.u32 s28, $0x1;
	[dreg:$0x2] =	wrdreg s3  }
0xa9: {  	[dreg:$0x3] =	wrdreg s5  }
0xaa: {  	[dreg:$0x4] =	wrdreg $0xC0  }
0xab: {  	_ =	task [dreg:s7], $0x5FFFF  }
0xac: {  	[dreg:$0x1] =	wrdreg $0xFFFFFFFF  }
0xad: {  	[dreg:$0x0] =	wrdreg $0x60  }
0xae: {  	[dreg:$0x2] =	wrdreg s2  }
0xaf: {  	[dreg:$0x3] =	wrdreg s24  }
0xb0: {  	[dreg:$0x4] =	wrdreg $0x9E200  }
0xb1: {  	[dreg:$0x5] =	wrdreg $0x9  }
0xb2: {  	_ =	task.clear_ibuf [dreg:s7], $0x6FFFF;
	_ =	strace $0x90000049  }
0xb3: {  	s29 =	simm.s32 $0x9;
	_ =	strace $0x8000004B  }
0xb4: {  	_ =	swait.ge [sflag:s29], $0x1  }
0xb5: {  	[sflag:s29] =	ssyncadd.s32 $0xFFFFFFFF  }
0xb6: {  	_ =	strace $0x9000004B  }
0xb7: {  	_ =	sfence  }
0xb8: {  	s30 =	sld [smem:$0x0];
	_ =	sdelay $0x2  }
0xb9: {  	s31 =	sshll.u32 s1, $0xD;
	s1 =	sshrl.u32 s1, $0x2  }
0xba: {  	s3 =	sand.u32 $0x4000, s31;
	s1 =	sadd.s32 s1, s30  }
0xbb: {  	s0 =	sor.u32 s3, s0;
	s1 =	sshll.u32 s1, $0x11  }
0xbc: {  	s0 =	sor.u32 s1, s0  }
0xbd: {  	s0 =	sadd.s32 $0x8F2B, s0  }
0xbe: {  	[sflag:s0] =	ssyncadd.remote.s32 $0x1  }
0xbf: {  	_ =	sfence.sel $0xFFFF  }
0xc0: {  	[dreg:$0x0] =	wrdreg $0xFFFFFFFF;
	(pc) =	sbr.abs _section_cstart, $3  }
0xc1: {  	[dreg:$0x1] =	wrdreg $0xFFFFFFFF  }
0xc2: {  	_ =	task.clear_ibuf [dreg:s7], $0x2FFFF;
	_ =	strace $0x9FFFFFFF  }
0xc3: {  	(tm) =	ssettm $0x7FFFFFFF  }
tec
execute0_lowered:
.L_overlay_start_1:
0x0: {  	(tag) =	ssettag $0x1  }
0x1: {  	s2 =	rddreg [dreg:$0x0]  }
0x2: {  	s0 =	rddreg [dreg:$0x1]  }
0x3: {  	s3 =	rddreg [dreg:$0x2]  }
0x4: {  	s1 =	srdreg.scid;
	s8 =	stileid.u32;
	s4 =	simm.s32 $0x0  }
0x5: {  	s17 =	simm.s32 $0x9;
	s18 =	simm.s32 $0x2710;
	s19 =	simm.s32 $0x4E20  }
0x6: {  	s20 =	simm.s32 $0x50;
	s21 =	simm.s32 $0x6220;
	s30 =	simm.s32 $0x6  }
0x7: {  	s31 =	simm.s32 $0x7;
	s1 =	sand.u32 $0x1, s1;
	s5 =	smul.u32 $0x14000, s8  }
0x8: {  	s6 =	sshll.u32 s8, $0x1;
	[smem:$0x7FF] =	sst s4;
	s8 =	smul.u32 $0x28000, s8  }
0x9: {  	s7 =	smul.u32 $0x140000, s1;
	s6 =	sor.u32 s1, s6;
	s1 =	ssub.s32 $0x2, s1  }
0xa: {  	_ =	strace $0x8000004A;
	s6 =	smul.u32 $0x4E2, s6;
	s22 =	sshrl.u32 s1, $0x1  }
0xb: {  	s24 =	sshrl.u32 s8, $0x2;
	s7 =	sadd.s32 s5, s7;
	s1 =	ssub.s32 s1, s22  }
0xc: {  	s5 =	sshrl.u32 s5, $0x1;
	s25 =	sadd.s32 s24, s3;
	s22 =	simm.s32 $0x1  }
0xd: {  	s7 =	sshrl.u32 s7, $0x4;
	s6 =	sadd.s32 s6, s0;
	s26 =	sadd.s32 $0x1400, s25  }
0xe: {  	s28 =	sadd.s32 $0x2800, s25;
	s29 =	sadd.s32 $0x3C00, s25;
	s11 =	sadd.s32 $0x5000, s25  }
0xf: {  	s12 =	sadd.s32 $0x6400, s25;
	s13 =	sadd.s32 $0x7800, s25;
	[dreg:$0x6] =	wrdreg s26  }
0x10: {  	s14 =	sadd.s32 $0x8C00, s25;
	s16 =	smax.u32 s1, $0x1;
	[dreg:$0x7] =	wrdreg s28  }
0x11: {  	s25 =	simm.s32 $0x2;
	s23 =	sadd.s32 $0xAC00, s6;
	[dreg:$0x8] =	wrdreg s29  }
0x12: {  	s1 =	simm.s32 $0x5;
	s6 =	sadd.s32 $0xE00, s6;
	[dreg:$0x4] =	wrdreg s23  }
0x13: {  	s0 =	sadd.s32 s7, s0;
	s7 =	sadd.s32 s5, s3;
	[dreg:$0x5] =	wrdreg s6  }
0x14: {  	v0 =	vimm.bf16 $0.0e+00;
	s15 =	sadd.s32 $0xB4A00, s0;
	s0 =	simm.s32 $0x8;
	s23 =	simm.s32 $0x0  }
.LBB2_1:
0x15: {  	s5 =	rddreg [dreg:$0x4]  }
0x16: {  	[tilespmem:s4], [sflag:$0x9] =	stream.linear.gather [hbm4b:s5+s4], $0x2710, $0x38;
	[tilespmem:$0x13E20] =	vst v63  }
0x17: {  	_ =	swait.ge [sflag:s17], $0x2710  }
0x18: {  	[sflag:s17] =	ssyncset.done $0x0  }
0x19: {  	s29 =	rddreg [dreg:$0x5];
	[sflag:s17] =	ssyncadd.s32 $0xFFFFD8F0  }
0x1a: {  	[tilespmem:s18], [sflag:$0x9] =	stream.linear.gather [hbm4b:s29+s4], $0x2710, $0x38;
	[tilespmem:$0x13E20] =	vst v63  }
0x1b: {  	_ =	swait.ge [sflag:s17], $0x2710  }
0x1c: {  	[sflag:s17] =	ssyncset.done $0x0  }
0x1d: {  	s6 =	simm.s32 $0x100;
	s5 =	simm.s32 $0x0;
	[sflag:s17] =	ssyncadd.s32 $0xFFFFD8F0  }
.LBB2_2:
0x1e: {  	p0 =	sne.s32 s6, $0x4F00;
	[tilespmem:s5+$0x4E50] =	vst v0;
	s8 =	smov.u32 s6;
	s6 =	sadd.s32 $0x100, s6  }
.Ltmp0:
0x1f: {  	[tilespmem:s5+$0x4E40] =	vst v0;
	(pc) =	sbr.rel @p0 .LBB2_2-.Ltmp0, $3  }
0x20: {  	[tilespmem:s5+$0x4E20] =	vst v0  }
0x21: {  	[tilespmem:s5+$0x4E30] =	vst v0;
	_ =	sdelay $0x1  }
0x22: {  	s5 =	sshra.s32 s8, $0x2  }
0x23: {  	[tilespmem:s5+$0x4E50] =	vst v0  }
0x24: {  	[tilespmem:s5+$0x4E40] =	vst v0  }
0x25: {  	[tilespmem:s5+$0x4E20] =	vst v0  }
0x26: {  	[tilespmem:s5+$0x4E30] =	vst v0  }
0x27: {  	[spmem:s7] =	stream.linear.scatter [tilespmem:s19], [sflag:$0x9], $0x1400, $0x38;
	[tilespmem:$0x13E20] =	vst v63  }
0x28: {  	_ =	swait.ge [sflag:s17], $0x1400  }
0x29: {  	[sflag:s17] =	ssyncset.done $0x0  }
0x2a: {  	s8 =	rddreg [dreg:$0x6];
	[sflag:s17] =	ssyncadd.s32 $0xFFFFEC00  }
0x2b: {  	[spmem:s8] =	stream.linear.scatter [tilespmem:s19], [sflag:$0x9], $0x1400, $0x38;
	[tilespmem:$0x13E20] =	vst v63  }
0x2c: {  	_ =	swait.ge [sflag:s17], $0x1400  }
0x2d: {  	[sflag:s17] =	ssyncset.done $0x0  }
0x2e: {  	s9 =	rddreg [dreg:$0x7];
	[sflag:s17] =	ssyncadd.s32 $0xFFFFEC00  }
0x2f: {  	[spmem:s9] =	stream.linear.scatter [tilespmem:s19], [sflag:$0x9], $0x1400, $0x38;
	[tilespmem:$0x13E20] =	vst v63  }
0x30: {  	_ =	swait.ge [sflag:s17], $0x1400  }
0x31: {  	[sflag:s17] =	ssyncset.done $0x0  }
0x32: {  	s10 =	rddreg [dreg:$0x8];
	[sflag:s17] =	ssyncadd.s32 $0xFFFFEC00  }
0x33: {  	[spmem:s10] =	stream.linear.scatter [tilespmem:s19], [sflag:$0x9], $0x1400, $0x38;
	[tilespmem:$0x13E20] =	vst v63  }
0x34: {  	_ =	swait.ge [sflag:s17], $0x1400  }
0x35: {  	[sflag:s17] =	ssyncset.done $0x0  }
0x36: {  	[sflag:s17] =	ssyncadd.s32 $0xFFFFEC00  }
0x37: {  	[spmem:s11] =	stream.linear.scatter [tilespmem:s19], [sflag:$0x9], $0x1400, $0x38;
	[tilespmem:$0x13E20] =	vst v63  }
0x38: {  	_ =	swait.ge [sflag:s17], $0x1400  }
0x39: {  	[sflag:s17] =	ssyncset.done $0x0  }
0x3a: {  	[sflag:s17] =	ssyncadd.s32 $0xFFFFEC00  }
0x3b: {  	[spmem:s12] =	stream.linear.scatter [tilespmem:s19], [sflag:$0x9], $0x1400, $0x38;
	[tilespmem:$0x13E20] =	vst v63  }
0x3c: {  	_ =	swait.ge [sflag:s17], $0x1400  }
0x3d: {  	[sflag:s17] =	ssyncset.done $0x0  }
0x3e: {  	[sflag:s17] =	ssyncadd.s32 $0xFFFFEC00  }
0x3f: {  	[spmem:s13] =	stream.linear.scatter [tilespmem:s19], [sflag:$0x9], $0x1400, $0x38;
	[tilespmem:$0x13E20] =	vst v63  }
0x40: {  	_ =	swait.ge [sflag:s17], $0x1400  }
0x41: {  	[sflag:s17] =	ssyncset.done $0x0  }
0x42: {  	[sflag:s17] =	ssyncadd.s32 $0xFFFFEC00  }
0x43: {  	[spmem:s14] =	stream.linear.scatter [tilespmem:s19], [sflag:$0x9], $0x1400, $0x38;
	[tilespmem:$0x13E20] =	vst v63  }
0x44: {  	_ =	swait.ge [sflag:s17], $0x1400  }
0x45: {  	[sflag:s17] =	ssyncset.done $0x0  }
0x46: {  	[sflag:s17] =	ssyncadd.s32 $0xFFFFEC00  }
0x47: {  	[bflag:$0x0] =	sbarrier.arrive $0xFFFF  }
0x48: {  	[tilespmem:s19], [sflag:$0x1] =	stream.indirect.gather [hbm4b:s2+s20], $0x40, s4, s20, $0xb8;
	[tilespmem:$0x13E20] =	vst v63  }
0x49: {  	_ = 	snop  }
0x4a: {  	[tilespmem:s21], [sflag:$0x2] =	stream.indirect.gather [hbm4b:s2+s20], $0x40, s20, s20, $0xb8;
	[tilespmem:$0x13E20] =	vst v63  }
0x4b: {  	_ =	swait.ge [sflag:s22], $0x1400  }
0x4c: {  	[sflag:s22] =	ssyncset.done $0x0  }
0x4d: {  	[sflag:s22] =	ssyncadd.s32 $0xFFFFEC00  }
0x4e: {  	[spmem:s3] =	stream.indirect.scatter.add.bf16 [tilespmem:s19], [sflag:$0x5], $0x40, s18, s20, $0xb8;
	[tilespmem:$0x13E20] =	vst v63  }
0x4f: {  	s24 =	simm.s32 $0xA0;
	s6 =	simm.s32 $0x7620  }
0x50: {  	[tilespmem:s6], [sflag:$0x3] =	stream.indirect.gather [hbm4b:s2+s20], $0x40, s24, s20, $0xb8;
	[tilespmem:$0x13E20] =	vst v63  }
0x51: {  	s26 =	simm.s32 $0x2760;
	_ =	swait.ge [sflag:s25], $0x1400  }
0x52: {  	p0 =	por $0x0, $0x0;
	s9 =	simm.s32 $0x2;
	[sflag:s25] =	ssyncset.done $0x0  }
0x53: {  	s29 =	simm.s32 $0x140;
	s5 =	sand.u32 $0x3, s9;
	[sflag:s25] =	ssyncadd.s32 $0xFFFFEC00  }
0x54: {  	[spmem:s3] =	stream.indirect.scatter.add.bf16 [tilespmem:s21], [sflag:$0x6], $0x40, s26, s20, $0xb8;
	[tilespmem:$0x13E20] =	vst v63  }
0x55: {  	s8 =	simm.s32 $0x8A20;
	s9 =	sadd.s32 $0x1, s5;
	s6 =	simm.s32 $0xF0  }
0x56: {  	[tilespmem:s8], [sflag:$0x4] =	stream.indirect.gather [hbm4b:s2+s20], $0x40, s6, s20, $0xb8;
	[tilespmem:$0x13E20] =	vst v63  }
0x57: {  	s28 =	sadd.s32 $0x5, s5;
	s24 =	simm.s32 $0x140;
	s8 =	smul.u32 $0x5000, s5  }
0x58: {  	s26 =	simm.s32 $0x27B0;
	s6 =	simm.s32 $0x4;
	_ =	swait.ge [sflag:s9], $0x1400  }
0x59: {  	s6 =	sand.u32 @!p0 $0x3, s6;
	s10 =	sshrl.u32 s8, $0x2;
	[sflag:s9] =	ssyncset.done $0x0  }
0x5a: {  	s8 =	sadd.s32 $0x4E20, s10;
	[sflag:s9] =	ssyncadd.s32 $0xFFFFEC00;
	s9 =	smul.u32 @!p0 $0x5000, s6  }
0x5b: {  	[spmem:s3] =	stream.indirect.scatter.add.bf16 [tilespmem:s8], [sflag:s28], $0x40, s26, s20, $0xb8;
	[tilespmem:$0x13E20] =	vst v63  }
0x5c: {  	s5 =	sadd.s32 @!p0 $0x5, s6;
	s6 =	sadd.s32 @!p0 $0x1, s6;
	s26 =	simm.s32 $0x5  }
0x5d: {  	s28 =	simm.s32 $0x2800;
	_ =	swait.ge @!p0 [sflag:s5], $0x1400;
	s8 =	sshrl.u32 @!p0 s9, $0x2  }
0x5e: {  	s9 =	simm.s32 @!p0 $0x50;
	[sflag:s5] =	ssyncset.done @!p0 $0x0;
	s8 =	sadd.s32 @!p0 $0x4E20, s8  }
.LBB2_4:
0x5f: {  	[sflag:s5] =	ssyncadd.s32 @!p0 $0xFFFFEC00  }
0x60: {  	s24 =	sadd.s32 $0x50, s24;
	s5 =	smov.u32 s26;
	s26 =	sadd.s32 $0x1, s26  }
0x61: {  	[tilespmem:s8], [sflag:s6] =	stream.indirect.gather @!p0 [hbm4b:s2+s9], $0x40, s29, s9, $0xb8;
	[tilespmem:$0x13E20] =	vst v63  }
0x62: {  	s6 =	sadd.s32 $0xFFFFFFFE, s5;
	p1 =	sne.s32 s26, $0x7F;
	s29 =	smov.u32 s24  }
0x63: {  	s8 =	sand.u32 $0x3, s6  }
0x64: {  	s9 =	smul.u32 $0x5000, s8;
	s10 =	sadd.s32 $0x1, s8  }
0x65: {  	p0 =	sgt.u32 s6, $0x7A;
	s8 =	sadd.s32 $0x5, s8;
	_ =	swait.ge [sflag:s10], $0x1400  }
0x66: {  	s6 =	sand.u32 @!p0 $0x3, s5;
	s9 =	sshrl.u32 s9, $0x2;
	[sflag:s10] =	ssyncset.done $0x0  }
.Ltmp1:
0x67: {  	s9 =	sadd.s32 $0x4E20, s9;
	[sflag:s10] =	ssyncadd.s32 $0xFFFFEC00;
	(pc) =	sbr.rel @p1 .LBB2_4-.Ltmp1, $4  }
0x68: {  	s5 =	sadd.s32 @!p0 $0x5, s6;
	s10 =	smul.u32 @!p0 $0x5000, s6;
	s6 =	sadd.s32 @!p0 $0x1, s6  }
0x69: {  	[spmem:s3] =	stream.indirect.scatter.add.bf16 [tilespmem:s9], [sflag:s8], $0x40, s28, s20, $0xb8;
	[tilespmem:$0x13E20] =	vst v63  }
0x6a: {  	s8 =	sshrl.u32 @!p0 s10, $0x2;
	s28 =	sadd.s32 $0x50, s28;
	_ =	swait.ge @!p0 [sflag:s5], $0x1400  }
0x6b: {  	s9 =	simm.s32 @!p0 $0x50;
	s8 =	sadd.s32 @!p0 $0x4E20, s8;
	[sflag:s5] =	ssyncset.done @!p0 $0x0  }
0x6c: {  	[sflag:s5] =	ssyncadd.s32 @!p0 $0xFFFFEC00  }
0x6d: {  	[tilespmem:s8], [sflag:s6] =	stream.indirect.gather @!p0 [hbm4b:s2+s9], $0x40, s29, s9, $0xb8;
	[tilespmem:$0x13E20] =	vst v63  }
0x6e: {  	_ =	swait.ge [sflag:s30], $0x1400  }
0x6f: {  	[sflag:s30] =	ssyncset.done $0x0  }
0x70: {  	[sflag:s30] =	ssyncadd.s32 $0xFFFFEC00  }
0x71: {  	_ =	swait.ge [sflag:s31], $0x1400  }
0x72: {  	[sflag:s31] =	ssyncset.done $0x0  }
0x73: {  	[sflag:s31] =	ssyncadd.s32 $0xFFFFEC00  }
0x74: {  	_ =	swait.ge [sflag:s0], $0x1400  }
0x75: {  	[sflag:s0] =	ssyncset.done $0x0  }
0x76: {  	[sflag:s0] =	ssyncadd.s32 $0xFFFFEC00  }
0x77: {  	s28 =	stileid.u32;
	_ =	swait.ge [sflag:s1], $0x1400  }
0x78: {  	s23 =	sadd.s32 $0x1, s23;
	s5 =	sshll.u32 s28, $0x6;
	[sflag:s1] =	ssyncset.done $0x0  }
0x79: {  	s29 =	sshrl.u32 s7, $0x3;
	p0 =	sne.s32 s23, s16;
	[sflag:s1] =	ssyncadd.s32 $0xFFFFEC00  }
.Ltmp2:
0x7a: {  	s5 =	sor.u32 $0x1C09, s5;
	[bflag:$0x0] =	sbarrier.arrive $0xFFFF;
	(pc) =	sbr.rel @p0 .LBB2_1-.Ltmp2, $4  }
0x7b: {  	[hbm:s15], [sflag:s5] =	dma.local [spmem:s29], $0x1400  }
0x7c: {  	_ =	swait.ge [sflag:s17], $0x1400  }
0x7d: {  	[sflag:s17] =	ssyncset.done $0x0  }
0x7e: {  	[sflag:s17] =	ssyncadd.s32 $0xFFFFEC00  }
0x7f: {  	_ =	sfence.sel $0x180000  }
0x80: {  	[bflag:$0x0] =	sbarrier.arrive $0xFFFF  }
0x81: {  	_ =	strace $0x9000004A  }
0x82: {  	s0 =	stileid.u32;
	[bflag:$0x2] =	sbarrier.arrive $0xFFFF  }
0x83: {  	p0 =	sne.s32 s0, $0x0;
	s0 =	rddreg [dreg:$0x3]  }
0x84: {  	s0 =	sadd.s32 @!p0 $0x100000, s0  }
0x85: {  	[sflag:s0] =	ssyncadd.tile.s32 @!p0 $0x1;
	_ =	shalt  }
.Lfunc_end2:
_tile_overlayer_lowered:
.L_overlay_start_2:
0x86: {  	(tag) =	ssettag $0x2  }
0x87: {  	s0 =	rddreg [dreg:$0x0];
	s2 =	stileid.u32  }
0x88: {  	s1 =	rddreg [dreg:$0x1];
	p0 =	sne.s32 s2, $0x0  }
0x89: {  	s3 =	rddreg [dreg:$0x2];
	[bflag:$0x3] =	sbarrier.arrive $0xFFFF;
	s2 =	simm.s32 @!p0 $0x1C09  }
0x8a: {  	[timem:s3], [sflag:s2] =	dma.local @!p0 [hbm:s0], s1  }
0x8b: {  	s0 =	simm.s32 @!p0 $0x9  }
0x8c: {  	_ =	swait.ge @!p0 [sflag:s0], s1  }
0x8d: {  	s1 =	ssub.s32 @!p0 $0x0, s1;
	[sflag:s0] =	ssyncset.done @!p0 $0x0  }
0x8e: {  	[sflag:s0] =	ssyncadd.s32 @!p0 s1  }
0x8f: {  	[bflag:$0x3] =	sbarrier.arrive $0xFFFF  }
0x90: {  	_ =	shalt  }

// kernel: kernel.14.cloned.1.call-start
scs
__scs_entry_jumppad:
0x0: {  	(pc) =	sbr.rel $0x88, $3  }
0x1: {  	(tag) =	ssettag $0x0;
	lr =	simm.s32 $0x1  }
0x2: {  	[smem:$0x3F9B] =	sst lr;
	_ =	strace $0xD0000000  }
0x3: {  	_ = 	snop  }
0x4: {  	_ = 	snop  }
0x5: {  	_ = 	snop  }
0x6: {  	_ = 	snop  }
0x7: {  	_ = 	snop  }
__scs_overlays_trampoline_lowered:
0x8: {  	[smem:$0x3FAA] =	sst s0  }
0x9: {  	[smem:$0x3FAB] =	sst s1  }
0xa: {  	[smem:$0x3FAC] =	sst s2  }
0xb: {  	[smem:$0x3FAD] =	sst s3  }
0xc: {  	[smem:$0x3FAE] =	sst s4  }
0xd: {  	[smem:$0x3FAF] =	sst s5  }
0xe: {  	[smem:$0x3FB0] =	sst s6  }
0xf: {  	[smem:$0x3FB1] =	sst s7  }
0x10: {  	[smem:$0x3FB2] =	sst s8  }
0x11: {  	[smem:$0x3FB3] =	sst s9;
	s0 =	simm.s32 @!p0 $0x0  }
0x12: {  	s1 =	sld [smem:$0x3F99];
	s0 =	simm.s32 @p0 $0x1  }
0x13: {  	[smem:$0x3FB4] =	sst s0;
	s0 =	simm.s32 @!p1 $0x0  }
0x14: {  	s2 =	sld [smem:$0x3F98];
	s0 =	simm.s32 @p1 $0x1  }
0x15: {  	[smem:$0x3FB5] =	sst s0;
	s0 =	simm.s32 @!p2 $0x0  }
0x16: {  	s3 =	sld [smem:$0x3FDB];
	s0 =	simm.s32 @p2 $0x1  }
0x17: {  	s4 =	simm.s32 $0x1BF5;
	[smem:$0x3FB7] =	sst s0  }
0x18: {  	s0 =	sld [smem:$0x3F9A];
	_ =	swait.ge [sflag:s4], $0x0  }
0x19: {  	s7 =	sld [smem:$0x3F9B]  }
0x1a: {  	s8 =	sadd.s32 $0xFFFFE003, lr  }
0x1b: {  	s9 =	sadd.s32 $0xFFFFFEF7, lr;
	s5 =	simm.s32 $0xFFFFFFFF;
	p2 =	slt.u32 s8, $0xFFFFF086  }
0x1c: {  	p1 =	slt.u32 s9, $0xF7A;
	s5 =	simm.s32 @!p2 $0x0  }
0x1d: {  	s5 =	simm.s32 @p1 $0x1;
	p0 =	seq.s32 s7, s2  }
0x1e: {  	s7 =	smul.u32 @!p0 $0xF7A, s2;
	p2 =	seq.s32 @!p0 s5, $0x0  }
0x1f: {  	s9 =	smul.u32 $0xF7A, s1;
	s8 =	simm.s32 @!p0 $0x1BF5;
	p2 =	por !p2, p0  }
0x20: {  	[sflag:s8] =	ssyncset.s32 @!p0 $0xFFFFF086;
	s6 =	sadd.s32 @!p0 s3, s7;
	s7 =	simm.s32 @!p0 $0x108  }
0x21: {  	s3 =	sadd.s32 s3, s9;
	s6 =	sadd.s32 @!p0 $0x88, s6;
	s7 =	simm.s32 @p2 $0x1082  }
0x22: {  	[simem:s7], [sflag:s8] =	dma.local @!p0 [hbm:s6], $0xF7A  }
0x23: {  	s9 =	sor.u32 $0xD0000000, s2;
	s6 =	simm.s32 $0x108;
	_ =	swait.ge @!p0 [sflag:s8], $0x0  }
0x24: {  	s3 =	sadd.s32 $0x88, s3;
	s6 =	simm.s32 @!p1 $0x1082;
	[sflag:s4] =	ssyncset.s32 $0xFFFFF086  }
0x25: {  	[simem:s6], [sflag:s4] =	dma.local [hbm:s3], $0xF7A  }
0x26: {  	[smem:$0x3F9B] =	sst s1;
	(tag) =	ssettag s2;
	_ =	strace s9  }
0x27: {  	s1 =	sld [smem:$0x3FAB]  }
0x28: {  	s2 =	sld [smem:$0x3FAC]  }
0x29: {  	s4 =	sld [smem:$0x3FAE]  }
0x2a: {  	p0 =	seq.s32 s5, $0x0;
	s5 =	sld [smem:$0x3FAF]  }
0x2b: {  	s6 =	sld [smem:$0x3FB0]  }
0x2c: {  	s7 =	sld [smem:$0x3FB1]  }
0x2d: {  	s3 =	simm.s32 $0x108;
	s8 =	sld [smem:$0x3FB2]  }
0x2e: {  	s3 =	simm.s32 @!p0 $0x1082;
	s9 =	sld [smem:$0x3FB3]  }
0x2f: {  	lr =	sadd.s32 s0, s3;
	s0 =	sld [smem:$0x3FAA]  }
0x30: {  	s3 =	sld [smem:$0x3FAD]  }
0x31: {  	[smem:$0x3FB6] =	sst s10  }
0x32: {  	s10 =	sld [smem:$0x3FB4];
	_ =	sdelay $0x3  }
0x33: {  	p0 =	seq.s32 s10, $0x1;
	s10 =	sld [smem:$0x3FB6];
	_ =	sdelay $0x3  }
0x34: {  	[smem:$0x3FB6] =	sst s10  }
0x35: {  	s10 =	sld [smem:$0x3FB5];
	_ =	sdelay $0x3  }
0x36: {  	p1 =	seq.s32 s10, $0x1;
	s10 =	sld [smem:$0x3FB6];
	_ =	sdelay $0x3  }
0x37: {  	[smem:$0x3FB6] =	sst s10  }
0x38: {  	s10 =	sld [smem:$0x3FB7]  }
0x39: {  	_ = 	snop;
	(pc) =	sbr.ind lr, $3  }
0x3a: {  	_ = 	snop  }
0x3b: {  	_ = 	snop  }
0x3c: {  	p2 =	seq.s32 s10, $0x1;
	s10 =	sld [smem:$0x3FB6]  }
0x3d: {  	_ =	shalt  }
0x3e: {  	_ =	shalt  }
0x3f: {  	_ =	shalt  }
0x40: {  	_ =	shalt  }
0x41: {  	_ =	shalt  }
0x42: {  	_ =	shalt  }
0x43: {  	_ =	shalt  }
0x44: {  	_ =	shalt  }
0x45: {  	_ =	shalt  }
0x46: {  	_ =	shalt  }
0x47: {  	_ =	shalt  }
0x48: {  	_ =	shalt  }
0x49: {  	_ =	shalt  }
0x4a: {  	_ =	shalt  }
0x4b: {  	_ =	shalt  }
0x4c: {  	_ =	shalt  }
0x4d: {  	_ =	shalt  }
0x4e: {  	_ =	shalt  }
0x4f: {  	_ =	shalt  }
0x50: {  	_ =	shalt  }
0x51: {  	_ =	shalt  }
0x52: {  	_ =	shalt  }
0x53: {  	_ =	shalt  }
0x54: {  	_ =	shalt  }
0x55: {  	_ =	shalt  }
0x56: {  	_ =	shalt  }
0x57: {  	_ =	shalt  }
0x58: {  	_ =	shalt  }
0x59: {  	_ =	shalt  }
0x5a: {  	_ =	shalt  }
0x5b: {  	_ =	shalt  }
0x5c: {  	_ =	shalt  }
0x5d: {  	_ =	shalt  }
0x5e: {  	_ =	shalt  }
0x5f: {  	_ =	shalt  }
0x60: {  	_ =	shalt  }
0x61: {  	_ =	shalt  }
0x62: {  	_ =	shalt  }
0x63: {  	_ =	shalt  }
0x64: {  	_ =	shalt  }
0x65: {  	_ =	shalt  }
0x66: {  	_ =	shalt  }
0x67: {  	_ =	shalt  }
0x68: {  	_ =	shalt  }
0x69: {  	_ =	shalt  }
0x6a: {  	_ =	shalt  }
0x6b: {  	_ =	shalt  }
0x6c: {  	_ =	shalt  }
0x6d: {  	_ =	shalt  }
0x6e: {  	_ =	shalt  }
0x6f: {  	_ =	shalt  }
0x70: {  	_ =	shalt  }
0x71: {  	_ =	shalt  }
0x72: {  	_ =	shalt  }
0x73: {  	_ =	shalt  }
0x74: {  	_ =	shalt  }
0x75: {  	_ =	shalt  }
0x76: {  	_ =	shalt  }
0x77: {  	_ =	shalt  }
0x78: {  	_ =	shalt  }
0x79: {  	_ =	shalt  }
0x7a: {  	_ =	shalt  }
0x7b: {  	_ =	shalt  }
0x7c: {  	_ =	shalt  }
0x7d: {  	_ =	shalt  }
0x7e: {  	_ =	shalt  }
0x7f: {  	_ =	shalt  }
0x80: {  	_ =	shalt  }
0x81: {  	_ =	shalt  }
0x82: {  	_ =	shalt  }
0x83: {  	_ =	shalt  }
0x84: {  	_ =	shalt  }
0x85: {  	_ =	shalt  }
0x86: {  	_ =	shalt  }
0x87: {  	_ =	shalt  }
.Lfunc_end0:
.L_simem_size_0:
called_computation.2_lowered:
.L_overlay_start_0:
0x88: {  	s2 =	sld [smem:$0x3FD9]  }
0x89: {  	s3 =	sld [smem:$0x3FFE];
	_ =	sdelay $0x1  }
0x8a: {  	s1 =	srdreg.scid  }
0x8b: {  	s0 =	sand.u32 $0x1, s1  }
0x8c: {  	s17 =	sshll.u32 s0, $0xA;
	s2 =	sadd.s32 s3, s2  }
0x8d: {  	s2 =	sadd.s32 s2, s17  }
0x8e: {  	[smem:$0x3FC2] =	sst s2  }
0x8f: {  	_ = 	snop  }
0x90: {  	s2 =	sld [smem:$0x3FD0];
	(tm) =	ssettm $0x1  }
0x91: {  	s18 =	sld [smem:$0x3FFB];
	_ =	sdelay $0x3  }
0x92: {  	_ =	strace s18  }
0x93: {  	s3 =	sld [smem:$0x3FFC];
	_ =	sdelay $0x3  }
0x94: {  	_ =	strace s3  }
0x95: {  	s3 =	sld [smem:$0x3FFD];
	_ =	sdelay $0x3  }
0x96: {  	_ =	strace s3  }
0x97: {  	_ =	strace $0x8FFFFFFF  }
0x98: {  	s19 =	sld [smem:$0x3FDB];
	_ =	sdelay $0x1  }
0x99: {  	s4 =	simm.s32 $_scs_section_size  }
0x9a: {  	s5 =	simm.s32 $_size__tile_overlayer_lowered;
	s6 =	simm.s32 $_tile_overlayer_lowered  }
0x9b: {  	s22 =	simm.s32 $0x1BFF;
	s21 =	sshll.u32 s6, $0x1;
	s3 =	sadd.s32 s4, s19  }
0x9c: {  	s7 =	simm.s32 $0x0;
	s20 =	sshll.u32 s5, $0x1;
	s5 =	sadd.s32 s21, s3  }
0x9d: {  	[timem:s7], [sflag:s22] =	dma.local [hbm:s5], s20  }
0x9e: {  	_ =	swait.ge [sflag:s22], s20  }
0x9f: {  	s4 =	ssub.s32 $0x0, s20;
	[sflag:s22] =	ssyncset.done $0x0  }
0xa0: {  	[sflag:s22] =	ssyncadd.s32 s4;
	_ =	sdelay $0x1  }
0xa1: {  	s23 =	simm.s32 $0x1B8B  }
0xa2: {  	_ =	swait.ge [sflag:s23], $0x1  }
0xa3: {  	[sflag:s23] =	ssyncset.done $0x0  }
0xa4: {  	s25 =	simm.s32 $0x1B8E;
	s24 =	sld [smem:$0x3FFE];
	[sflag:s23] =	ssyncadd.s32 $0xFFFFFFFF  }
0xa5: {  	s26 =	simm.s32 $execute0_lowered;
	[smem:$0x3FD2] =	sst s25  }
0xa6: {  	s5 =	sshll.u32 s26, $0x1;
	_ =	strace $0x8000004C;
	[dreg:$0x1] =	wrdreg $0xFFFFFFFF  }
0xa7: {  	s28 =	simm.s32 $_size_execute0_lowered;
	s3 =	sadd.s32 s3, s5;
	[dreg:$0x0] =	wrdreg $0x0  }
0xa8: {  	s5 =	sshll.u32 s28, $0x1;
	[dreg:$0x2] =	wrdreg s3  }
0xa9: {  	[dreg:$0x3] =	wrdreg s5  }
0xaa: {  	[dreg:$0x4] =	wrdreg $0xC0  }
0xab: {  	_ =	task [dreg:s7], $0x5FFFF  }
0xac: {  	[dreg:$0x1] =	wrdreg $0xFFFFFFFF  }
0xad: {  	[dreg:$0x0] =	wrdreg $0x60  }
0xae: {  	[dreg:$0x2] =	wrdreg s2  }
0xaf: {  	[dreg:$0x3] =	wrdreg s24  }
0xb0: {  	[dreg:$0x4] =	wrdreg $0x9E200  }
0xb1: {  	[dreg:$0x5] =	wrdreg $0x9  }
0xb2: {  	_ =	task.clear_ibuf [dreg:s7], $0x6FFFF;
	_ =	strace $0x9000004C  }
0xb3: {  	s29 =	simm.s32 $0x9;
	_ =	strace $0x8000004E  }
0xb4: {  	_ =	swait.ge [sflag:s29], $0x1  }
0xb5: {  	[sflag:s29] =	ssyncadd.s32 $0xFFFFFFFF  }
0xb6: {  	_ =	strace $0x9000004E  }
0xb7: {  	_ =	sfence  }
0xb8: {  	s30 =	sld [smem:$0x0];
	_ =	sdelay $0x2  }
0xb9: {  	s31 =	sshll.u32 s1, $0xD;
	s1 =	sshrl.u32 s1, $0x2  }
0xba: {  	s3 =	sand.u32 $0x4000, s31;
	s1 =	sadd.s32 s1, s30  }
0xbb: {  	s0 =	sor.u32 s3, s0;
	s1 =	sshll.u32 s1, $0x11  }
0xbc: {  	s0 =	sor.u32 s1, s0  }
0xbd: {  	s0 =	sadd.s32 $0x8F2B, s0  }
0xbe: {  	[sflag:s0] =	ssyncadd.remote.s32 $0x1  }
0xbf: {  	_ =	sfence.sel $0xFFFF  }
0xc0: {  	[dreg:$0x0] =	wrdreg $0xFFFFFFFF;
	(pc) =	sbr.abs _section_cstart, $3  }
0xc1: {  	[dreg:$0x1] =	wrdreg $0xFFFFFFFF  }
0xc2: {  	_ =	task.clear_ibuf [dreg:s7], $0x2FFFF;
	_ =	strace $0x9FFFFFFF  }
0xc3: {  	(tm) =	ssettm $0x7FFFFFFF  }
tec
execute0_lowered:
.L_overlay_start_1:
0x0: {  	(tag) =	ssettag $0x1  }
0x1: {  	s1 =	rddreg [dreg:$0x0]  }
0x2: {  	s0 =	rddreg [dreg:$0x1]  }
0x3: {  	s3 =	rddreg [dreg:$0x2];
	s4 =	simm.s32 $0x0;
	s2 =	srdreg.scid  }
0x4: {  	s8 =	stileid.u32;
	s17 =	simm.s32 $0x9;
	s18 =	simm.s32 $0x2710  }
0x5: {  	s19 =	simm.s32 $0x4E20;
	s20 =	simm.s32 $0x50;
	s21 =	simm.s32 $0x6220  }
0x6: {  	s22 =	simm.s32 $0x1;
	s30 =	simm.s32 $0x6;
	s31 =	simm.s32 $0x7  }
0x7: {  	s2 =	sand.u32 $0x1, s2;
	s5 =	sshll.u32 s8, $0x1;
	s6 =	smul.u32 $0xA000, s8  }
0x8: {  	[smem:$0x7FF] =	sst s4;
	s8 =	smul.u32 $0x28000, s8;
	s5 =	sor.u32 s2, s5  }
0x9: {  	s7 =	smul.u32 $0xA0000, s2;
	_ =	strace $0x8000004D;
	s2 =	ssub.s32 $0x2, s2  }
0xa: {  	s5 =	smul.u32 $0x4E2, s5;
	s9 =	sshrl.u32 s2, $0x1;
	s23 =	sshrl.u32 s8, $0x2  }
0xb: {  	s7 =	sadd.s32 s6, s7;
	s2 =	ssub.s32 s2, s9;
	s25 =	sadd.s32 s23, s3  }
0xc: {  	s23 =	simm.s32 $0x0;
	s5 =	sadd.s32 s5, s0;
	s7 =	sshrl.u32 s7, $0x3  }
0xd: {  	s26 =	sadd.s32 $0x1400, s25;
	s28 =	sadd.s32 $0x2800, s25;
	s29 =	sadd.s32 $0x3C00, s25  }
0xe: {  	s11 =	sadd.s32 $0x5000, s25;
	s12 =	sadd.s32 $0x6400, s25;
	s13 =	sadd.s32 $0x7800, s25  }
0xf: {  	s14 =	sadd.s32 $0x8C00, s25;
	s16 =	smax.u32 s2, $0x1;
	[dreg:$0x6] =	wrdreg s26  }
0x10: {  	s25 =	simm.s32 $0x2;
	s2 =	simm.s32 $0x5;
	[dreg:$0x7] =	wrdreg s28  }
0x11: {  	s0 =	sadd.s32 s7, s0;
	s24 =	sadd.s32 $0xAC00, s5;
	[dreg:$0x8] =	wrdreg s29  }
0x12: {  	s5 =	sadd.s32 $0xE00, s5;
	s7 =	sadd.s32 s6, s3;
	[dreg:$0x4] =	wrdreg s24  }
0x13: {  	v0 =	vimm.f32 $0.0e+00;
	[dreg:$0x5] =	wrdreg s5;
	s15 =	sadd.s32 $0xB4A00, s0;
	s0 =	simm.s32 $0x8  }
.LBB2_1:
0x14: {  	s5 =	rddreg [dreg:$0x4]  }
0x15: {  	[tilespmem:s4], [sflag:$0x9] =	stream.linear.gather [hbm4b:s5+s4], $0x2710, $0x38;
	[tilespmem:$0x13E20] =	vst v63  }
0x16: {  	_ =	swait.ge [sflag:s17], $0x2710  }
0x17: {  	[sflag:s17] =	ssyncset.done $0x0  }
0x18: {  	s29 =	rddreg [dreg:$0x5];
	[sflag:s17] =	ssyncadd.s32 $0xFFFFD8F0  }
0x19: {  	[tilespmem:s18], [sflag:$0x9] =	stream.linear.gather [hbm4b:s29+s4], $0x2710, $0x38;
	[tilespmem:$0x13E20] =	vst v63  }
0x1a: {  	_ =	swait.ge [sflag:s17], $0x2710  }
0x1b: {  	[sflag:s17] =	ssyncset.done $0x0  }
0x1c: {  	s6 =	simm.s32 $0x100;
	s5 =	simm.s32 $0x0;
	[sflag:s17] =	ssyncadd.s32 $0xFFFFD8F0  }
.LBB2_2:
0x1d: {  	p0 =	sne.s32 s6, $0x4F00;
	[tilespmem:s5+$0x4E50] =	vst v0;
	s8 =	smov.u32 s6;
	s6 =	sadd.s32 $0x100, s6  }
.Ltmp0:
0x1e: {  	[tilespmem:s5+$0x4E40] =	vst v0;
	(pc) =	sbr.rel @p0 .LBB2_2-.Ltmp0, $3  }
0x1f: {  	[tilespmem:s5+$0x4E20] =	vst v0  }
0x20: {  	[tilespmem:s5+$0x4E30] =	vst v0;
	_ =	sdelay $0x1  }
0x21: {  	s5 =	sshra.s32 s8, $0x2  }
0x22: {  	[tilespmem:s5+$0x4E50] =	vst v0  }
0x23: {  	[tilespmem:s5+$0x4E40] =	vst v0  }
0x24: {  	[tilespmem:s5+$0x4E20] =	vst v0  }
0x25: {  	[tilespmem:s5+$0x4E30] =	vst v0  }
0x26: {  	[spmem:s7] =	stream.linear.scatter [tilespmem:s19], [sflag:$0x9], $0x1400, $0x38;
	[tilespmem:$0x13E20] =	vst v63  }
0x27: {  	_ =	swait.ge [sflag:s17], $0x1400  }
0x28: {  	[sflag:s17] =	ssyncset.done $0x0  }
0x29: {  	s8 =	rddreg [dreg:$0x6];
	[sflag:s17] =	ssyncadd.s32 $0xFFFFEC00  }
0x2a: {  	[spmem:s8] =	stream.linear.scatter [tilespmem:s19], [sflag:$0x9], $0x1400, $0x38;
	[tilespmem:$0x13E20] =	vst v63  }
0x2b: {  	_ =	swait.ge [sflag:s17], $0x1400  }
0x2c: {  	[sflag:s17] =	ssyncset.done $0x0  }
0x2d: {  	s9 =	rddreg [dreg:$0x7];
	[sflag:s17] =	ssyncadd.s32 $0xFFFFEC00  }
0x2e: {  	[spmem:s9] =	stream.linear.scatter [tilespmem:s19], [sflag:$0x9], $0x1400, $0x38;
	[tilespmem:$0x13E20] =	vst v63  }
0x2f: {  	_ =	swait.ge [sflag:s17], $0x1400  }
0x30: {  	[sflag:s17] =	ssyncset.done $0x0  }
0x31: {  	s10 =	rddreg [dreg:$0x8];
	[sflag:s17] =	ssyncadd.s32 $0xFFFFEC00  }
0x32: {  	[spmem:s10] =	stream.linear.scatter [tilespmem:s19], [sflag:$0x9], $0x1400, $0x38;
	[tilespmem:$0x13E20] =	vst v63  }
0x33: {  	_ =	swait.ge [sflag:s17], $0x1400  }
0x34: {  	[sflag:s17] =	ssyncset.done $0x0  }
0x35: {  	[sflag:s17] =	ssyncadd.s32 $0xFFFFEC00  }
0x36: {  	[spmem:s11] =	stream.linear.scatter [tilespmem:s19], [sflag:$0x9], $0x1400, $0x38;
	[tilespmem:$0x13E20] =	vst v63  }
0x37: {  	_ =	swait.ge [sflag:s17], $0x1400  }
0x38: {  	[sflag:s17] =	ssyncset.done $0x0  }
0x39: {  	[sflag:s17] =	ssyncadd.s32 $0xFFFFEC00  }
0x3a: {  	[spmem:s12] =	stream.linear.scatter [tilespmem:s19], [sflag:$0x9], $0x1400, $0x38;
	[tilespmem:$0x13E20] =	vst v63  }
0x3b: {  	_ =	swait.ge [sflag:s17], $0x1400  }
0x3c: {  	[sflag:s17] =	ssyncset.done $0x0  }
0x3d: {  	[sflag:s17] =	ssyncadd.s32 $0xFFFFEC00  }
0x3e: {  	[spmem:s13] =	stream.linear.scatter [tilespmem:s19], [sflag:$0x9], $0x1400, $0x38;
	[tilespmem:$0x13E20] =	vst v63  }
0x3f: {  	_ =	swait.ge [sflag:s17], $0x1400  }
0x40: {  	[sflag:s17] =	ssyncset.done $0x0  }
0x41: {  	[sflag:s17] =	ssyncadd.s32 $0xFFFFEC00  }
0x42: {  	[spmem:s14] =	stream.linear.scatter [tilespmem:s19], [sflag:$0x9], $0x1400, $0x38;
	[tilespmem:$0x13E20] =	vst v63  }
0x43: {  	_ =	swait.ge [sflag:s17], $0x1400  }
0x44: {  	[sflag:s17] =	ssyncset.done $0x0  }
0x45: {  	[sflag:s17] =	ssyncadd.s32 $0xFFFFEC00  }
0x46: {  	[bflag:$0x0] =	sbarrier.arrive $0xFFFF  }
0x47: {  	[tilespmem:s19], [sflag:$0x1] =	stream.indirect.gather [hbm4b:s1+s20], $0x40, s4, s20, $0xb8;
	[tilespmem:$0x13E20] =	vst v63  }
0x48: {  	_ = 	snop  }
0x49: {  	[tilespmem:s21], [sflag:$0x2] =	stream.indirect.gather [hbm4b:s1+s20], $0x40, s20, s20, $0xb8;
	[tilespmem:$0x13E20] =	vst v63  }
0x4a: {  	_ =	swait.ge [sflag:s22], $0x1400  }
0x4b: {  	[sflag:s22] =	ssyncset.done $0x0  }
0x4c: {  	[sflag:s22] =	ssyncadd.s32 $0xFFFFEC00  }
0x4d: {  	[spmem:s3] =	stream.indirect.scatter.add.f32 [tilespmem:s19], [sflag:$0x5], $0x40, s18, s20, $0xb8;
	[tilespmem:$0x13E20] =	vst v63  }
0x4e: {  	s24 =	simm.s32 $0xA0;
	s6 =	simm.s32 $0x7620  }
0x4f: {  	[tilespmem:s6], [sflag:$0x3] =	stream.indirect.gather [hbm4b:s1+s20], $0x40, s24, s20, $0xb8;
	[tilespmem:$0x13E20] =	vst v63  }
0x50: {  	s26 =	simm.s32 $0x2760;
	_ =	swait.ge [sflag:s25], $0x1400  }
0x51: {  	p0 =	por $0x0, $0x0;
	s9 =	simm.s32 $0x2;
	[sflag:s25] =	ssyncset.done $0x0  }
0x52: {  	s29 =	simm.s32 $0x140;
	s5 =	sand.u32 $0x3, s9;
	[sflag:s25] =	ssyncadd.s32 $0xFFFFEC00  }
0x53: {  	[spmem:s3] =	stream.indirect.scatter.add.f32 [tilespmem:s21], [sflag:$0x6], $0x40, s26, s20, $0xb8;
	[tilespmem:$0x13E20] =	vst v63  }
0x54: {  	s8 =	simm.s32 $0x8A20;
	s9 =	sadd.s32 $0x1, s5;
	s6 =	simm.s32 $0xF0  }
0x55: {  	[tilespmem:s8], [sflag:$0x4] =	stream.indirect.gather [hbm4b:s1+s20], $0x40, s6, s20, $0xb8;
	[tilespmem:$0x13E20] =	vst v63  }
0x56: {  	s28 =	sadd.s32 $0x5, s5;
	s24 =	simm.s32 $0x140;
	s8 =	smul.u32 $0x5000, s5  }
0x57: {  	s26 =	simm.s32 $0x27B0;
	s6 =	simm.s32 $0x4;
	_ =	swait.ge [sflag:s9], $0x1400  }
0x58: {  	s6 =	sand.u32 @!p0 $0x3, s6;
	s10 =	sshrl.u32 s8, $0x2;
	[sflag:s9] =	ssyncset.done $0x0  }
0x59: {  	s8 =	sadd.s32 $0x4E20, s10;
	[sflag:s9] =	ssyncadd.s32 $0xFFFFEC00;
	s9 =	smul.u32 @!p0 $0x5000, s6  }
0x5a: {  	[spmem:s3] =	stream.indirect.scatter.add.f32 [tilespmem:s8], [sflag:s28], $0x40, s26, s20, $0xb8;
	[tilespmem:$0x13E20] =	vst v63  }
0x5b: {  	s5 =	sadd.s32 @!p0 $0x5, s6;
	s6 =	sadd.s32 @!p0 $0x1, s6;
	s26 =	simm.s32 $0x5  }
0x5c: {  	s28 =	simm.s32 $0x2800;
	_ =	swait.ge @!p0 [sflag:s5], $0x1400;
	s8 =	sshrl.u32 @!p0 s9, $0x2  }
0x5d: {  	s9 =	simm.s32 @!p0 $0x50;
	[sflag:s5] =	ssyncset.done @!p0 $0x0;
	s8 =	sadd.s32 @!p0 $0x4E20, s8  }
.LBB2_4:
0x5e: {  	[sflag:s5] =	ssyncadd.s32 @!p0 $0xFFFFEC00  }
0x5f: {  	s24 =	sadd.s32 $0x50, s24;
	s5 =	smov.u32 s26;
	s26 =	sadd.s32 $0x1, s26  }
0x60: {  	[tilespmem:s8], [sflag:s6] =	stream.indirect.gather @!p0 [hbm4b:s1+s9], $0x40, s29, s9, $0xb8;
	[tilespmem:$0x13E20] =	vst v63  }
0x61: {  	s6 =	sadd.s32 $0xFFFFFFFE, s5;
	p1 =	sne.s32 s26, $0x7F;
	s29 =	smov.u32 s24  }
0x62: {  	s8 =	sand.u32 $0x3, s6  }
0x63: {  	s9 =	smul.u32 $0x5000, s8;
	s10 =	sadd.s32 $0x1, s8  }
0x64: {  	p0 =	sgt.u32 s6, $0x7A;
	s8 =	sadd.s32 $0x5, s8;
	_ =	swait.ge [sflag:s10], $0x1400  }
0x65: {  	s6 =	sand.u32 @!p0 $0x3, s5;
	s9 =	sshrl.u32 s9, $0x2;
	[sflag:s10] =	ssyncset.done $0x0  }
.Ltmp1:
0x66: {  	s9 =	sadd.s32 $0x4E20, s9;
	[sflag:s10] =	ssyncadd.s32 $0xFFFFEC00;
	(pc) =	sbr.rel @p1 .LBB2_4-.Ltmp1, $4  }
0x67: {  	s5 =	sadd.s32 @!p0 $0x5, s6;
	s10 =	smul.u32 @!p0 $0x5000, s6;
	s6 =	sadd.s32 @!p0 $0x1, s6  }
0x68: {  	[spmem:s3] =	stream.indirect.scatter.add.f32 [tilespmem:s9], [sflag:s8], $0x40, s28, s20, $0xb8;
	[tilespmem:$0x13E20] =	vst v63  }
0x69: {  	s8 =	sshrl.u32 @!p0 s10, $0x2;
	s28 =	sadd.s32 $0x50, s28;
	_ =	swait.ge @!p0 [sflag:s5], $0x1400  }
0x6a: {  	s9 =	simm.s32 @!p0 $0x50;
	s8 =	sadd.s32 @!p0 $0x4E20, s8;
	[sflag:s5] =	ssyncset.done @!p0 $0x0  }
0x6b: {  	[sflag:s5] =	ssyncadd.s32 @!p0 $0xFFFFEC00  }
0x6c: {  	[tilespmem:s8], [sflag:s6] =	stream.indirect.gather @!p0 [hbm4b:s1+s9], $0x40, s29, s9, $0xb8;
	[tilespmem:$0x13E20] =	vst v63  }
0x6d: {  	_ =	swait.ge [sflag:s30], $0x1400  }
0x6e: {  	[sflag:s30] =	ssyncset.done $0x0  }
0x6f: {  	[sflag:s30] =	ssyncadd.s32 $0xFFFFEC00  }
0x70: {  	_ =	swait.ge [sflag:s31], $0x1400  }
0x71: {  	[sflag:s31] =	ssyncset.done $0x0  }
0x72: {  	[sflag:s31] =	ssyncadd.s32 $0xFFFFEC00  }
0x73: {  	_ =	swait.ge [sflag:s0], $0x1400  }
0x74: {  	[sflag:s0] =	ssyncset.done $0x0  }
0x75: {  	[sflag:s0] =	ssyncadd.s32 $0xFFFFEC00  }
0x76: {  	s28 =	stileid.u32;
	_ =	swait.ge [sflag:s2], $0x1400  }
0x77: {  	s23 =	sadd.s32 $0x1, s23;
	s5 =	sshll.u32 s28, $0x6;
	[sflag:s2] =	ssyncset.done $0x0  }
0x78: {  	s29 =	sshrl.u32 s7, $0x3;
	p0 =	sne.s32 s23, s16;
	[sflag:s2] =	ssyncadd.s32 $0xFFFFEC00  }
.Ltmp2:
0x79: {  	s5 =	sor.u32 $0x1C09, s5;
	[bflag:$0x0] =	sbarrier.arrive $0xFFFF;
	(pc) =	sbr.rel @p0 .LBB2_1-.Ltmp2, $4  }
0x7a: {  	[hbm:s15], [sflag:s5] =	dma.local [spmem:s29], $0x1400  }
0x7b: {  	_ =	swait.ge [sflag:s17], $0x1400  }
0x7c: {  	[sflag:s17] =	ssyncset.done $0x0  }
0x7d: {  	[sflag:s17] =	ssyncadd.s32 $0xFFFFEC00  }
0x7e: {  	_ =	sfence.sel $0x180000  }
0x7f: {  	[bflag:$0x0] =	sbarrier.arrive $0xFFFF  }
0x80: {  	_ =	strace $0x9000004D  }
0x81: {  	s0 =	stileid.u32;
	[bflag:$0x2] =	sbarrier.arrive $0xFFFF  }
0x82: {  	p0 =	sne.s32 s0, $0x0;
	s0 =	rddreg [dreg:$0x3]  }
0x83: {  	s0 =	sadd.s32 @!p0 $0x100000, s0  }
0x84: {  	[sflag:s0] =	ssyncadd.tile.s32 @!p0 $0x1;
	_ =	shalt  }
.Lfunc_end2:
_tile_overlayer_lowered:
.L_overlay_start_2:
0x85: {  	(tag) =	ssettag $0x2  }
0x86: {  	s0 =	rddreg [dreg:$0x0];
	s2 =	stileid.u32  }
0x87: {  	s1 =	rddreg [dreg:$0x1];
	p0 =	sne.s32 s2, $0x0  }
0x88: {  	s3 =	rddreg [dreg:$0x2];
	[bflag:$0x3] =	sbarrier.arrive $0xFFFF;
	s2 =	simm.s32 @!p0 $0x1C09  }
0x89: {  	[timem:s3], [sflag:s2] =	dma.local @!p0 [hbm:s0], s1  }
0x8a: {  	s0 =	simm.s32 @!p0 $0x9  }
0x8b: {  	_ =	swait.ge @!p0 [sflag:s0], s1  }
0x8c: {  	s1 =	ssub.s32 @!p0 $0x0, s1;
	[sflag:s0] =	ssyncset.done @!p0 $0x0  }
0x8d: {  	[sflag:s0] =	ssyncadd.s32 @!p0 s1  }
0x8e: {  	[bflag:$0x3] =	sbarrier.arrive $0xFFFF  }
0x8f: {  	_ =	shalt  }

// kernel: kernel.8.cloned.1.call-start
scs
__scs_entry_jumppad:
0x0: {  	(pc) =	sbr.rel $0x88, $3  }
0x1: {  	(tag) =	ssettag $0x0;
	lr =	simm.s32 $0x1  }
0x2: {  	[smem:$0x3F9B] =	sst lr;
	_ =	strace $0xD0000000  }
0x3: {  	_ = 	snop  }
0x4: {  	_ = 	snop  }
0x5: {  	_ = 	snop  }
0x6: {  	_ = 	snop  }
0x7: {  	_ = 	snop  }
__scs_overlays_trampoline_lowered:
0x8: {  	[smem:$0x3FAA] =	sst s0  }
0x9: {  	[smem:$0x3FAB] =	sst s1  }
0xa: {  	[smem:$0x3FAC] =	sst s2  }
0xb: {  	[smem:$0x3FAD] =	sst s3  }
0xc: {  	[smem:$0x3FAE] =	sst s4  }
0xd: {  	[smem:$0x3FAF] =	sst s5  }
0xe: {  	[smem:$0x3FB0] =	sst s6  }
0xf: {  	[smem:$0x3FB1] =	sst s7  }
0x10: {  	[smem:$0x3FB2] =	sst s8  }
0x11: {  	[smem:$0x3FB3] =	sst s9;
	s0 =	simm.s32 @!p0 $0x0  }
0x12: {  	s1 =	sld [smem:$0x3F99];
	s0 =	simm.s32 @p0 $0x1  }
0x13: {  	[smem:$0x3FB4] =	sst s0;
	s0 =	simm.s32 @!p1 $0x0  }
0x14: {  	s2 =	sld [smem:$0x3F98];
	s0 =	simm.s32 @p1 $0x1  }
0x15: {  	[smem:$0x3FB5] =	sst s0;
	s0 =	simm.s32 @!p2 $0x0  }
0x16: {  	s3 =	sld [smem:$0x3FDB];
	s0 =	simm.s32 @p2 $0x1  }
0x17: {  	s4 =	simm.s32 $0x1BF5;
	[smem:$0x3FB7] =	sst s0  }
0x18: {  	s0 =	sld [smem:$0x3F9A];
	_ =	swait.ge [sflag:s4], $0x0  }
0x19: {  	s7 =	sld [smem:$0x3F9B]  }
0x1a: {  	s8 =	sadd.s32 $0xFFFFE003, lr  }
0x1b: {  	s9 =	sadd.s32 $0xFFFFFEF7, lr;
	s5 =	simm.s32 $0xFFFFFFFF;
	p2 =	slt.u32 s8, $0xFFFFF086  }
0x1c: {  	p1 =	slt.u32 s9, $0xF7A;
	s5 =	simm.s32 @!p2 $0x0  }
0x1d: {  	s5 =	simm.s32 @p1 $0x1;
	p0 =	seq.s32 s7, s2  }
0x1e: {  	s7 =	smul.u32 @!p0 $0xF7A, s2;
	p2 =	seq.s32 @!p0 s5, $0x0  }
0x1f: {  	s9 =	smul.u32 $0xF7A, s1;
	s8 =	simm.s32 @!p0 $0x1BF5;
	p2 =	por !p2, p0  }
0x20: {  	[sflag:s8] =	ssyncset.s32 @!p0 $0xFFFFF086;
	s6 =	sadd.s32 @!p0 s3, s7;
	s7 =	simm.s32 @!p0 $0x108  }
0x21: {  	s3 =	sadd.s32 s3, s9;
	s6 =	sadd.s32 @!p0 $0x88, s6;
	s7 =	simm.s32 @p2 $0x1082  }
0x22: {  	[simem:s7], [sflag:s8] =	dma.local @!p0 [hbm:s6], $0xF7A  }
0x23: {  	s9 =	sor.u32 $0xD0000000, s2;
	s6 =	simm.s32 $0x108;
	_ =	swait.ge @!p0 [sflag:s8], $0x0  }
0x24: {  	s3 =	sadd.s32 $0x88, s3;
	s6 =	simm.s32 @!p1 $0x1082;
	[sflag:s4] =	ssyncset.s32 $0xFFFFF086  }
0x25: {  	[simem:s6], [sflag:s4] =	dma.local [hbm:s3], $0xF7A  }
0x26: {  	[smem:$0x3F9B] =	sst s1;
	(tag) =	ssettag s2;
	_ =	strace s9  }
0x27: {  	s1 =	sld [smem:$0x3FAB]  }
0x28: {  	s2 =	sld [smem:$0x3FAC]  }
0x29: {  	s4 =	sld [smem:$0x3FAE]  }
0x2a: {  	p0 =	seq.s32 s5, $0x0;
	s5 =	sld [smem:$0x3FAF]  }
0x2b: {  	s6 =	sld [smem:$0x3FB0]  }
0x2c: {  	s7 =	sld [smem:$0x3FB1]  }
0x2d: {  	s3 =	simm.s32 $0x108;
	s8 =	sld [smem:$0x3FB2]  }
0x2e: {  	s3 =	simm.s32 @!p0 $0x1082;
	s9 =	sld [smem:$0x3FB3]  }
0x2f: {  	lr =	sadd.s32 s0, s3;
	s0 =	sld [smem:$0x3FAA]  }
0x30: {  	s3 =	sld [smem:$0x3FAD]  }
0x31: {  	[smem:$0x3FB6] =	sst s10  }
0x32: {  	s10 =	sld [smem:$0x3FB4];
	_ =	sdelay $0x3  }
0x33: {  	p0 =	seq.s32 s10, $0x1;
	s10 =	sld [smem:$0x3FB6];
	_ =	sdelay $0x3  }
0x34: {  	[smem:$0x3FB6] =	sst s10  }
0x35: {  	s10 =	sld [smem:$0x3FB5];
	_ =	sdelay $0x3  }
0x36: {  	p1 =	seq.s32 s10, $0x1;
	s10 =	sld [smem:$0x3FB6];
	_ =	sdelay $0x3  }
0x37: {  	[smem:$0x3FB6] =	sst s10  }
0x38: {  	s10 =	sld [smem:$0x3FB7]  }
0x39: {  	_ = 	snop;
	(pc) =	sbr.ind lr, $3  }
0x3a: {  	_ = 	snop  }
0x3b: {  	_ = 	snop  }
0x3c: {  	p2 =	seq.s32 s10, $0x1;
	s10 =	sld [smem:$0x3FB6]  }
0x3d: {  	_ =	shalt  }
0x3e: {  	_ =	shalt  }
0x3f: {  	_ =	shalt  }
0x40: {  	_ =	shalt  }
0x41: {  	_ =	shalt  }
0x42: {  	_ =	shalt  }
0x43: {  	_ =	shalt  }
0x44: {  	_ =	shalt  }
0x45: {  	_ =	shalt  }
0x46: {  	_ =	shalt  }
0x47: {  	_ =	shalt  }
0x48: {  	_ =	shalt  }
0x49: {  	_ =	shalt  }
0x4a: {  	_ =	shalt  }
0x4b: {  	_ =	shalt  }
0x4c: {  	_ =	shalt  }
0x4d: {  	_ =	shalt  }
0x4e: {  	_ =	shalt  }
0x4f: {  	_ =	shalt  }
0x50: {  	_ =	shalt  }
0x51: {  	_ =	shalt  }
0x52: {  	_ =	shalt  }
0x53: {  	_ =	shalt  }
0x54: {  	_ =	shalt  }
0x55: {  	_ =	shalt  }
0x56: {  	_ =	shalt  }
0x57: {  	_ =	shalt  }
0x58: {  	_ =	shalt  }
0x59: {  	_ =	shalt  }
0x5a: {  	_ =	shalt  }
0x5b: {  	_ =	shalt  }
0x5c: {  	_ =	shalt  }
0x5d: {  	_ =	shalt  }
0x5e: {  	_ =	shalt  }
0x5f: {  	_ =	shalt  }
0x60: {  	_ =	shalt  }
0x61: {  	_ =	shalt  }
0x62: {  	_ =	shalt  }
0x63: {  	_ =	shalt  }
0x64: {  	_ =	shalt  }
0x65: {  	_ =	shalt  }
0x66: {  	_ =	shalt  }
0x67: {  	_ =	shalt  }
0x68: {  	_ =	shalt  }
0x69: {  	_ =	shalt  }
0x6a: {  	_ =	shalt  }
0x6b: {  	_ =	shalt  }
0x6c: {  	_ =	shalt  }
0x6d: {  	_ =	shalt  }
0x6e: {  	_ =	shalt  }
0x6f: {  	_ =	shalt  }
0x70: {  	_ =	shalt  }
0x71: {  	_ =	shalt  }
0x72: {  	_ =	shalt  }
0x73: {  	_ =	shalt  }
0x74: {  	_ =	shalt  }
0x75: {  	_ =	shalt  }
0x76: {  	_ =	shalt  }
0x77: {  	_ =	shalt  }
0x78: {  	_ =	shalt  }
0x79: {  	_ =	shalt  }
0x7a: {  	_ =	shalt  }
0x7b: {  	_ =	shalt  }
0x7c: {  	_ =	shalt  }
0x7d: {  	_ =	shalt  }
0x7e: {  	_ =	shalt  }
0x7f: {  	_ =	shalt  }
0x80: {  	_ =	shalt  }
0x81: {  	_ =	shalt  }
0x82: {  	_ =	shalt  }
0x83: {  	_ =	shalt  }
0x84: {  	_ =	shalt  }
0x85: {  	_ =	shalt  }
0x86: {  	_ =	shalt  }
0x87: {  	_ =	shalt  }
.Lfunc_end0:
.L_simem_size_0:
called_computation_lowered:
.L_overlay_start_0:
0x88: {  	s2 =	sld [smem:$0x3FD9]  }
0x89: {  	s3 =	sld [smem:$0x3FFE];
	_ =	sdelay $0x1  }
0x8a: {  	s1 =	srdreg.scid  }
0x8b: {  	s0 =	sand.u32 $0x1, s1  }
0x8c: {  	s17 =	sshll.u32 s0, $0xA;
	s2 =	sadd.s32 s3, s2  }
0x8d: {  	s2 =	sadd.s32 s2, s17  }
0x8e: {  	[smem:$0x3FC2] =	sst s2  }
0x8f: {  	_ = 	snop  }
0x90: {  	s2 =	sld [smem:$0x3FD0];
	(tm) =	ssettm $0x1  }
0x91: {  	s18 =	sld [smem:$0x3FFB];
	_ =	sdelay $0x3  }
0x92: {  	_ =	strace s18  }
0x93: {  	s3 =	sld [smem:$0x3FFC];
	_ =	sdelay $0x3  }
0x94: {  	_ =	strace s3  }
0x95: {  	s3 =	sld [smem:$0x3FFD];
	_ =	sdelay $0x3  }
0x96: {  	_ =	strace s3  }
0x97: {  	_ =	strace $0x8FFFFFFF  }
0x98: {  	s19 =	sld [smem:$0x3FDB];
	_ =	sdelay $0x1  }
0x99: {  	s4 =	simm.s32 $_scs_section_size  }
0x9a: {  	s5 =	simm.s32 $_size__tile_overlayer_lowered;
	s6 =	simm.s32 $_tile_overlayer_lowered  }
0x9b: {  	s22 =	simm.s32 $0x1BFF;
	s21 =	sshll.u32 s6, $0x1;
	s3 =	sadd.s32 s4, s19  }
0x9c: {  	s7 =	simm.s32 $0x0;
	s20 =	sshll.u32 s5, $0x1;
	s5 =	sadd.s32 s21, s3  }
0x9d: {  	[timem:s7], [sflag:s22] =	dma.local [hbm:s5], s20  }
0x9e: {  	_ =	swait.ge [sflag:s22], s20  }
0x9f: {  	s4 =	ssub.s32 $0x0, s20;
	[sflag:s22] =	ssyncset.done $0x0  }
0xa0: {  	[sflag:s22] =	ssyncadd.s32 s4;
	_ =	sdelay $0x1  }
0xa1: {  	s23 =	simm.s32 $0x1B8B  }
0xa2: {  	_ =	swait.ge [sflag:s23], $0x1  }
0xa3: {  	[sflag:s23] =	ssyncset.done $0x0  }
0xa4: {  	s25 =	simm.s32 $0x1B8E;
	s24 =	sld [smem:$0x3FFE];
	[sflag:s23] =	ssyncadd.s32 $0xFFFFFFFF  }
0xa5: {  	s26 =	simm.s32 $execute0_lowered;
	[smem:$0x3FD2] =	sst s25  }
0xa6: {  	s5 =	sshll.u32 s26, $0x1;
	_ =	strace $0x80000046;
	[dreg:$0x1] =	wrdreg $0xFFFFFFFF  }
0xa7: {  	s28 =	simm.s32 $_size_execute0_lowered;
	s3 =	sadd.s32 s3, s5;
	[dreg:$0x0] =	wrdreg $0x0  }
0xa8: {  	s5 =	sshll.u32 s28, $0x1;
	[dreg:$0x2] =	wrdreg s3  }
0xa9: {  	[dreg:$0x3] =	wrdreg s5  }
0xaa: {  	[dreg:$0x4] =	wrdreg $0xC0  }
0xab: {  	_ =	task [dreg:s7], $0x5FFFF  }
0xac: {  	[dreg:$0x1] =	wrdreg $0xFFFFFFFF  }
0xad: {  	[dreg:$0x0] =	wrdreg $0x60  }
0xae: {  	[dreg:$0x2] =	wrdreg s24  }
0xaf: {  	[dreg:$0x3] =	wrdreg s2  }
0xb0: {  	[dreg:$0x4] =	wrdreg $0x50F00  }
0xb1: {  	[dreg:$0x5] =	wrdreg $0x53700  }
0xb2: {  	[dreg:$0x6] =	wrdreg $0x9  }
0xb3: {  	_ =	task.clear_ibuf [dreg:s7], $0x7FFFF;
	_ =	strace $0x90000046  }
0xb4: {  	s29 =	simm.s32 $0x9;
	_ =	strace $0x80000048  }
0xb5: {  	_ =	swait.ge [sflag:s29], $0x1  }
0xb6: {  	[sflag:s29] =	ssyncadd.s32 $0xFFFFFFFF  }
0xb7: {  	_ =	strace $0x90000048  }
0xb8: {  	_ =	sfence  }
0xb9: {  	s30 =	sld [smem:$0x0];
	_ =	sdelay $0x2  }
0xba: {  	s31 =	sshll.u32 s1, $0xD;
	s1 =	sshrl.u32 s1, $0x2  }
0xbb: {  	s3 =	sand.u32 $0x4000, s31;
	s1 =	sadd.s32 s1, s30  }
0xbc: {  	s0 =	sor.u32 s3, s0;
	s1 =	sshll.u32 s1, $0x11  }
0xbd: {  	s0 =	sor.u32 s1, s0  }
0xbe: {  	s0 =	sadd.s32 $0x8F2B, s0  }
0xbf: {  	[sflag:s0] =	ssyncadd.remote.s32 $0x1  }
0xc0: {  	_ =	sfence.sel $0xFFFF  }
0xc1: {  	[dreg:$0x0] =	wrdreg $0xFFFFFFFF;
	(pc) =	sbr.abs _section_cstart, $3  }
0xc2: {  	[dreg:$0x1] =	wrdreg $0xFFFFFFFF  }
0xc3: {  	_ =	task.clear_ibuf [dreg:s7], $0x2FFFF;
	_ =	strace $0x9FFFFFFF  }
0xc4: {  	(tm) =	ssettm $0x7FFFFFFF  }
0xc5: {  	_ =	shalt  }
tec
execute0_lowered:
.L_overlay_start_1:
0x0: {  	(tag) =	ssettag $0x1  }
0x1: {  	s5 =	rddreg [dreg:$0x0]  }
0x2: {  	s1 =	srdreg.scid;
	s8 =	rddreg [dreg:$0x1]  }
0x3: {  	s0 =	stileid.u32;
	s2 =	rddreg [dreg:$0x2]  }
0x4: {  	s3 =	rddreg [dreg:$0x3];
	s4 =	simm.s32 $0x0;
	s12 =	simm.s32 $0x2  }
0x5: {  	s13 =	simm.s32 $0x4E70;
	s14 =	simm.s32 $0x50;
	s15 =	simm.s32 $0x4E20  }
0x6: {  	s16 =	simm.s32 $0x1;
	s19 =	simm.s32 $0x0;
	s6 =	sand.u32 $0x1, s1  }
0x7: {  	s30 =	sshll.u32 s0, $0x1;
	s9 =	smul.u32 $0x280, s0;
	[smem:$0x7FF] =	sst s4  }
0x8: {  	s17 =	sshll.u32 s0, $0x6;
	s1 =	sor.u32 s6, s30;
	s10 =	smul.u32 $0x5000, s6  }
0x9: {  	s6 =	ssub.s32 $0x2, s6;
	s17 =	sor.u32 $0x1C02, s17;
	s7 =	smul.u32 $0x4E2, s1  }
0xa: {  	s1 =	rddreg [dreg:$0x4];
	_ =	strace $0x80000047;
	s31 =	sshrl.u32 s6, $0x1  }
0xb: {  	s10 =	sadd.s32 s9, s10;
	s11 =	ssub.s32 s6, s31;
	s7 =	sadd.s32 s7, s5  }
0xc: {  	s10 =	sshrl.u32 s10, $0x3;
	s11 =	smax.u32 s11, $0x1;
	s5 =	sadd.s32 $0xAC00, s7  }
0xd: {  	s6 =	sadd.s32 $0xE00, s7;
	s7 =	sadd.s32 s9, s2;
	s8 =	sadd.s32 s8, s10  }
0xe: {  	v0 =	vimm.f32 $1.000000000e+00;
	v1 =	vimm.f32 $0.0e+00;
	s9 =	sadd.s32 s9, s3;
	s10 =	sadd.s32 $0x500, s8;
	s18 =	sshrl.u32 s7, $0x3  }
.LBB2_1:
0xf: {  	[tilespmem:$0x4E20] =	vst v0  }
0x10: {  	[tilespmem:$0x4E30] =	vst v0  }
0x11: {  	[tilespmem:$0x4E40] =	vst v0  }
0x12: {  	[tilespmem:$0x4E50] =	vst v0  }
0x13: {  	[tilespmem:$0x4E60] =	vst v0  }
0x14: {  	[tilespmem:$0x4E70] =	vst v1  }
0x15: {  	[tilespmem:$0x4E80] =	vst v1  }
0x16: {  	[tilespmem:$0x4E90] =	vst v1  }
0x17: {  	[tilespmem:$0x4EA0] =	vst v1  }
0x18: {  	[tilespmem:$0x4EB0] =	vst v1  }
0x19: {  	[tilespmem:$0x4EC0] =	vst v1  }
0x1a: {  	[tilespmem:$0x4ED0] =	vst v1  }
0x1b: {  	[tilespmem:$0x4EE0] =	vst v1  }
0x1c: {  	[tilespmem:$0x4EF0] =	vst v1  }
0x1d: {  	[tilespmem:$0x4F00] =	vst v1  }
0x1e: {  	[tilespmem:$0x4F10] =	vst v1  }
0x1f: {  	[tilespmem:$0x4F20] =	vst v1  }
0x20: {  	[tilespmem:$0x4F30] =	vst v1  }
0x21: {  	[tilespmem:$0x4F40] =	vst v1  }
0x22: {  	[tilespmem:$0x4F50] =	vst v1  }
0x23: {  	[tilespmem:$0x4F60] =	vst v1  }
0x24: {  	[tilespmem:$0x4F70] =	vst v1  }
0x25: {  	[tilespmem:$0x4F80] =	vst v1  }
0x26: {  	[tilespmem:$0x4F90] =	vst v1  }
0x27: {  	[tilespmem:$0x4FA0] =	vst v1  }
0x28: {  	[tilespmem:$0x4FB0] =	vst v1  }
0x29: {  	[tilespmem:$0x4FC0] =	vst v1  }
0x2a: {  	[tilespmem:$0x4FD0] =	vst v1  }
0x2b: {  	[tilespmem:$0x4FE0] =	vst v1  }
0x2c: {  	[tilespmem:$0x4FF0] =	vst v1  }
0x2d: {  	[tilespmem:$0x5000] =	vst v1  }
0x2e: {  	[tilespmem:$0x5010] =	vst v1  }
0x2f: {  	[tilespmem:$0x5020] =	vst v1  }
0x30: {  	[tilespmem:$0x5030] =	vst v1  }
0x31: {  	[tilespmem:$0x5040] =	vst v1  }
0x32: {  	[tilespmem:$0x5050] =	vst v1  }
0x33: {  	[tilespmem:$0x5060] =	vst v1  }
0x34: {  	[tilespmem:$0x5070] =	vst v1  }
0x35: {  	[tilespmem:$0x5080] =	vst v1  }
0x36: {  	[tilespmem:$0x5090] =	vst v1  }
0x37: {  	[tilespmem:$0x50A0] =	vst v1  }
0x38: {  	[tilespmem:$0x50B0] =	vst v1  }
0x39: {  	[tilespmem:$0x50C0] =	vst v1  }
0x3a: {  	[tilespmem:$0x50D0] =	vst v1  }
0x3b: {  	[tilespmem:$0x50E0] =	vst v1  }
0x3c: {  	[tilespmem:s4], [sflag:$0x2] =	stream.linear.gather [hbm4b:s5+s4], $0x2710, $0x38;
	[tilespmem:$0x55F0] =	vst v63  }
0x3d: {  	_ =	swait.ge [sflag:s12], $0x2710  }
0x3e: {  	[sflag:s12] =	ssyncset.done $0x0  }
0x3f: {  	s20 =	simm.s32 $0x2710;
	[sflag:s12] =	ssyncadd.s32 $0xFFFFD8F0  }
0x40: {  	[tilespmem:s20], [sflag:$0x2] =	stream.linear.gather [hbm4b:s6+s4], $0x2710, $0x38;
	[tilespmem:$0x55F0] =	vst v63  }
0x41: {  	_ =	swait.ge [sflag:s12], $0x2710  }
0x42: {  	[sflag:s12] =	ssyncset.done $0x0  }
0x43: {  	[sflag:s12] =	ssyncadd.s32 $0xFFFFD8F0  }
0x44: {  	[spmem:s7] =	stream.linear.scatter [tilespmem:s13], [sflag:$0x2], $0x280, $0x38;
	[tilespmem:$0x55F0] =	vst v63  }
0x45: {  	_ =	swait.ge [sflag:s12], $0x280  }
0x46: {  	[sflag:s12] =	ssyncset.done $0x0  }
0x47: {  	[sflag:s12] =	ssyncadd.s32 $0xFFFFFD80  }
0x48: {  	[spmem:s9] =	stream.linear.scatter [tilespmem:s13], [sflag:$0x2], $0x280, $0x38;
	[tilespmem:$0x55F0] =	vst v63  }
0x49: {  	_ =	swait.ge [sflag:s12], $0x280  }
0x4a: {  	[sflag:s12] =	ssyncset.done $0x0  }
0x4b: {  	[sflag:s12] =	ssyncadd.s32 $0xFFFFFD80  }
0x4c: {  	p0 =	por $0x1, $0x1;
	[bflag:$0x0] =	sbarrier.arrive $0xFFFF  }
0x4d: {  	[spmem:s2] =	stream.indirect.scatter.add.f32 [tilespmem:s15], [sflag:$0x1], $0x1, s4, s14, $0xb8;
	[tilespmem:$0x55F0] =	vst v63  }
0x4e: {  	s22 =	simm.s32 @!p0 $0x1  }
0x4f: {  	[spmem:s3] =	stream.indirect.scatter.add.f32 [tilespmem:s15], [sflag:$0x1], $0x1, s20, s14, $0xb8;
	[tilespmem:$0x55F0] =	vst v63  }
0x50: {  	_ =	swait.ge @!p0 [sflag:s22], $0x50  }
0x51: {  	[sflag:s22] =	ssyncset.done @!p0 $0x0  }
0x52: {  	[sflag:s22] =	ssyncadd.s32 @!p0 $0xFFFFFFB0  }
0x53: {  	s21 =	simm.s32 $0x1;
	s23 =	simm.s32 $0x50;
	_ =	swait.ge @!p0 [sflag:s22], $0x50  }
.LBB2_2:
0x54: {  	[sflag:s22] =	ssyncset.done @!p0 $0x0  }
0x55: {  	s20 =	sadd.s32 $0x50, s20;
	s24 =	smov.u32 s21;
	s21 =	sadd.s32 $0x1, s21  }
0x56: {  	p1 =	sne.s32 s21, $0x7D;
	[sflag:s22] =	ssyncadd.s32 @!p0 $0xFFFFFFB0  }
0x57: {  	[spmem:s2] =	stream.indirect.scatter.add.f32 [tilespmem:s15], [sflag:$0x1], $0x1, s23, s14, $0xb8;
	[tilespmem:$0x55F0] =	vst v63  }
0x58: {  	p0 =	slt.u32 s24, $0x8  }
0x59: {  	[spmem:s3] =	stream.indirect.scatter.add.f32 [tilespmem:s15], [sflag:$0x1], $0x1, s20, s14, $0xb8;
	[tilespmem:$0x55F0] =	vst v63  }
.Ltmp0:
0x5a: {  	s22 =	simm.s32 @!p0 $0x1;
	(pc) =	sbr.rel @p1 .LBB2_2-.Ltmp0, $4  }
0x5b: {  	_ =	swait.ge @!p0 [sflag:s22], $0x50  }
0x5c: {  	[sflag:s22] =	ssyncset.done @!p0 $0x0  }
0x5d: {  	[sflag:s22] =	ssyncadd.s32 @!p0 $0xFFFFFFB0  }
0x5e: {  	s23 =	sadd.s32 $0x50, s23;
	_ =	swait.ge @!p0 [sflag:s22], $0x50  }
0x5f: {  	[sflag:s22] =	ssyncset.done @!p0 $0x0  }
0x60: {  	[sflag:s22] =	ssyncadd.s32 @!p0 $0xFFFFFFB0  }
0x61: {  	_ =	swait.ge [sflag:s16], $0x50  }
0x62: {  	[sflag:s16] =	ssyncset.done $0x0  }
0x63: {  	[sflag:s16] =	ssyncadd.s32 $0xFFFFFFB0  }
0x64: {  	_ =	swait.ge [sflag:s16], $0x50  }
0x65: {  	[sflag:s16] =	ssyncset.done $0x0  }
0x66: {  	[sflag:s16] =	ssyncadd.s32 $0xFFFFFFB0  }
0x67: {  	_ =	swait.ge [sflag:s16], $0x50  }
0x68: {  	[sflag:s16] =	ssyncset.done $0x0  }
0x69: {  	[sflag:s16] =	ssyncadd.s32 $0xFFFFFFB0  }
0x6a: {  	_ =	swait.ge [sflag:s16], $0x50  }
0x6b: {  	[sflag:s16] =	ssyncset.done $0x0  }
0x6c: {  	[sflag:s16] =	ssyncadd.s32 $0xFFFFFFB0  }
0x6d: {  	_ =	swait.ge [sflag:s16], $0x50  }
0x6e: {  	[sflag:s16] =	ssyncset.done $0x0  }
0x6f: {  	[sflag:s16] =	ssyncadd.s32 $0xFFFFFFB0  }
0x70: {  	_ =	swait.ge [sflag:s16], $0x50  }
0x71: {  	[sflag:s16] =	ssyncset.done $0x0  }
0x72: {  	[sflag:s16] =	ssyncadd.s32 $0xFFFFFFB0  }
0x73: {  	_ =	swait.ge [sflag:s16], $0x50  }
0x74: {  	[sflag:s16] =	ssyncset.done $0x0  }
0x75: {  	[sflag:s16] =	ssyncadd.s32 $0xFFFFFFB0  }
0x76: {  	_ =	swait.ge [sflag:s16], $0x50  }
0x77: {  	[sflag:s16] =	ssyncset.done $0x0  }
0x78: {  	[sflag:s16] =	ssyncadd.s32 $0xFFFFFFB0  }
0x79: {  	_ =	swait.ge [sflag:s16], $0x50  }
0x7a: {  	[sflag:s16] =	ssyncset.done $0x0  }
0x7b: {  	[sflag:s16] =	ssyncadd.s32 $0xFFFFFFB0  }
0x7c: {  	_ =	swait.ge [sflag:s16], $0x50  }
0x7d: {  	[sflag:s16] =	ssyncset.done $0x0  }
0x7e: {  	[sflag:s16] =	ssyncadd.s32 $0xFFFFFFB0  }
0x7f: {  	_ =	swait.ge [sflag:s16], $0x50  }
0x80: {  	[sflag:s16] =	ssyncset.done $0x0  }
0x81: {  	[sflag:s16] =	ssyncadd.s32 $0xFFFFFFB0  }
0x82: {  	_ =	swait.ge [sflag:s16], $0x50  }
0x83: {  	[sflag:s16] =	ssyncset.done $0x0  }
0x84: {  	[sflag:s16] =	ssyncadd.s32 $0xFFFFFFB0  }
0x85: {  	_ =	swait.ge [sflag:s16], $0x50  }
0x86: {  	[sflag:s16] =	ssyncset.done $0x0  }
0x87: {  	[sflag:s16] =	ssyncadd.s32 $0xFFFFFFB0  }
0x88: {  	_ =	swait.ge [sflag:s16], $0x50  }
0x89: {  	[sflag:s16] =	ssyncset.done $0x0  }
0x8a: {  	[sflag:s16] =	ssyncadd.s32 $0xFFFFFFB0  }
0x8b: {  	_ =	swait.ge [sflag:s16], $0x50  }
0x8c: {  	[sflag:s16] =	ssyncset.done $0x0  }
0x8d: {  	[sflag:s16] =	ssyncadd.s32 $0xFFFFFFB0  }
0x8e: {  	_ =	swait.ge [sflag:s16], $0x50  }
0x8f: {  	[sflag:s16] =	ssyncset.done $0x0  }
0x90: {  	[sflag:s16] =	ssyncadd.s32 $0xFFFFFFB0  }
0x91: {  	[bflag:$0x0] =	sbarrier.arrive $0xFFFF  }
0x92: {  	[hbm:s8], [sflag:s17] =	dma.local [spmem:s18], $0x50  }
0x93: {  	s19 =	sadd.s32 $0x1, s19;
	_ =	swait.ge [sflag:s12], $0x50  }
0x94: {  	p0 =	sne.s32 s19, s11;
	[sflag:s12] =	ssyncset.done $0x0  }
.Ltmp1:
0x95: {  	s20 =	sshrl.u32 s9, $0x3;
	[sflag:s12] =	ssyncadd.s32 $0xFFFFFFB0;
	(pc) =	sbr.rel @p0 .LBB2_1-.Ltmp1, $4  }
0x96: {  	[hbm:s10], [sflag:s17] =	dma.local [spmem:s20], $0x50  }
0x97: {  	_ =	swait.ge [sflag:s12], $0x50  }
0x98: {  	[sflag:s12] =	ssyncset.done $0x0  }
0x99: {  	[sflag:s12] =	ssyncadd.s32 $0xFFFFFFB0  }
0x9a: {  	_ =	sfence.sel $0x180000  }
0x9b: {  	[bflag:$0x0] =	sbarrier.arrive $0xFFFF  }
0x9c: {  	p0 =	sne.s32 s0, $0x0;
	_ =	strace $0x90000047  }
0x9d: {  	s0 =	sadd.s32 @!p0 $0x100000, s1;
	[bflag:$0x2] =	sbarrier.arrive $0xFFFF  }
0x9e: {  	[sflag:s0] =	ssyncadd.tile.s32 @!p0 $0x1;
	_ =	shalt  }
.Lfunc_end2:
_tile_overlayer_lowered:
.L_overlay_start_2:
0x9f: {  	(tag) =	ssettag $0x2  }
0xa0: {  	s0 =	rddreg [dreg:$0x0];
	s2 =	stileid.u32  }
0xa1: {  	s1 =	rddreg [dreg:$0x1];
	p0 =	sne.s32 s2, $0x0  }
0xa2: {  	s3 =	rddreg [dreg:$0x2];
	[bflag:$0x3] =	sbarrier.arrive $0xFFFF;
	s2 =	simm.s32 @!p0 $0x1C02  }
0xa3: {  	[timem:s3], [sflag:s2] =	dma.local @!p0 [hbm:s0], s1  }
0xa4: {  	s0 =	simm.s32 @!p0 $0x2  }
0xa5: {  	_ =	swait.ge @!p0 [sflag:s0], s1  }
0xa6: {  	s1 =	ssub.s32 @!p0 $0x0, s1;
	[sflag:s0] =	ssyncset.done @!p0 $0x0  }
0xa7: {  	[sflag:s0] =	ssyncadd.s32 @!p0 s1  }
0xa8: {  	[bflag:$0x3] =	sbarrier.arrive $0xFFFF  }
0xa9: {  	_ =	shalt  }

</sc_bundles>
